<compile_context>
chip_gen: v7x
topology: tpu7x:2x2x1
jax: 0.10.2.dev20260603
libtpu: 0.0.44.dev20260713+nightly
codegen_flags: <defaults>
</compile_context>

<pallas_src>
import jax
import jax.numpy as jnp
from jax import lax
from jax.experimental import pallas as pl
from jax.experimental.pallas import tpu as pltpu
from jax.experimental.pallas import tpu_sc as plsc

N_OBS = 800_000
N_CAM = 1000
N_PTS = 200_000
NW = 32
CHUNK = 1280
N_CHUNKS = N_OBS // CHUNK
ITERS = -(-N_CHUNKS // NW)
STEPS = CHUNK // 16
IDX_SUB = 128
N_SUB = CHUNK // IDX_SUB
ROWS_A = 12504
ROWS_LAST = N_PTS - 15 * ROWS_A


def _body(p2d_hbm, cidx_hbm, pidx_hbm, cam_hbm,
          px_hbm, py_hbm, pz_hbm, out_hbm, *scr):
    px_sh, py_sh, pz_sh, cam_tab, s2_tab = scr[0:5]
    slots = [scr[5 + 9 * b:5 + 9 * (b + 1)] for b in range(2)]
    sems = scr[23:29]

    c = lax.axis_index("c")
    s = lax.axis_index("s")
    wid = s * 2 + c

    pltpu.sync_copy(cam_hbm, cam_tab)

    @pl.when(s < 15)
    def _():
        pltpu.sync_copy(px_hbm.at[pl.ds(s * ROWS_A, ROWS_A)],
                        px_sh.at[pl.ds(s * ROWS_A, ROWS_A)])
        pltpu.sync_copy(py_hbm.at[pl.ds(s * ROWS_A, ROWS_A)],
                        py_sh.at[pl.ds(s * ROWS_A, ROWS_A)])
        pltpu.sync_copy(pz_hbm.at[pl.ds(s * ROWS_A, ROWS_A)],
                        pz_sh.at[pl.ds(s * ROWS_A, ROWS_A)])

    @pl.when(s == 15)
    def _():
        pltpu.sync_copy(px_hbm.at[pl.ds(15 * ROWS_A, ROWS_LAST)],
                        px_sh.at[pl.ds(15 * ROWS_A, ROWS_LAST)])
        pltpu.sync_copy(py_hbm.at[pl.ds(15 * ROWS_A, ROWS_LAST)],
                        py_sh.at[pl.ds(15 * ROWS_A, ROWS_LAST)])
        pltpu.sync_copy(pz_hbm.at[pl.ds(15 * ROWS_A, ROWS_LAST)],
                        pz_sh.at[pl.ds(15 * ROWS_A, ROWS_LAST)])

    plsc.subcore_barrier()

    @plsc.parallel_loop(0, (N_CAM + 15) // 16, 1)
    def _init_s2(i):
        sl = pl.ds(i * 16, 16)
        qw = cam_tab[sl]
        qx = cam_tab[pl.ds(N_CAM + i * 16, 16)]
        qy = cam_tab[pl.ds(2 * N_CAM + i * 16, 16)]
        qz = cam_tab[pl.ds(3 * N_CAM + i * 16, 16)]
        s2_tab[sl] = 2.0 / (qw * qw + qx * qx + qy * qy + qz * qz)

    cam_off = [jnp.full((16,), j * N_CAM, jnp.int32) for j in range(10)]

    def issue_linear(cid, b):
        base = cid * CHUNK
        S = slots[b]
        sem = sems[3 * b]
        pltpu.async_copy(cidx_hbm.at[pl.ds(base, CHUNK)], S[0], sem)
        pltpu.async_copy(pidx_hbm.at[pl.ds(base, CHUNK)], S[1], sem)
        pltpu.async_copy(p2d_hbm.at[pl.ds(base, CHUNK)], S[2], sem)
        pltpu.async_copy(p2d_hbm.at[pl.ds(N_OBS + base, CHUNK)], S[3], sem)

    def wait_linear(b):
        S = slots[b]
        sem = sems[3 * b]
        pltpu.make_async_copy(cidx_hbm.at[pl.ds(0, CHUNK)], S[0], sem).wait()
        pltpu.make_async_copy(pidx_hbm.at[pl.ds(0, CHUNK)], S[1], sem).wait()
        pltpu.make_async_copy(p2d_hbm.at[pl.ds(0, CHUNK)], S[2], sem).wait()
        pltpu.make_async_copy(p2d_hbm.at[pl.ds(0, CHUNK)], S[3], sem).wait()

    def issue_gathers(b):
        S = slots[b]
        sem = sems[3 * b + 1]
        for j in range(N_SUB):
            ids = S[1].at[pl.ds(j * IDX_SUB, IDX_SUB)]
            dst = pl.ds(j * IDX_SUB, IDX_SUB)
            pltpu.async_copy(px_sh.at[ids], S[4].at[dst], sem)
            pltpu.async_copy(py_sh.at[ids], S[5].at[dst], sem)
            pltpu.async_copy(pz_sh.at[ids], S[6].at[dst], sem)

    def wait_gathers(b):
        S = slots[b]
        sem = sems[3 * b + 1]
        for j in range(N_SUB):
            ids = S[1].at[pl.ds(j * IDX_SUB, IDX_SUB)]
            dst = pl.ds(j * IDX_SUB, IDX_SUB)
            pltpu.make_async_copy(px_sh.at[ids], S[4].at[dst], sem).wait()
            pltpu.make_async_copy(py_sh.at[ids], S[5].at[dst], sem).wait()
            pltpu.make_async_copy(pz_sh.at[ids], S[6].at[dst], sem).wait()

    def issue_out(cid, b):
        base = cid * CHUNK
        S = slots[b]
        sem = sems[3 * b + 2]
        pltpu.async_copy(S[7], out_hbm.at[pl.ds(base, CHUNK)], sem)
        pltpu.async_copy(S[8], out_hbm.at[pl.ds(N_OBS + base, CHUNK)], sem)

    def wait_out(b):
        S = slots[b]
        sem = sems[3 * b + 2]
        pltpu.make_async_copy(S[7], out_hbm.at[pl.ds(0, CHUNK)], sem).wait()
        pltpu.make_async_copy(S[8], out_hbm.at[pl.ds(0, CHUNK)], sem).wait()

    def compute(b):
        _, _, u2_v, v2_v, pxv, pyv, pzv, ou_v, ov_v = slots[b][:9]
        cidx_v = slots[b][0]

        @plsc.parallel_loop(0, STEPS, 1, unroll=1)
        def step(i):
            sl = pl.ds(i * 16, 16)
            ci = cidx_v[sl]
            qw = plsc.load_gather(cam_tab, [ci + cam_off[0]])
            qx = plsc.load_gather(cam_tab, [ci + cam_off[1]])
            qy = plsc.load_gather(cam_tab, [ci + cam_off[2]])
            qz = plsc.load_gather(cam_tab, [ci + cam_off[3]])
            trx = plsc.load_gather(cam_tab, [ci + cam_off[4]])
            try_ = plsc.load_gather(cam_tab, [ci + cam_off[5]])
            trz = plsc.load_gather(cam_tab, [ci + cam_off[6]])
            f = plsc.load_gather(cam_tab, [ci + cam_off[7]])
            k1 = plsc.load_gather(cam_tab, [ci + cam_off[8]])
            k2 = plsc.load_gather(cam_tab, [ci + cam_off[9]])
            px = pxv[sl]
            py = pyv[sl]
            pz = pzv[sl]

            s2 = plsc.load_gather(s2_tab, [ci])
            tx = qy * pz - qz * py + qw * px
            ty = qz * px - qx * pz + qw * py
            tz = qx * py - qy * px + qw * pz
            rx = px + s2 * (qy * tz - qz * ty) + trx
            ry = py + s2 * (qz * tx - qx * tz) + try_
            rz = pz + s2 * (qx * ty - qy * tx) + trz
            inv_rz = -1.0 / rz
            u = rx * inv_rz
            v = ry * inv_rz
            n = u * u + v * v
            r = 1.0 + k1 * n + k2 * n * n
            fr = f * r
            ou_v[sl] = u * fr - u2_v[sl]
            ov_v[sl] = v * fr - v2_v[sl]

    issue_linear(wid, 0)
    wait_linear(0)
    issue_gathers(0)
    issue_linear(wid + NW, 1)

    def outer(j, carry):
        for b in range(2):
            k = j * 2 + b
            cid = wid + k * NW

            @pl.when(cid + NW < N_CHUNKS)
            def _():
                wait_linear(1 - b)
                issue_gathers(1 - b)

            @pl.when(cid < N_CHUNKS)
            def _():
                wait_gathers(b)

                @pl.when(cid >= 2 * NW)
                def _():
                    wait_out(b)

                compute(b)
                issue_out(cid, b)

            @pl.when(cid + 2 * NW < N_CHUNKS)
            def _():
                issue_linear(cid + 2 * NW, b)

        return carry

    lax.fori_loop(0, ITERS // 2, outer, 0)

    wait_out(0)
    wait_out(1)


_mesh = plsc.VectorSubcoreMesh(core_axis_name="c", subcore_axis_name="s")

_slot_bufs = [
    pltpu.VMEM((CHUNK,), jnp.int32),
    pltpu.VMEM((CHUNK,), jnp.int32),
    pltpu.VMEM((CHUNK,), jnp.float32),
    pltpu.VMEM((CHUNK,), jnp.float32),
    pltpu.VMEM((CHUNK,), jnp.float32),
    pltpu.VMEM((CHUNK,), jnp.float32),
    pltpu.VMEM((CHUNK,), jnp.float32),
    pltpu.VMEM((CHUNK,), jnp.float32),
    pltpu.VMEM((CHUNK,), jnp.float32),
]

_proj = pl.kernel(
    _body,
    out_type=jax.ShapeDtypeStruct((2 * N_OBS,), jnp.float32),
    mesh=_mesh,
    scratch_types=(
        [
            pltpu.VMEM_SHARED((N_PTS,), jnp.float32),
            pltpu.VMEM_SHARED((N_PTS,), jnp.float32),
            pltpu.VMEM_SHARED((N_PTS,), jnp.float32),
            pltpu.VMEM((10 * N_CAM,), jnp.float32),
            pltpu.VMEM((16 * ((N_CAM + 15) // 16),), jnp.float32),
        ]
        + _slot_bufs + _slot_bufs
        + [pltpu.SemaphoreType.DMA] * 6
    ),
    compiler_params=pltpu.CompilerParams(
        needs_layout_passes=False, use_tc_tiling_on_sc=False),
)


def kernel(points_2d, camera_indices, point_indices, camera_params, points_3d):
    p2d_flat = points_2d.T.reshape(-1)
    ci = camera_indices.astype(jnp.int32)
    pi = point_indices.astype(jnp.int32)
    cam_t = camera_params.T.reshape(-1)
    px = points_3d[:, 0]
    py = points_3d[:, 1]
    pz = points_3d[:, 2]
    out_flat = _proj(p2d_flat, ci, pi, cam_t, px, py, pz)
    return out_flat.reshape(2, N_OBS).T

# --- scband reference (transcript-rebuilt; emitter-appended) ---
"""Pipeline reference for scband-reproj-30399778521134 (READ-ONLY COPY).

The authoritative reference and input builder live on the scoring server;
editing this copy changes nothing except your own understanding.
"""

import jax, jax.numpy as jnp
import numpy as np


def project(points, camera_params):
    # quaternion rotation: camera_params[..., :4] = (w, x, y, z)
    q = camera_params[..., :4]
    q = q / jnp.linalg.norm(q, axis=-1, keepdims=True)
    w = q[..., :1]
    qv = q[..., 1:4]
    t = jnp.cross(qv, points) + w * points
    points_proj = points + 2.0 * jnp.cross(qv, t)
    # translation is params 4:7 (part of the 7-dim SE3 block)
    points_proj = points_proj + camera_params[..., 4:7]
    # perspective divide
    points_proj = -points_proj[..., :2] / points_proj[..., 2:3]
    f = camera_params[..., -3][..., None]
    k1 = camera_params[..., -2][..., None]
    k2 = camera_params[..., -1][..., None]
    n = jnp.sum(points_proj ** 2, axis=-1, keepdims=True)
    r = 1.0 + k1 * n + k2 * n ** 2
    points_proj = points_proj * r * f
    return points_proj


def setup_inputs(seed: int = 0) -> dict:
    key = jax.random.key(seed)
    k1, k2, k3, k4, k5 = jax.random.split(key, 5)
    n_cameras = 1000
    n_points = 200000
    n_obs = 800000
    # camera params: quat near identity, translation with +z offset so depth > 0,
    # focal near 1, small distortion
    cp = 0.05 * jax.random.normal(k1, (n_cameras, 10), dtype=jnp.float32)
    cp = cp.at[:, 0].add(1.0)   # quat w ~ 1
    cp = cp.at[:, 6].add(5.0)   # t_z ~ 5 (points safely in front of camera)
    cp = cp.at[:, 7].add(1.0)   # f ~ 1
    points_3d = jax.random.normal(k2, (n_points, 3), dtype=jnp.float32)
    points_2d = jax.random.normal(k3, (n_obs, 2), dtype=jnp.float32)
    camera_indices = jax.random.randint(k4, (n_obs,), 0, n_cameras, dtype=jnp.int64 if jax.config.jax_enable_x64 else jnp.int32)
    point_indices = jax.random.randint(k5, (n_obs,), 0, n_points, dtype=jnp.int64 if jax.config.jax_enable_x64 else jnp.int32)
    return {
        "points_2d": points_2d,
        "camera_indices": camera_indices,
        "point_indices": point_indices,
        "camera_params": cp,
        "points_3d": points_3d,
    }


def reference(points_2d, camera_indices, point_indices, camera_params, points_3d):
    points_proj = project(
        jnp.take(points_3d, point_indices, axis=0),
        jnp.take(camera_params, camera_indices, axis=0),
    )
    loss = points_proj - points_2d
    return loss

if __name__ == "__main__":
    import jax
    _d = setup_inputs()
    print(jax.jit(kernel)(*tuple(_d.values())))

</pallas_src>

<mosaic_0001>
#map = affine_map<(d0, d1) -> (0)>
module attributes {stable_mosaic.version = 14 : i64} {
  func.func @_body(%arg0: i32, %arg1: i32, %arg2: memref<1600000xf32, #tpu.memory_space<hbm>>, %arg3: memref<800000xi32, #tpu.memory_space<hbm>>, %arg4: memref<800000xi32, #tpu.memory_space<hbm>>, %arg5: memref<10000xf32, #tpu.memory_space<hbm>>, %arg6: memref<200000xf32, #tpu.memory_space<hbm>>, %arg7: memref<200000xf32, #tpu.memory_space<hbm>>, %arg8: memref<200000xf32, #tpu.memory_space<hbm>>, %arg9: memref<1600000xf32, #tpu.memory_space<hbm>>, %arg10: memref<200000xf32, #tpu.memory_space<vmem_shared>>, %arg11: memref<200000xf32, #tpu.memory_space<vmem_shared>>, %arg12: memref<200000xf32, #tpu.memory_space<vmem_shared>>, %arg13: memref<10000xf32, #tpu.memory_space<vmem>>, %arg14: memref<1008xf32, #tpu.memory_space<vmem>>, %arg15: memref<1280xi32, #tpu.memory_space<vmem>>, %arg16: memref<1280xi32, #tpu.memory_space<vmem>>, %arg17: memref<1280xf32, #tpu.memory_space<vmem>>, %arg18: memref<1280xf32, #tpu.memory_space<vmem>>, %arg19: memref<1280xf32, #tpu.memory_space<vmem>>, %arg20: memref<1280xf32, #tpu.memory_space<vmem>>, %arg21: memref<1280xf32, #tpu.memory_space<vmem>>, %arg22: memref<1280xf32, #tpu.memory_space<vmem>>, %arg23: memref<1280xf32, #tpu.memory_space<vmem>>, %arg24: memref<1280xi32, #tpu.memory_space<vmem>>, %arg25: memref<1280xi32, #tpu.memory_space<vmem>>, %arg26: memref<1280xf32, #tpu.memory_space<vmem>>, %arg27: memref<1280xf32, #tpu.memory_space<vmem>>, %arg28: memref<1280xf32, #tpu.memory_space<vmem>>, %arg29: memref<1280xf32, #tpu.memory_space<vmem>>, %arg30: memref<1280xf32, #tpu.memory_space<vmem>>, %arg31: memref<1280xf32, #tpu.memory_space<vmem>>, %arg32: memref<1280xf32, #tpu.memory_space<vmem>>, %arg33: memref<!tpu.dma_semaphore, #tpu.memory_space<semaphore_mem>>, %arg34: memref<!tpu.dma_semaphore, #tpu.memory_space<semaphore_mem>>, %arg35: memref<!tpu.dma_semaphore, #tpu.memory_space<semaphore_mem>>, %arg36: memref<!tpu.dma_semaphore, #tpu.memory_space<semaphore_mem>>, %arg37: memref<!tpu.dma_semaphore, #tpu.memory_space<semaphore_mem>>, %arg38: memref<!tpu.dma_semaphore, #tpu.memory_space<semaphore_mem>>) attributes {dimension_semantics = [#tpu.dimension_semantics<core_parallel>, #tpu.dimension_semantics<subcore_parallel>], iteration_bounds = array<i64: 2, 16>, scalar_prefetch = 0 : i64, scratch_operands = 29 : i64, tpu.core_type = #tpu.core_type<sc_vector_subcore>, window_params = [{transform_indices = #map}, {transform_indices = #map}, {transform_indices = #map}, {transform_indices = #map}, {transform_indices = #map}, {transform_indices = #map}, {transform_indices = #map}, {transform_indices = #map}]} {
    %mul3A = arith.constant 2 : i32
    %mul3A_0 = arith.muli %arg1, %mul3A : i32
    %add3A = arith.addi %mul3A_0, %arg0 : i32
    "tpu.region"() ({
      %run_scoped3A = tpu.sem_alloc : memref<!tpu.dma_semaphore, #tpu.memory_space<semaphore_mem>>
      tpu.enqueue_dma source(%arg5 : memref<10000xf32, #tpu.memory_space<hbm>>) target(%arg13 : memref<10000xf32, #tpu.memory_space<vmem>>) target_semaphore(%run_scoped3A : memref<!tpu.dma_semaphore, #tpu.memory_space<semaphore_mem>>)
      tpu.wait_dma2 semaphore(%run_scoped3A : memref<!tpu.dma_semaphore, #tpu.memory_space<semaphore_mem>>) src(%arg5 : memref<10000xf32, #tpu.memory_space<hbm>>) dst(%arg13 : memref<10000xf32, #tpu.memory_space<vmem>>)
      tpu.yield
    }) : () -> ()
    %lt3A = arith.constant 15 : i32
    %lt3A_1 = arith.cmpi slt, %arg1, %lt3A : i32
    %convert_element_type3A = arith.extui %lt3A_1 : i1 to i32
    %cond3A = arith.constant 0 : i32
    %cond3A_2 = arith.cmpi ne, %convert_element_type3A, %cond3A : i32
    scf.if %cond3A_2 {
      %mul3A_269 = arith.constant 12504 : i32
      %mul3A_270 = arith.muli %arg1, %mul3A_269 : i32
      %mul3A_271 = arith.constant 12504 : i32
      %mul3A_272 = arith.muli %arg1, %mul3A_271 : i32
      "tpu.region"() ({
        %run_scoped3A = tpu.sem_alloc : memref<!tpu.dma_semaphore, #tpu.memory_space<semaphore_mem>>
        %dma_start3A_281 = tpu.memref_slice %arg10[%mul3A_272] : memref<200000xf32, #tpu.memory_space<vmem_shared>> -> memref<12504xf32, #tpu.memory_space<vmem_shared>>
        %dma_start3A_282 = tpu.memref_slice %arg6[%mul3A_270] : memref<200000xf32, #tpu.memory_space<hbm>> -> memref<12504xf32, #tpu.memory_space<hbm>>
        tpu.enqueue_dma source(%dma_start3A_282 : memref<12504xf32, #tpu.memory_space<hbm>>) target(%dma_start3A_281 : memref<12504xf32, #tpu.memory_space<vmem_shared>>) target_semaphore(%run_scoped3A : memref<!tpu.dma_semaphore, #tpu.memory_space<semaphore_mem>>)
        %dma_wait3A_283 = tpu.memref_slice %arg10[%mul3A_272] : memref<200000xf32, #tpu.memory_space<vmem_shared>> -> memref<12504xf32, #tpu.memory_space<vmem_shared>>
        %dma_wait3A_284 = tpu.memref_slice %arg6[%mul3A_270] : memref<200000xf32, #tpu.memory_space<hbm>> -> memref<12504xf32, #tpu.memory_space<hbm>>
        tpu.wait_dma2 semaphore(%run_scoped3A : memref<!tpu.dma_semaphore, #tpu.memory_space<semaphore_mem>>) src(%dma_wait3A_284 : memref<12504xf32, #tpu.memory_space<hbm>>) dst(%dma_wait3A_283 : memref<12504xf32, #tpu.memory_space<vmem_shared>>)
        tpu.yield
      }) : () -> ()
      %mul3A_273 = arith.constant 12504 : i32
      %mul3A_274 = arith.muli %arg1, %mul3A_273 : i32
      %mul3A_275 = arith.constant 12504 : i32
      %mul3A_276 = arith.muli %arg1, %mul3A_275 : i32
      "tpu.region"() ({
        %run_scoped3A = tpu.sem_alloc : memref<!tpu.dma_semaphore, #tpu.memory_space<semaphore_mem>>
        %dma_start3A_281 = tpu.memref_slice %arg11[%mul3A_276] : memref<200000xf32, #tpu.memory_space<vmem_shared>> -> memref<12504xf32, #tpu.memory_space<vmem_shared>>
        %dma_start3A_282 = tpu.memref_slice %arg7[%mul3A_274] : memref<200000xf32, #tpu.memory_space<hbm>> -> memref<12504xf32, #tpu.memory_space<hbm>>
        tpu.enqueue_dma source(%dma_start3A_282 : memref<12504xf32, #tpu.memory_space<hbm>>) target(%dma_start3A_281 : memref<12504xf32, #tpu.memory_space<vmem_shared>>) target_semaphore(%run_scoped3A : memref<!tpu.dma_semaphore, #tpu.memory_space<semaphore_mem>>)
        %dma_wait3A_283 = tpu.memref_slice %arg11[%mul3A_276] : memref<200000xf32, #tpu.memory_space<vmem_shared>> -> memref<12504xf32, #tpu.memory_space<vmem_shared>>
        %dma_wait3A_284 = tpu.memref_slice %arg7[%mul3A_274] : memref<200000xf32, #tpu.memory_space<hbm>> -> memref<12504xf32, #tpu.memory_space<hbm>>
        tpu.wait_dma2 semaphore(%run_scoped3A : memref<!tpu.dma_semaphore, #tpu.memory_space<semaphore_mem>>) src(%dma_wait3A_284 : memref<12504xf32, #tpu.memory_space<hbm>>) dst(%dma_wait3A_283 : memref<12504xf32, #tpu.memory_space<vmem_shared>>)
        tpu.yield
      }) : () -> ()
      %mul3A_277 = arith.constant 12504 : i32
      %mul3A_278 = arith.muli %arg1, %mul3A_277 : i32
      %mul3A_279 = arith.constant 12504 : i32
      %mul3A_280 = arith.muli %arg1, %mul3A_279 : i32
      "tpu.region"() ({
        %run_scoped3A = tpu.sem_alloc : memref<!tpu.dma_semaphore, #tpu.memory_space<semaphore_mem>>
        %dma_start3A_281 = tpu.memref_slice %arg12[%mul3A_280] : memref<200000xf32, #tpu.memory_space<vmem_shared>> -> memref<12504xf32, #tpu.memory_space<vmem_shared>>
        %dma_start3A_282 = tpu.memref_slice %arg8[%mul3A_278] : memref<200000xf32, #tpu.memory_space<hbm>> -> memref<12504xf32, #tpu.memory_space<hbm>>
        tpu.enqueue_dma source(%dma_start3A_282 : memref<12504xf32, #tpu.memory_space<hbm>>) target(%dma_start3A_281 : memref<12504xf32, #tpu.memory_space<vmem_shared>>) target_semaphore(%run_scoped3A : memref<!tpu.dma_semaphore, #tpu.memory_space<semaphore_mem>>)
        %dma_wait3A_283 = tpu.memref_slice %arg12[%mul3A_280] : memref<200000xf32, #tpu.memory_space<vmem_shared>> -> memref<12504xf32, #tpu.memory_space<vmem_shared>>
        %dma_wait3A_284 = tpu.memref_slice %arg8[%mul3A_278] : memref<200000xf32, #tpu.memory_space<hbm>> -> memref<12504xf32, #tpu.memory_space<hbm>>
        tpu.wait_dma2 semaphore(%run_scoped3A : memref<!tpu.dma_semaphore, #tpu.memory_space<semaphore_mem>>) src(%dma_wait3A_284 : memref<12504xf32, #tpu.memory_space<hbm>>) dst(%dma_wait3A_283 : memref<12504xf32, #tpu.memory_space<vmem_shared>>)
        tpu.yield
      }) : () -> ()
    } else {
    }
    %eq3A = arith.constant 15 : i32
    %eq3A_3 = arith.cmpi eq, %arg1, %eq3A : i32
    %convert_element_type3A_4 = arith.extui %eq3A_3 : i1 to i32
    %cond3A_5 = arith.constant 0 : i32
    %cond3A_6 = arith.cmpi ne, %convert_element_type3A_4, %cond3A_5 : i32
    scf.if %cond3A_6 {
      "tpu.region"() ({
        %run_scoped3A = tpu.sem_alloc : memref<!tpu.dma_semaphore, #tpu.memory_space<semaphore_mem>>
        %dma_start3A_269 = arith.constant 187560 : i32
        %dma_start3A_270 = tpu.memref_slice %arg10[%dma_start3A_269] : memref<200000xf32, #tpu.memory_space<vmem_shared>> -> memref<12440xf32, #tpu.memory_space<vmem_shared>>
        %dma_start3A_271 = arith.constant 187560 : i32
        %dma_start3A_272 = tpu.memref_slice %arg6[%dma_start3A_271] : memref<200000xf32, #tpu.memory_space<hbm>> -> memref<12440xf32, #tpu.memory_space<hbm>>
        tpu.enqueue_dma source(%dma_start3A_272 : memref<12440xf32, #tpu.memory_space<hbm>>) target(%dma_start3A_270 : memref<12440xf32, #tpu.memory_space<vmem_shared>>) target_semaphore(%run_scoped3A : memref<!tpu.dma_semaphore, #tpu.memory_space<semaphore_mem>>)
        %dma_wait3A_273 = arith.constant 187560 : i32
        %dma_wait3A_274 = tpu.memref_slice %arg10[%dma_wait3A_273] : memref<200000xf32, #tpu.memory_space<vmem_shared>> -> memref<12440xf32, #tpu.memory_space<vmem_shared>>
        %dma_wait3A_275 = arith.constant 187560 : i32
        %dma_wait3A_276 = tpu.memref_slice %arg6[%dma_wait3A_275] : memref<200000xf32, #tpu.memory_space<hbm>> -> memref<12440xf32, #tpu.memory_space<hbm>>
        tpu.wait_dma2 semaphore(%run_scoped3A : memref<!tpu.dma_semaphore, #tpu.memory_space<semaphore_mem>>) src(%dma_wait3A_276 : memref<12440xf32, #tpu.memory_space<hbm>>) dst(%dma_wait3A_274 : memref<12440xf32, #tpu.memory_space<vmem_shared>>)
        tpu.yield
      }) : () -> ()
      "tpu.region"() ({
        %run_scoped3A = tpu.sem_alloc : memref<!tpu.dma_semaphore, #tpu.memory_space<semaphore_mem>>
        %dma_start3A_269 = arith.constant 187560 : i32
        %dma_start3A_270 = tpu.memref_slice %arg11[%dma_start3A_269] : memref<200000xf32, #tpu.memory_space<vmem_shared>> -> memref<12440xf32, #tpu.memory_space<vmem_shared>>
        %dma_start3A_271 = arith.constant 187560 : i32
        %dma_start3A_272 = tpu.memref_slice %arg7[%dma_start3A_271] : memref<200000xf32, #tpu.memory_space<hbm>> -> memref<12440xf32, #tpu.memory_space<hbm>>
        tpu.enqueue_dma source(%dma_start3A_272 : memref<12440xf32, #tpu.memory_space<hbm>>) target(%dma_start3A_270 : memref<12440xf32, #tpu.memory_space<vmem_shared>>) target_semaphore(%run_scoped3A : memref<!tpu.dma_semaphore, #tpu.memory_space<semaphore_mem>>)
        %dma_wait3A_273 = arith.constant 187560 : i32
        %dma_wait3A_274 = tpu.memref_slice %arg11[%dma_wait3A_273] : memref<200000xf32, #tpu.memory_space<vmem_shared>> -> memref<12440xf32, #tpu.memory_space<vmem_shared>>
        %dma_wait3A_275 = arith.constant 187560 : i32
        %dma_wait3A_276 = tpu.memref_slice %arg7[%dma_wait3A_275] : memref<200000xf32, #tpu.memory_space<hbm>> -> memref<12440xf32, #tpu.memory_space<hbm>>
        tpu.wait_dma2 semaphore(%run_scoped3A : memref<!tpu.dma_semaphore, #tpu.memory_space<semaphore_mem>>) src(%dma_wait3A_276 : memref<12440xf32, #tpu.memory_space<hbm>>) dst(%dma_wait3A_274 : memref<12440xf32, #tpu.memory_space<vmem_shared>>)
        tpu.yield
      }) : () -> ()
      "tpu.region"() ({
        %run_scoped3A = tpu.sem_alloc : memref<!tpu.dma_semaphore, #tpu.memory_space<semaphore_mem>>
        %dma_start3A_269 = arith.constant 187560 : i32
        %dma_start3A_270 = tpu.memref_slice %arg12[%dma_start3A_269] : memref<200000xf32, #tpu.memory_space<vmem_shared>> -> memref<12440xf32, #tpu.memory_space<vmem_shared>>
        %dma_start3A_271 = arith.constant 187560 : i32
        %dma_start3A_272 = tpu.memref_slice %arg8[%dma_start3A_271] : memref<200000xf32, #tpu.memory_space<hbm>> -> memref<12440xf32, #tpu.memory_space<hbm>>
        tpu.enqueue_dma source(%dma_start3A_272 : memref<12440xf32, #tpu.memory_space<hbm>>) target(%dma_start3A_270 : memref<12440xf32, #tpu.memory_space<vmem_shared>>) target_semaphore(%run_scoped3A : memref<!tpu.dma_semaphore, #tpu.memory_space<semaphore_mem>>)
        %dma_wait3A_273 = arith.constant 187560 : i32
        %dma_wait3A_274 = tpu.memref_slice %arg12[%dma_wait3A_273] : memref<200000xf32, #tpu.memory_space<vmem_shared>> -> memref<12440xf32, #tpu.memory_space<vmem_shared>>
        %dma_wait3A_275 = arith.constant 187560 : i32
        %dma_wait3A_276 = tpu.memref_slice %arg8[%dma_wait3A_275] : memref<200000xf32, #tpu.memory_space<hbm>> -> memref<12440xf32, #tpu.memory_space<hbm>>
        tpu.wait_dma2 semaphore(%run_scoped3A : memref<!tpu.dma_semaphore, #tpu.memory_space<semaphore_mem>>) src(%dma_wait3A_276 : memref<12440xf32, #tpu.memory_space<hbm>>) dst(%dma_wait3A_274 : memref<12440xf32, #tpu.memory_space<vmem_shared>>)
        tpu.yield
      }) : () -> ()
    } else {
    }
    %barrier3A = arith.constant 0 : index
    tpu.barrier barrier_id(%barrier3A)
    %parallel_loop3A = arith.constant 0 : i32
    %parallel_loop3A_7 = arith.constant 63 : i32
    %parallel_loop3A_8 = arith.constant 1 : i32
    scf.for %parallel_loop3A_269 = %parallel_loop3A to %parallel_loop3A_7 step %parallel_loop3A_8  : i32 {
      %parallel_loop3A_270 = arith.constant 16 : i32
      %parallel_loop3A_271 = arith.muli %parallel_loop3A_269, %parallel_loop3A_270 : i32
      %parallel_loop3A_272 = arith.index_cast %parallel_loop3A_271 : i32 to index
      %parallel_loop3A_273 = tpu.vector_load %arg13[%parallel_loop3A_272] {strides = array<i32>} : memref<10000xf32, #tpu.memory_space<vmem>>, vector<16xf32>,
      %parallel_loop3A_274 = arith.constant 16 : i32
      %parallel_loop3A_275 = arith.muli %parallel_loop3A_269, %parallel_loop3A_274 : i32
      %parallel_loop3A_276 = arith.constant 1000 : i32
      %parallel_loop3A_277 = arith.addi %parallel_loop3A_276, %parallel_loop3A_275 : i32
      %parallel_loop3A_278 = arith.index_cast %parallel_loop3A_277 : i32 to index
      %parallel_loop3A_279 = tpu.vector_load %arg13[%parallel_loop3A_278] {strides = array<i32>} : memref<10000xf32, #tpu.memory_space<vmem>>, vector<16xf32>,
      %parallel_loop3A_280 = arith.constant 16 : i32
      %parallel_loop3A_281 = arith.muli %parallel_loop3A_269, %parallel_loop3A_280 : i32
      %parallel_loop3A_282 = arith.constant 2000 : i32
      %parallel_loop3A_283 = arith.addi %parallel_loop3A_282, %parallel_loop3A_281 : i32
      %parallel_loop3A_284 = arith.index_cast %parallel_loop3A_283 : i32 to index
      %parallel_loop3A_285 = tpu.vector_load %arg13[%parallel_loop3A_284] {strides = array<i32>} : memref<10000xf32, #tpu.memory_space<vmem>>, vector<16xf32>,
      %parallel_loop3A_286 = arith.constant 16 : i32
      %parallel_loop3A_287 = arith.muli %parallel_loop3A_269, %parallel_loop3A_286 : i32
      %parallel_loop3A_288 = arith.constant 3000 : i32
      %parallel_loop3A_289 = arith.addi %parallel_loop3A_288, %parallel_loop3A_287 : i32
      %parallel_loop3A_290 = arith.index_cast %parallel_loop3A_289 : i32 to index
      %parallel_loop3A_291 = tpu.vector_load %arg13[%parallel_loop3A_290] {strides = array<i32>} : memref<10000xf32, #tpu.memory_space<vmem>>, vector<16xf32>,
      %parallel_loop3A_292 = arith.mulf %parallel_loop3A_273, %parallel_loop3A_273 : vector<16xf32>
      %parallel_loop3A_293 = arith.mulf %parallel_loop3A_279, %parallel_loop3A_279 : vector<16xf32>
      %parallel_loop3A_294 = arith.addf %parallel_loop3A_292, %parallel_loop3A_293 : vector<16xf32>
      %parallel_loop3A_295 = arith.mulf %parallel_loop3A_285, %parallel_loop3A_285 : vector<16xf32>
      %parallel_loop3A_296 = arith.addf %parallel_loop3A_294, %parallel_loop3A_295 : vector<16xf32>
      %parallel_loop3A_297 = arith.mulf %parallel_loop3A_291, %parallel_loop3A_291 : vector<16xf32>
      %parallel_loop3A_298 = arith.addf %parallel_loop3A_296, %parallel_loop3A_297 : vector<16xf32>
      %parallel_loop3A_299 = arith.constant 2.000000e+00 : f32
      %parallel_loop3A_300 = vector.broadcast %parallel_loop3A_299 : f32 to vector<16xf32>
      %parallel_loop3A_301 = arith.divf %parallel_loop3A_300, %parallel_loop3A_298 : vector<16xf32>
      %parallel_loop3A_302 = arith.index_cast %parallel_loop3A_271 : i32 to index
      %parallel_loop3A_303 = tpu.vector_load %arg14[%parallel_loop3A_302] {strides = array<i32>} : memref<1008xf32, #tpu.memory_space<vmem>>, vector<16xf32>,
      tpu.vector_store %arg14[%parallel_loop3A_302], %parallel_loop3A_301 {strides = array<i32>} : memref<1008xf32, #tpu.memory_space<vmem>>, vector<16xf32>,
    } {sc.loop_unroll_factor = 1 : i64, sc.parallel_access}
    %broadcast_in_dim3A = arith.constant 0 : i32
    %broadcast_in_dim3A_9 = vector.broadcast %broadcast_in_dim3A : i32 to vector<16xi32>
    %broadcast_in_dim3A_10 = arith.constant 1000 : i32
    %broadcast_in_dim3A_11 = vector.broadcast %broadcast_in_dim3A_10 : i32 to vector<16xi32>
    %broadcast_in_dim3A_12 = arith.constant 2000 : i32
    %broadcast_in_dim3A_13 = vector.broadcast %broadcast_in_dim3A_12 : i32 to vector<16xi32>
    %broadcast_in_dim3A_14 = arith.constant 3000 : i32
    %broadcast_in_dim3A_15 = vector.broadcast %broadcast_in_dim3A_14 : i32 to vector<16xi32>
    %broadcast_in_dim3A_16 = arith.constant 4000 : i32
    %broadcast_in_dim3A_17 = vector.broadcast %broadcast_in_dim3A_16 : i32 to vector<16xi32>
    %broadcast_in_dim3A_18 = arith.constant 5000 : i32
    %broadcast_in_dim3A_19 = vector.broadcast %broadcast_in_dim3A_18 : i32 to vector<16xi32>
    %broadcast_in_dim3A_20 = arith.constant 6000 : i32
    %broadcast_in_dim3A_21 = vector.broadcast %broadcast_in_dim3A_20 : i32 to vector<16xi32>
    %broadcast_in_dim3A_22 = arith.constant 7000 : i32
    %broadcast_in_dim3A_23 = vector.broadcast %broadcast_in_dim3A_22 : i32 to vector<16xi32>
    %broadcast_in_dim3A_24 = arith.constant 8000 : i32
    %broadcast_in_dim3A_25 = vector.broadcast %broadcast_in_dim3A_24 : i32 to vector<16xi32>
    %broadcast_in_dim3A_26 = arith.constant 9000 : i32
    %broadcast_in_dim3A_27 = vector.broadcast %broadcast_in_dim3A_26 : i32 to vector<16xi32>
    %mul3A_28 = arith.constant 1280 : i32
    %mul3A_29 = arith.muli %add3A, %mul3A_28 : i32
    %dma_start3A = tpu.memref_slice %arg3[%mul3A_29] : memref<800000xi32, #tpu.memory_space<hbm>> -> memref<1280xi32, #tpu.memory_space<hbm>>
    %dma_start3A_30 = tpu.memref_slice %arg3[%mul3A_29] : memref<800000xi32, #tpu.memory_space<hbm>> -> memref<1280xi32, #tpu.memory_space<hbm>>
    tpu.enqueue_dma source(%dma_start3A_30 : memref<1280xi32, #tpu.memory_space<hbm>>) target(%arg15 : memref<1280xi32, #tpu.memory_space<vmem>>) target_semaphore(%arg33 : memref<!tpu.dma_semaphore, #tpu.memory_space<semaphore_mem>>)
    %dma_start3A_31 = tpu.memref_slice %arg4[%mul3A_29] : memref<800000xi32, #tpu.memory_space<hbm>> -> memref<1280xi32, #tpu.memory_space<hbm>>
    %dma_start3A_32 = tpu.memref_slice %arg4[%mul3A_29] : memref<800000xi32, #tpu.memory_space<hbm>> -> memref<1280xi32, #tpu.memory_space<hbm>>
    tpu.enqueue_dma source(%dma_start3A_32 : memref<1280xi32, #tpu.memory_space<hbm>>) target(%arg16 : memref<1280xi32, #tpu.memory_space<vmem>>) target_semaphore(%arg33 : memref<!tpu.dma_semaphore, #tpu.memory_space<semaphore_mem>>)
    %dma_start3A_33 = tpu.memref_slice %arg2[%mul3A_29] : memref<1600000xf32, #tpu.memory_space<hbm>> -> memref<1280xf32, #tpu.memory_space<hbm>>
    %dma_start3A_34 = tpu.memref_slice %arg2[%mul3A_29] : memref<1600000xf32, #tpu.memory_space<hbm>> -> memref<1280xf32, #tpu.memory_space<hbm>>
    tpu.enqueue_dma source(%dma_start3A_34 : memref<1280xf32, #tpu.memory_space<hbm>>) target(%arg17 : memref<1280xf32, #tpu.memory_space<vmem>>) target_semaphore(%arg33 : memref<!tpu.dma_semaphore, #tpu.memory_space<semaphore_mem>>)
    %add3A_35 = arith.constant 800000 : i32
    %add3A_36 = arith.addi %add3A_35, %mul3A_29 : i32
    %dma_start3A_37 = tpu.memref_slice %arg2[%add3A_36] : memref<1600000xf32, #tpu.memory_space<hbm>> -> memref<1280xf32, #tpu.memory_space<hbm>>
    %dma_start3A_38 = tpu.memref_slice %arg2[%add3A_36] : memref<1600000xf32, #tpu.memory_space<hbm>> -> memref<1280xf32, #tpu.memory_space<hbm>>
    tpu.enqueue_dma source(%dma_start3A_38 : memref<1280xf32, #tpu.memory_space<hbm>>) target(%arg18 : memref<1280xf32, #tpu.memory_space<vmem>>) target_semaphore(%arg33 : memref<!tpu.dma_semaphore, #tpu.memory_space<semaphore_mem>>)
    %dma_wait3A = arith.constant 0 : i32
    %dma_wait3A_39 = tpu.memref_slice %arg3[%dma_wait3A] : memref<800000xi32, #tpu.memory_space<hbm>> -> memref<1280xi32, #tpu.memory_space<hbm>>
    %dma_wait3A_40 = arith.constant 0 : i32
    %dma_wait3A_41 = tpu.memref_slice %arg3[%dma_wait3A_40] : memref<800000xi32, #tpu.memory_space<hbm>> -> memref<1280xi32, #tpu.memory_space<hbm>>
    tpu.wait_dma2 semaphore(%arg33 : memref<!tpu.dma_semaphore, #tpu.memory_space<semaphore_mem>>) src(%dma_wait3A_41 : memref<1280xi32, #tpu.memory_space<hbm>>) dst(%arg15 : memref<1280xi32, #tpu.memory_space<vmem>>)
    %dma_wait3A_42 = arith.constant 0 : i32
    %dma_wait3A_43 = tpu.memref_slice %arg4[%dma_wait3A_42] : memref<800000xi32, #tpu.memory_space<hbm>> -> memref<1280xi32, #tpu.memory_space<hbm>>
    %dma_wait3A_44 = arith.constant 0 : i32
    %dma_wait3A_45 = tpu.memref_slice %arg4[%dma_wait3A_44] : memref<800000xi32, #tpu.memory_space<hbm>> -> memref<1280xi32, #tpu.memory_space<hbm>>
    tpu.wait_dma2 semaphore(%arg33 : memref<!tpu.dma_semaphore, #tpu.memory_space<semaphore_mem>>) src(%dma_wait3A_45 : memref<1280xi32, #tpu.memory_space<hbm>>) dst(%arg16 : memref<1280xi32, #tpu.memory_space<vmem>>)
    %dma_wait3A_46 = arith.constant 0 : i32
    %dma_wait3A_47 = tpu.memref_slice %arg2[%dma_wait3A_46] : memref<1600000xf32, #tpu.memory_space<hbm>> -> memref<1280xf32, #tpu.memory_space<hbm>>
    %dma_wait3A_48 = arith.constant 0 : i32
    %dma_wait3A_49 = tpu.memref_slice %arg2[%dma_wait3A_48] : memref<1600000xf32, #tpu.memory_space<hbm>> -> memref<1280xf32, #tpu.memory_space<hbm>>
    tpu.wait_dma2 semaphore(%arg33 : memref<!tpu.dma_semaphore, #tpu.memory_space<semaphore_mem>>) src(%dma_wait3A_49 : memref<1280xf32, #tpu.memory_space<hbm>>) dst(%arg17 : memref<1280xf32, #tpu.memory_space<vmem>>)
    %dma_wait3A_50 = arith.constant 0 : i32
    %dma_wait3A_51 = tpu.memref_slice %arg2[%dma_wait3A_50] : memref<1600000xf32, #tpu.memory_space<hbm>> -> memref<1280xf32, #tpu.memory_space<hbm>>
    %dma_wait3A_52 = arith.constant 0 : i32
    %dma_wait3A_53 = tpu.memref_slice %arg2[%dma_wait3A_52] : memref<1600000xf32, #tpu.memory_space<hbm>> -> memref<1280xf32, #tpu.memory_space<hbm>>
    tpu.wait_dma2 semaphore(%arg33 : memref<!tpu.dma_semaphore, #tpu.memory_space<semaphore_mem>>) src(%dma_wait3A_53 : memref<1280xf32, #tpu.memory_space<hbm>>) dst(%arg18 : memref<1280xf32, #tpu.memory_space<vmem>>)
    %dma_start3A_54 = arith.constant 0 : i32
    %dma_start3A_55 = tpu.memref_slice %arg19[%dma_start3A_54] : memref<1280xf32, #tpu.memory_space<vmem>> -> memref<128xf32, #tpu.memory_space<vmem>>
    %dma_start3A_56 = arith.constant 0 : i32
    %dma_start3A_57 = tpu.memref_slice %arg16[%dma_start3A_56] : memref<1280xi32, #tpu.memory_space<vmem>> -> memref<128xi32, #tpu.memory_space<vmem>>
    %dma_start3A_58 = arith.constant 0 : i32
    %dma_start3A_59 = tpu.memref_slice %arg10[%dma_start3A_58] : memref<200000xf32, #tpu.memory_space<vmem_shared>> -> memref<200000xf32, #tpu.memory_space<vmem_shared>>
    tpu.enqueue_indirect_dma source(%dma_start3A_59 : memref<200000xf32, #tpu.memory_space<vmem_shared>>) target(%dma_start3A_55 : memref<128xf32, #tpu.memory_space<vmem>>) offsets(%dma_start3A_57 : memref<128xi32, #tpu.memory_space<vmem>>) semaphore(%arg34 : memref<!tpu.dma_semaphore, #tpu.memory_space<semaphore_mem>>)
    %dma_start3A_60 = arith.constant 0 : i32
    %dma_start3A_61 = tpu.memref_slice %arg20[%dma_start3A_60] : memref<1280xf32, #tpu.memory_space<vmem>> -> memref<128xf32, #tpu.memory_space<vmem>>
    %dma_start3A_62 = arith.constant 0 : i32
    %dma_start3A_63 = tpu.memref_slice %arg16[%dma_start3A_62] : memref<1280xi32, #tpu.memory_space<vmem>> -> memref<128xi32, #tpu.memory_space<vmem>>
    %dma_start3A_64 = arith.constant 0 : i32
    %dma_start3A_65 = tpu.memref_slice %arg11[%dma_start3A_64] : memref<200000xf32, #tpu.memory_space<vmem_shared>> -> memref<200000xf32, #tpu.memory_space<vmem_shared>>
    tpu.enqueue_indirect_dma source(%dma_start3A_65 : memref<200000xf32, #tpu.memory_space<vmem_shared>>) target(%dma_start3A_61 : memref<128xf32, #tpu.memory_space<vmem>>) offsets(%dma_start3A_63 : memref<128xi32, #tpu.memory_space<vmem>>) semaphore(%arg34 : memref<!tpu.dma_semaphore, #tpu.memory_space<semaphore_mem>>)
    %dma_start3A_66 = arith.constant 0 : i32
    %dma_start3A_67 = tpu.memref_slice %arg21[%dma_start3A_66] : memref<1280xf32, #tpu.memory_space<vmem>> -> memref<128xf32, #tpu.memory_space<vmem>>
    %dma_start3A_68 = arith.constant 0 : i32
    %dma_start3A_69 = tpu.memref_slice %arg16[%dma_start3A_68] : memref<1280xi32, #tpu.memory_space<vmem>> -> memref<128xi32, #tpu.memory_space<vmem>>
    %dma_start3A_70 = arith.constant 0 : i32
    %dma_start3A_71 = tpu.memref_slice %arg12[%dma_start3A_70] : memref<200000xf32, #tpu.memory_space<vmem_shared>> -> memref<200000xf32, #tpu.memory_space<vmem_shared>>
    tpu.enqueue_indirect_dma source(%dma_start3A_71 : memref<200000xf32, #tpu.memory_space<vmem_shared>>) target(%dma_start3A_67 : memref<128xf32, #tpu.memory_space<vmem>>) offsets(%dma_start3A_69 : memref<128xi32, #tpu.memory_space<vmem>>) semaphore(%arg34 : memref<!tpu.dma_semaphore, #tpu.memory_space<semaphore_mem>>)
    %dma_start3A_72 = arith.constant 128 : i32
    %dma_start3A_73 = tpu.memref_slice %arg19[%dma_start3A_72] : memref<1280xf32, #tpu.memory_space<vmem>> -> memref<128xf32, #tpu.memory_space<vmem>>
    %dma_start3A_74 = arith.constant 128 : i32
    %dma_start3A_75 = tpu.memref_slice %arg16[%dma_start3A_74] : memref<1280xi32, #tpu.memory_space<vmem>> -> memref<128xi32, #tpu.memory_space<vmem>>
    %dma_start3A_76 = arith.constant 0 : i32
    %dma_start3A_77 = tpu.memref_slice %arg10[%dma_start3A_76] : memref<200000xf32, #tpu.memory_space<vmem_shared>> -> memref<200000xf32, #tpu.memory_space<vmem_shared>>
    tpu.enqueue_indirect_dma source(%dma_start3A_77 : memref<200000xf32, #tpu.memory_space<vmem_shared>>) target(%dma_start3A_73 : memref<128xf32, #tpu.memory_space<vmem>>) offsets(%dma_start3A_75 : memref<128xi32, #tpu.memory_space<vmem>>) semaphore(%arg34 : memref<!tpu.dma_semaphore, #tpu.memory_space<semaphore_mem>>)
    %dma_start3A_78 = arith.constant 128 : i32
    %dma_start3A_79 = tpu.memref_slice %arg20[%dma_start3A_78] : memref<1280xf32, #tpu.memory_space<vmem>> -> memref<128xf32, #tpu.memory_space<vmem>>
    %dma_start3A_80 = arith.constant 128 : i32
    %dma_start3A_81 = tpu.memref_slice %arg16[%dma_start3A_80] : memref<1280xi32, #tpu.memory_space<vmem>> -> memref<128xi32, #tpu.memory_space<vmem>>
    %dma_start3A_82 = arith.constant 0 : i32
    %dma_start3A_83 = tpu.memref_slice %arg11[%dma_start3A_82] : memref<200000xf32, #tpu.memory_space<vmem_shared>> -> memref<200000xf32, #tpu.memory_space<vmem_shared>>
    tpu.enqueue_indirect_dma source(%dma_start3A_83 : memref<200000xf32, #tpu.memory_space<vmem_shared>>) target(%dma_start3A_79 : memref<128xf32, #tpu.memory_space<vmem>>) offsets(%dma_start3A_81 : memref<128xi32, #tpu.memory_space<vmem>>) semaphore(%arg34 : memref<!tpu.dma_semaphore, #tpu.memory_space<semaphore_mem>>)
    %dma_start3A_84 = arith.constant 128 : i32
    %dma_start3A_85 = tpu.memref_slice %arg21[%dma_start3A_84] : memref<1280xf32, #tpu.memory_space<vmem>> -> memref<128xf32, #tpu.memory_space<vmem>>
    %dma_start3A_86 = arith.constant 128 : i32
    %dma_start3A_87 = tpu.memref_slice %arg16[%dma_start3A_86] : memref<1280xi32, #tpu.memory_space<vmem>> -> memref<128xi32, #tpu.memory_space<vmem>>
    %dma_start3A_88 = arith.constant 0 : i32
    %dma_start3A_89 = tpu.memref_slice %arg12[%dma_start3A_88] : memref<200000xf32, #tpu.memory_space<vmem_shared>> -> memref<200000xf32, #tpu.memory_space<vmem_shared>>
    tpu.enqueue_indirect_dma source(%dma_start3A_89 : memref<200000xf32, #tpu.memory_space<vmem_shared>>) target(%dma_start3A_85 : memref<128xf32, #tpu.memory_space<vmem>>) offsets(%dma_start3A_87 : memref<128xi32, #tpu.memory_space<vmem>>) semaphore(%arg34 : memref<!tpu.dma_semaphore, #tpu.memory_space<semaphore_mem>>)
    %dma_start3A_90 = arith.constant 256 : i32
    %dma_start3A_91 = tpu.memref_slice %arg19[%dma_start3A_90] : memref<1280xf32, #tpu.memory_space<vmem>> -> memref<128xf32, #tpu.memory_space<vmem>>
    %dma_start3A_92 = arith.constant 256 : i32
    %dma_start3A_93 = tpu.memref_slice %arg16[%dma_start3A_92] : memref<1280xi32, #tpu.memory_space<vmem>> -> memref<128xi32, #tpu.memory_space<vmem>>
    %dma_start3A_94 = arith.constant 0 : i32
    %dma_start3A_95 = tpu.memref_slice %arg10[%dma_start3A_94] : memref<200000xf32, #tpu.memory_space<vmem_shared>> -> memref<200000xf32, #tpu.memory_space<vmem_shared>>
    tpu.enqueue_indirect_dma source(%dma_start3A_95 : memref<200000xf32, #tpu.memory_space<vmem_shared>>) target(%dma_start3A_91 : memref<128xf32, #tpu.memory_space<vmem>>) offsets(%dma_start3A_93 : memref<128xi32, #tpu.memory_space<vmem>>) semaphore(%arg34 : memref<!tpu.dma_semaphore, #tpu.memory_space<semaphore_mem>>)
    %dma_start3A_96 = arith.constant 256 : i32
    %dma_start3A_97 = tpu.memref_slice %arg20[%dma_start3A_96] : memref<1280xf32, #tpu.memory_space<vmem>> -> memref<128xf32, #tpu.memory_space<vmem>>
    %dma_start3A_98 = arith.constant 256 : i32
    %dma_start3A_99 = tpu.memref_slice %arg16[%dma_start3A_98] : memref<1280xi32, #tpu.memory_space<vmem>> -> memref<128xi32, #tpu.memory_space<vmem>>
    %dma_start3A_100 = arith.constant 0 : i32
    %dma_start3A_101 = tpu.memref_slice %arg11[%dma_start3A_100] : memref<200000xf32, #tpu.memory_space<vmem_shared>> -> memref<200000xf32, #tpu.memory_space<vmem_shared>>
    tpu.enqueue_indirect_dma source(%dma_start3A_101 : memref<200000xf32, #tpu.memory_space<vmem_shared>>) target(%dma_start3A_97 : memref<128xf32, #tpu.memory_space<vmem>>) offsets(%dma_start3A_99 : memref<128xi32, #tpu.memory_space<vmem>>) semaphore(%arg34 : memref<!tpu.dma_semaphore, #tpu.memory_space<semaphore_mem>>)
    %dma_start3A_102 = arith.constant 256 : i32
    %dma_start3A_103 = tpu.memref_slice %arg21[%dma_start3A_102] : memref<1280xf32, #tpu.memory_space<vmem>> -> memref<128xf32, #tpu.memory_space<vmem>>
    %dma_start3A_104 = arith.constant 256 : i32
    %dma_start3A_105 = tpu.memref_slice %arg16[%dma_start3A_104] : memref<1280xi32, #tpu.memory_space<vmem>> -> memref<128xi32, #tpu.memory_space<vmem>>
    %dma_start3A_106 = arith.constant 0 : i32
    %dma_start3A_107 = tpu.memref_slice %arg12[%dma_start3A_106] : memref<200000xf32, #tpu.memory_space<vmem_shared>> -> memref<200000xf32, #tpu.memory_space<vmem_shared>>
    tpu.enqueue_indirect_dma source(%dma_start3A_107 : memref<200000xf32, #tpu.memory_space<vmem_shared>>) target(%dma_start3A_103 : memref<128xf32, #tpu.memory_space<vmem>>) offsets(%dma_start3A_105 : memref<128xi32, #tpu.memory_space<vmem>>) semaphore(%arg34 : memref<!tpu.dma_semaphore, #tpu.memory_space<semaphore_mem>>)
    %dma_start3A_108 = arith.constant 384 : i32
    %dma_start3A_109 = tpu.memref_slice %arg19[%dma_start3A_108] : memref<1280xf32, #tpu.memory_space<vmem>> -> memref<128xf32, #tpu.memory_space<vmem>>
    %dma_start3A_110 = arith.constant 384 : i32
    %dma_start3A_111 = tpu.memref_slice %arg16[%dma_start3A_110] : memref<1280xi32, #tpu.memory_space<vmem>> -> memref<128xi32, #tpu.memory_space<vmem>>
    %dma_start3A_112 = arith.constant 0 : i32
    %dma_start3A_113 = tpu.memref_slice %arg10[%dma_start3A_112] : memref<200000xf32, #tpu.memory_space<vmem_shared>> -> memref<200000xf32, #tpu.memory_space<vmem_shared>>
    tpu.enqueue_indirect_dma source(%dma_start3A_113 : memref<200000xf32, #tpu.memory_space<vmem_shared>>) target(%dma_start3A_109 : memref<128xf32, #tpu.memory_space<vmem>>) offsets(%dma_start3A_111 : memref<128xi32, #tpu.memory_space<vmem>>) semaphore(%arg34 : memref<!tpu.dma_semaphore, #tpu.memory_space<semaphore_mem>>)
    %dma_start3A_114 = arith.constant 384 : i32
    %dma_start3A_115 = tpu.memref_slice %arg20[%dma_start3A_114] : memref<1280xf32, #tpu.memory_space<vmem>> -> memref<128xf32, #tpu.memory_space<vmem>>
    %dma_start3A_116 = arith.constant 384 : i32
    %dma_start3A_117 = tpu.memref_slice %arg16[%dma_start3A_116] : memref<1280xi32, #tpu.memory_space<vmem>> -> memref<128xi32, #tpu.memory_space<vmem>>
    %dma_start3A_118 = arith.constant 0 : i32
    %dma_start3A_119 = tpu.memref_slice %arg11[%dma_start3A_118] : memref<200000xf32, #tpu.memory_space<vmem_shared>> -> memref<200000xf32, #tpu.memory_space<vmem_shared>>
    tpu.enqueue_indirect_dma source(%dma_start3A_119 : memref<200000xf32, #tpu.memory_space<vmem_shared>>) target(%dma_start3A_115 : memref<128xf32, #tpu.memory_space<vmem>>) offsets(%dma_start3A_117 : memref<128xi32, #tpu.memory_space<vmem>>) semaphore(%arg34 : memref<!tpu.dma_semaphore, #tpu.memory_space<semaphore_mem>>)
    %dma_start3A_120 = arith.constant 384 : i32
    %dma_start3A_121 = tpu.memref_slice %arg21[%dma_start3A_120] : memref<1280xf32, #tpu.memory_space<vmem>> -> memref<128xf32, #tpu.memory_space<vmem>>
    %dma_start3A_122 = arith.constant 384 : i32
    %dma_start3A_123 = tpu.memref_slice %arg16[%dma_start3A_122] : memref<1280xi32, #tpu.memory_space<vmem>> -> memref<128xi32, #tpu.memory_space<vmem>>
    %dma_start3A_124 = arith.constant 0 : i32
    %dma_start3A_125 = tpu.memref_slice %arg12[%dma_start3A_124] : memref<200000xf32, #tpu.memory_space<vmem_shared>> -> memref<200000xf32, #tpu.memory_space<vmem_shared>>
    tpu.enqueue_indirect_dma source(%dma_start3A_125 : memref<200000xf32, #tpu.memory_space<vmem_shared>>) target(%dma_start3A_121 : memref<128xf32, #tpu.memory_space<vmem>>) offsets(%dma_start3A_123 : memref<128xi32, #tpu.memory_space<vmem>>) semaphore(%arg34 : memref<!tpu.dma_semaphore, #tpu.memory_space<semaphore_mem>>)
    %dma_start3A_126 = arith.constant 512 : i32
    %dma_start3A_127 = tpu.memref_slice %arg19[%dma_start3A_126] : memref<1280xf32, #tpu.memory_space<vmem>> -> memref<128xf32, #tpu.memory_space<vmem>>
    %dma_start3A_128 = arith.constant 512 : i32
    %dma_start3A_129 = tpu.memref_slice %arg16[%dma_start3A_128] : memref<1280xi32, #tpu.memory_space<vmem>> -> memref<128xi32, #tpu.memory_space<vmem>>
    %dma_start3A_130 = arith.constant 0 : i32
    %dma_start3A_131 = tpu.memref_slice %arg10[%dma_start3A_130] : memref<200000xf32, #tpu.memory_space<vmem_shared>> -> memref<200000xf32, #tpu.memory_space<vmem_shared>>
    tpu.enqueue_indirect_dma source(%dma_start3A_131 : memref<200000xf32, #tpu.memory_space<vmem_shared>>) target(%dma_start3A_127 : memref<128xf32, #tpu.memory_space<vmem>>) offsets(%dma_start3A_129 : memref<128xi32, #tpu.memory_space<vmem>>) semaphore(%arg34 : memref<!tpu.dma_semaphore, #tpu.memory_space<semaphore_mem>>)
    %dma_start3A_132 = arith.constant 512 : i32
    %dma_start3A_133 = tpu.memref_slice %arg20[%dma_start3A_132] : memref<1280xf32, #tpu.memory_space<vmem>> -> memref<128xf32, #tpu.memory_space<vmem>>
    %dma_start3A_134 = arith.constant 512 : i32
    %dma_start3A_135 = tpu.memref_slice %arg16[%dma_start3A_134] : memref<1280xi32, #tpu.memory_space<vmem>> -> memref<128xi32, #tpu.memory_space<vmem>>
    %dma_start3A_136 = arith.constant 0 : i32
    %dma_start3A_137 = tpu.memref_slice %arg11[%dma_start3A_136] : memref<200000xf32, #tpu.memory_space<vmem_shared>> -> memref<200000xf32, #tpu.memory_space<vmem_shared>>
    tpu.enqueue_indirect_dma source(%dma_start3A_137 : memref<200000xf32, #tpu.memory_space<vmem_shared>>) target(%dma_start3A_133 : memref<128xf32, #tpu.memory_space<vmem>>) offsets(%dma_start3A_135 : memref<128xi32, #tpu.memory_space<vmem>>) semaphore(%arg34 : memref<!tpu.dma_semaphore, #tpu.memory_space<semaphore_mem>>)
    %dma_start3A_138 = arith.constant 512 : i32
    %dma_start3A_139 = tpu.memref_slice %arg21[%dma_start3A_138] : memref<1280xf32, #tpu.memory_space<vmem>> -> memref<128xf32, #tpu.memory_space<vmem>>
    %dma_start3A_140 = arith.constant 512 : i32
    %dma_start3A_141 = tpu.memref_slice %arg16[%dma_start3A_140] : memref<1280xi32, #tpu.memory_space<vmem>> -> memref<128xi32, #tpu.memory_space<vmem>>
    %dma_start3A_142 = arith.constant 0 : i32
    %dma_start3A_143 = tpu.memref_slice %arg12[%dma_start3A_142] : memref<200000xf32, #tpu.memory_space<vmem_shared>> -> memref<200000xf32, #tpu.memory_space<vmem_shared>>
    tpu.enqueue_indirect_dma source(%dma_start3A_143 : memref<200000xf32, #tpu.memory_space<vmem_shared>>) target(%dma_start3A_139 : memref<128xf32, #tpu.memory_space<vmem>>) offsets(%dma_start3A_141 : memref<128xi32, #tpu.memory_space<vmem>>) semaphore(%arg34 : memref<!tpu.dma_semaphore, #tpu.memory_space<semaphore_mem>>)
    %dma_start3A_144 = arith.constant 640 : i32
    %dma_start3A_145 = tpu.memref_slice %arg19[%dma_start3A_144] : memref<1280xf32, #tpu.memory_space<vmem>> -> memref<128xf32, #tpu.memory_space<vmem>>
    %dma_start3A_146 = arith.constant 640 : i32
    %dma_start3A_147 = tpu.memref_slice %arg16[%dma_start3A_146] : memref<1280xi32, #tpu.memory_space<vmem>> -> memref<128xi32, #tpu.memory_space<vmem>>
    %dma_start3A_148 = arith.constant 0 : i32
    %dma_start3A_149 = tpu.memref_slice %arg10[%dma_start3A_148] : memref<200000xf32, #tpu.memory_space<vmem_shared>> -> memref<200000xf32, #tpu.memory_space<vmem_shared>>
    tpu.enqueue_indirect_dma source(%dma_start3A_149 : memref<200000xf32, #tpu.memory_space<vmem_shared>>) target(%dma_start3A_145 : memref<128xf32, #tpu.memory_space<vmem>>) offsets(%dma_start3A_147 : memref<128xi32, #tpu.memory_space<vmem>>) semaphore(%arg34 : memref<!tpu.dma_semaphore, #tpu.memory_space<semaphore_mem>>)
    %dma_start3A_150 = arith.constant 640 : i32
    %dma_start3A_151 = tpu.memref_slice %arg20[%dma_start3A_150] : memref<1280xf32, #tpu.memory_space<vmem>> -> memref<128xf32, #tpu.memory_space<vmem>>
    %dma_start3A_152 = arith.constant 640 : i32
    %dma_start3A_153 = tpu.memref_slice %arg16[%dma_start3A_152] : memref<1280xi32, #tpu.memory_space<vmem>> -> memref<128xi32, #tpu.memory_space<vmem>>
    %dma_start3A_154 = arith.constant 0 : i32
    %dma_start3A_155 = tpu.memref_slice %arg11[%dma_start3A_154] : memref<200000xf32, #tpu.memory_space<vmem_shared>> -> memref<200000xf32, #tpu.memory_space<vmem_shared>>
    tpu.enqueue_indirect_dma source(%dma_start3A_155 : memref<200000xf32, #tpu.memory_space<vmem_shared>>) target(%dma_start3A_151 : memref<128xf32, #tpu.memory_space<vmem>>) offsets(%dma_start3A_153 : memref<128xi32, #tpu.memory_space<vmem>>) semaphore(%arg34 : memref<!tpu.dma_semaphore, #tpu.memory_space<semaphore_mem>>)
    %dma_start3A_156 = arith.constant 640 : i32
    %dma_start3A_157 = tpu.memref_slice %arg21[%dma_start3A_156] : memref<1280xf32, #tpu.memory_space<vmem>> -> memref<128xf32, #tpu.memory_space<vmem>>
    %dma_start3A_158 = arith.constant 640 : i32
    %dma_start3A_159 = tpu.memref_slice %arg16[%dma_start3A_158] : memref<1280xi32, #tpu.memory_space<vmem>> -> memref<128xi32, #tpu.memory_space<vmem>>
    %dma_start3A_160 = arith.constant 0 : i32
    %dma_start3A_161 = tpu.memref_slice %arg12[%dma_start3A_160] : memref<200000xf32, #tpu.memory_space<vmem_shared>> -> memref<200000xf32, #tpu.memory_space<vmem_shared>>
    tpu.enqueue_indirect_dma source(%dma_start3A_161 : memref<200000xf32, #tpu.memory_space<vmem_shared>>) target(%dma_start3A_157 : memref<128xf32, #tpu.memory_space<vmem>>) offsets(%dma_start3A_159 : memref<128xi32, #tpu.memory_space<vmem>>) semaphore(%arg34 : memref<!tpu.dma_semaphore, #tpu.memory_space<semaphore_mem>>)
    %dma_start3A_162 = arith.constant 768 : i32
    %dma_start3A_163 = tpu.memref_slice %arg19[%dma_start3A_162] : memref<1280xf32, #tpu.memory_space<vmem>> -> memref<128xf32, #tpu.memory_space<vmem>>
    %dma_start3A_164 = arith.constant 768 : i32
    %dma_start3A_165 = tpu.memref_slice %arg16[%dma_start3A_164] : memref<1280xi32, #tpu.memory_space<vmem>> -> memref<128xi32, #tpu.memory_space<vmem>>
    %dma_start3A_166 = arith.constant 0 : i32
    %dma_start3A_167 = tpu.memref_slice %arg10[%dma_start3A_166] : memref<200000xf32, #tpu.memory_space<vmem_shared>> -> memref<200000xf32, #tpu.memory_space<vmem_shared>>
    tpu.enqueue_indirect_dma source(%dma_start3A_167 : memref<200000xf32, #tpu.memory_space<vmem_shared>>) target(%dma_start3A_163 : memref<128xf32, #tpu.memory_space<vmem>>) offsets(%dma_start3A_165 : memref<128xi32, #tpu.memory_space<vmem>>) semaphore(%arg34 : memref<!tpu.dma_semaphore, #tpu.memory_space<semaphore_mem>>)
    %dma_start3A_168 = arith.constant 768 : i32
    %dma_start3A_169 = tpu.memref_slice %arg20[%dma_start3A_168] : memref<1280xf32, #tpu.memory_space<vmem>> -> memref<128xf32, #tpu.memory_space<vmem>>
    %dma_start3A_170 = arith.constant 768 : i32
    %dma_start3A_171 = tpu.memref_slice %arg16[%dma_start3A_170] : memref<1280xi32, #tpu.memory_space<vmem>> -> memref<128xi32, #tpu.memory_space<vmem>>
    %dma_start3A_172 = arith.constant 0 : i32
    %dma_start3A_173 = tpu.memref_slice %arg11[%dma_start3A_172] : memref<200000xf32, #tpu.memory_space<vmem_shared>> -> memref<200000xf32, #tpu.memory_space<vmem_shared>>
    tpu.enqueue_indirect_dma source(%dma_start3A_173 : memref<200000xf32, #tpu.memory_space<vmem_shared>>) target(%dma_start3A_169 : memref<128xf32, #tpu.memory_space<vmem>>) offsets(%dma_start3A_171 : memref<128xi32, #tpu.memory_space<vmem>>) semaphore(%arg34 : memref<!tpu.dma_semaphore, #tpu.memory_space<semaphore_mem>>)
    %dma_start3A_174 = arith.constant 768 : i32
    %dma_start3A_175 = tpu.memref_slice %arg21[%dma_start3A_174] : memref<1280xf32, #tpu.memory_space<vmem>> -> memref<128xf32, #tpu.memory_space<vmem>>
    %dma_start3A_176 = arith.constant 768 : i32
    %dma_start3A_177 = tpu.memref_slice %arg16[%dma_start3A_176] : memref<1280xi32, #tpu.memory_space<vmem>> -> memref<128xi32, #tpu.memory_space<vmem>>
    %dma_start3A_178 = arith.constant 0 : i32
    %dma_start3A_179 = tpu.memref_slice %arg12[%dma_start3A_178] : memref<200000xf32, #tpu.memory_space<vmem_shared>> -> memref<200000xf32, #tpu.memory_space<vmem_shared>>
    tpu.enqueue_indirect_dma source(%dma_start3A_179 : memref<200000xf32, #tpu.memory_space<vmem_shared>>) target(%dma_start3A_175 : memref<128xf32, #tpu.memory_space<vmem>>) offsets(%dma_start3A_177 : memref<128xi32, #tpu.memory_space<vmem>>) semaphore(%arg34 : memref<!tpu.dma_semaphore, #tpu.memory_space<semaphore_mem>>)
    %dma_start3A_180 = arith.constant 896 : i32
    %dma_start3A_181 = tpu.memref_slice %arg19[%dma_start3A_180] : memref<1280xf32, #tpu.memory_space<vmem>> -> memref<128xf32, #tpu.memory_space<vmem>>
    %dma_start3A_182 = arith.constant 896 : i32
    %dma_start3A_183 = tpu.memref_slice %arg16[%dma_start3A_182] : memref<1280xi32, #tpu.memory_space<vmem>> -> memref<128xi32, #tpu.memory_space<vmem>>
    %dma_start3A_184 = arith.constant 0 : i32
    %dma_start3A_185 = tpu.memref_slice %arg10[%dma_start3A_184] : memref<200000xf32, #tpu.memory_space<vmem_shared>> -> memref<200000xf32, #tpu.memory_space<vmem_shared>>
    tpu.enqueue_indirect_dma source(%dma_start3A_185 : memref<200000xf32, #tpu.memory_space<vmem_shared>>) target(%dma_start3A_181 : memref<128xf32, #tpu.memory_space<vmem>>) offsets(%dma_start3A_183 : memref<128xi32, #tpu.memory_space<vmem>>) semaphore(%arg34 : memref<!tpu.dma_semaphore, #tpu.memory_space<semaphore_mem>>)
    %dma_start3A_186 = arith.constant 896 : i32
    %dma_start3A_187 = tpu.memref_slice %arg20[%dma_start3A_186] : memref<1280xf32, #tpu.memory_space<vmem>> -> memref<128xf32, #tpu.memory_space<vmem>>
    %dma_start3A_188 = arith.constant 896 : i32
    %dma_start3A_189 = tpu.memref_slice %arg16[%dma_start3A_188] : memref<1280xi32, #tpu.memory_space<vmem>> -> memref<128xi32, #tpu.memory_space<vmem>>
    %dma_start3A_190 = arith.constant 0 : i32
    %dma_start3A_191 = tpu.memref_slice %arg11[%dma_start3A_190] : memref<200000xf32, #tpu.memory_space<vmem_shared>> -> memref<200000xf32, #tpu.memory_space<vmem_shared>>
    tpu.enqueue_indirect_dma source(%dma_start3A_191 : memref<200000xf32, #tpu.memory_space<vmem_shared>>) target(%dma_start3A_187 : memref<128xf32, #tpu.memory_space<vmem>>) offsets(%dma_start3A_189 : memref<128xi32, #tpu.memory_space<vmem>>) semaphore(%arg34 : memref<!tpu.dma_semaphore, #tpu.memory_space<semaphore_mem>>)
    %dma_start3A_192 = arith.constant 896 : i32
    %dma_start3A_193 = tpu.memref_slice %arg21[%dma_start3A_192] : memref<1280xf32, #tpu.memory_space<vmem>> -> memref<128xf32, #tpu.memory_space<vmem>>
    %dma_start3A_194 = arith.constant 896 : i32
    %dma_start3A_195 = tpu.memref_slice %arg16[%dma_start3A_194] : memref<1280xi32, #tpu.memory_space<vmem>> -> memref<128xi32, #tpu.memory_space<vmem>>
    %dma_start3A_196 = arith.constant 0 : i32
    %dma_start3A_197 = tpu.memref_slice %arg12[%dma_start3A_196] : memref<200000xf32, #tpu.memory_space<vmem_shared>> -> memref<200000xf32, #tpu.memory_space<vmem_shared>>
    tpu.enqueue_indirect_dma source(%dma_start3A_197 : memref<200000xf32, #tpu.memory_space<vmem_shared>>) target(%dma_start3A_193 : memref<128xf32, #tpu.memory_space<vmem>>) offsets(%dma_start3A_195 : memref<128xi32, #tpu.memory_space<vmem>>) semaphore(%arg34 : memref<!tpu.dma_semaphore, #tpu.memory_space<semaphore_mem>>)
    %dma_start3A_198 = arith.constant 1024 : i32
    %dma_start3A_199 = tpu.memref_slice %arg19[%dma_start3A_198] : memref<1280xf32, #tpu.memory_space<vmem>> -> memref<128xf32, #tpu.memory_space<vmem>>
    %dma_start3A_200 = arith.constant 1024 : i32
    %dma_start3A_201 = tpu.memref_slice %arg16[%dma_start3A_200] : memref<1280xi32, #tpu.memory_space<vmem>> -> memref<128xi32, #tpu.memory_space<vmem>>
    %dma_start3A_202 = arith.constant 0 : i32
    %dma_start3A_203 = tpu.memref_slice %arg10[%dma_start3A_202] : memref<200000xf32, #tpu.memory_space<vmem_shared>> -> memref<200000xf32, #tpu.memory_space<vmem_shared>>
    tpu.enqueue_indirect_dma source(%dma_start3A_203 : memref<200000xf32, #tpu.memory_space<vmem_shared>>) target(%dma_start3A_199 : memref<128xf32, #tpu.memory_space<vmem>>) offsets(%dma_start3A_201 : memref<128xi32, #tpu.memory_space<vmem>>) semaphore(%arg34 : memref<!tpu.dma_semaphore, #tpu.memory_space<semaphore_mem>>)
    %dma_start3A_204 = arith.constant 1024 : i32
    %dma_start3A_205 = tpu.memref_slice %arg20[%dma_start3A_204] : memref<1280xf32, #tpu.memory_space<vmem>> -> memref<128xf32, #tpu.memory_space<vmem>>
    %dma_start3A_206 = arith.constant 1024 : i32
    %dma_start3A_207 = tpu.memref_slice %arg16[%dma_start3A_206] : memref<1280xi32, #tpu.memory_space<vmem>> -> memref<128xi32, #tpu.memory_space<vmem>>
    %dma_start3A_208 = arith.constant 0 : i32
    %dma_start3A_209 = tpu.memref_slice %arg11[%dma_start3A_208] : memref<200000xf32, #tpu.memory_space<vmem_shared>> -> memref<200000xf32, #tpu.memory_space<vmem_shared>>
    tpu.enqueue_indirect_dma source(%dma_start3A_209 : memref<200000xf32, #tpu.memory_space<vmem_shared>>) target(%dma_start3A_205 : memref<128xf32, #tpu.memory_space<vmem>>) offsets(%dma_start3A_207 : memref<128xi32, #tpu.memory_space<vmem>>) semaphore(%arg34 : memref<!tpu.dma_semaphore, #tpu.memory_space<semaphore_mem>>)
    %dma_start3A_210 = arith.constant 1024 : i32
    %dma_start3A_211 = tpu.memref_slice %arg21[%dma_start3A_210] : memref<1280xf32, #tpu.memory_space<vmem>> -> memref<128xf32, #tpu.memory_space<vmem>>
    %dma_start3A_212 = arith.constant 1024 : i32
    %dma_start3A_213 = tpu.memref_slice %arg16[%dma_start3A_212] : memref<1280xi32, #tpu.memory_space<vmem>> -> memref<128xi32, #tpu.memory_space<vmem>>
    %dma_start3A_214 = arith.constant 0 : i32
    %dma_start3A_215 = tpu.memref_slice %arg12[%dma_start3A_214] : memref<200000xf32, #tpu.memory_space<vmem_shared>> -> memref<200000xf32, #tpu.memory_space<vmem_shared>>
    tpu.enqueue_indirect_dma source(%dma_start3A_215 : memref<200000xf32, #tpu.memory_space<vmem_shared>>) target(%dma_start3A_211 : memref<128xf32, #tpu.memory_space<vmem>>) offsets(%dma_start3A_213 : memref<128xi32, #tpu.memory_space<vmem>>) semaphore(%arg34 : memref<!tpu.dma_semaphore, #tpu.memory_space<semaphore_mem>>)
    %dma_start3A_216 = arith.constant 1152 : i32
    %dma_start3A_217 = tpu.memref_slice %arg19[%dma_start3A_216] : memref<1280xf32, #tpu.memory_space<vmem>> -> memref<128xf32, #tpu.memory_space<vmem>>
    %dma_start3A_218 = arith.constant 1152 : i32
    %dma_start3A_219 = tpu.memref_slice %arg16[%dma_start3A_218] : memref<1280xi32, #tpu.memory_space<vmem>> -> memref<128xi32, #tpu.memory_space<vmem>>
    %dma_start3A_220 = arith.constant 0 : i32
    %dma_start3A_221 = tpu.memref_slice %arg10[%dma_start3A_220] : memref<200000xf32, #tpu.memory_space<vmem_shared>> -> memref<200000xf32, #tpu.memory_space<vmem_shared>>
    tpu.enqueue_indirect_dma source(%dma_start3A_221 : memref<200000xf32, #tpu.memory_space<vmem_shared>>) target(%dma_start3A_217 : memref<128xf32, #tpu.memory_space<vmem>>) offsets(%dma_start3A_219 : memref<128xi32, #tpu.memory_space<vmem>>) semaphore(%arg34 : memref<!tpu.dma_semaphore, #tpu.memory_space<semaphore_mem>>)
    %dma_start3A_222 = arith.constant 1152 : i32
    %dma_start3A_223 = tpu.memref_slice %arg20[%dma_start3A_222] : memref<1280xf32, #tpu.memory_space<vmem>> -> memref<128xf32, #tpu.memory_space<vmem>>
    %dma_start3A_224 = arith.constant 1152 : i32
    %dma_start3A_225 = tpu.memref_slice %arg16[%dma_start3A_224] : memref<1280xi32, #tpu.memory_space<vmem>> -> memref<128xi32, #tpu.memory_space<vmem>>
    %dma_start3A_226 = arith.constant 0 : i32
    %dma_start3A_227 = tpu.memref_slice %arg11[%dma_start3A_226] : memref<200000xf32, #tpu.memory_space<vmem_shared>> -> memref<200000xf32, #tpu.memory_space<vmem_shared>>
    tpu.enqueue_indirect_dma source(%dma_start3A_227 : memref<200000xf32, #tpu.memory_space<vmem_shared>>) target(%dma_start3A_223 : memref<128xf32, #tpu.memory_space<vmem>>) offsets(%dma_start3A_225 : memref<128xi32, #tpu.memory_space<vmem>>) semaphore(%arg34 : memref<!tpu.dma_semaphore, #tpu.memory_space<semaphore_mem>>)
    %dma_start3A_228 = arith.constant 1152 : i32
    %dma_start3A_229 = tpu.memref_slice %arg21[%dma_start3A_228] : memref<1280xf32, #tpu.memory_space<vmem>> -> memref<128xf32, #tpu.memory_space<vmem>>
    %dma_start3A_230 = arith.constant 1152 : i32
    %dma_start3A_231 = tpu.memref_slice %arg16[%dma_start3A_230] : memref<1280xi32, #tpu.memory_space<vmem>> -> memref<128xi32, #tpu.memory_space<vmem>>
    %dma_start3A_232 = arith.constant 0 : i32
    %dma_start3A_233 = tpu.memref_slice %arg12[%dma_start3A_232] : memref<200000xf32, #tpu.memory_space<vmem_shared>> -> memref<200000xf32, #tpu.memory_space<vmem_shared>>
    tpu.enqueue_indirect_dma source(%dma_start3A_233 : memref<200000xf32, #tpu.memory_space<vmem_shared>>) target(%dma_start3A_229 : memref<128xf32, #tpu.memory_space<vmem>>) offsets(%dma_start3A_231 : memref<128xi32, #tpu.memory_space<vmem>>) semaphore(%arg34 : memref<!tpu.dma_semaphore, #tpu.memory_space<semaphore_mem>>)
    %add3A_234 = arith.constant 32 : i32
    %add3A_235 = arith.addi %add3A, %add3A_234 : i32
    %mul3A_236 = arith.constant 1280 : i32
    %mul3A_237 = arith.muli %add3A_235, %mul3A_236 : i32
    %dma_start3A_238 = tpu.memref_slice %arg3[%mul3A_237] : memref<800000xi32, #tpu.memory_space<hbm>> -> memref<1280xi32, #tpu.memory_space<hbm>>
    %dma_start3A_239 = tpu.memref_slice %arg3[%mul3A_237] : memref<800000xi32, #tpu.memory_space<hbm>> -> memref<1280xi32, #tpu.memory_space<hbm>>
    tpu.enqueue_dma source(%dma_start3A_239 : memref<1280xi32, #tpu.memory_space<hbm>>) target(%arg24 : memref<1280xi32, #tpu.memory_space<vmem>>) target_semaphore(%arg36 : memref<!tpu.dma_semaphore, #tpu.memory_space<semaphore_mem>>)
    %dma_start3A_240 = tpu.memref_slice %arg4[%mul3A_237] : memref<800000xi32, #tpu.memory_space<hbm>> -> memref<1280xi32, #tpu.memory_space<hbm>>
    %dma_start3A_241 = tpu.memref_slice %arg4[%mul3A_237] : memref<800000xi32, #tpu.memory_space<hbm>> -> memref<1280xi32, #tpu.memory_space<hbm>>
    tpu.enqueue_dma source(%dma_start3A_241 : memref<1280xi32, #tpu.memory_space<hbm>>) target(%arg25 : memref<1280xi32, #tpu.memory_space<vmem>>) target_semaphore(%arg36 : memref<!tpu.dma_semaphore, #tpu.memory_space<semaphore_mem>>)
    %dma_start3A_242 = tpu.memref_slice %arg2[%mul3A_237] : memref<1600000xf32, #tpu.memory_space<hbm>> -> memref<1280xf32, #tpu.memory_space<hbm>>
    %dma_start3A_243 = tpu.memref_slice %arg2[%mul3A_237] : memref<1600000xf32, #tpu.memory_space<hbm>> -> memref<1280xf32, #tpu.memory_space<hbm>>
    tpu.enqueue_dma source(%dma_start3A_243 : memref<1280xf32, #tpu.memory_space<hbm>>) target(%arg26 : memref<1280xf32, #tpu.memory_space<vmem>>) target_semaphore(%arg36 : memref<!tpu.dma_semaphore, #tpu.memory_space<semaphore_mem>>)
    %add3A_244 = arith.constant 800000 : i32
    %add3A_245 = arith.addi %add3A_244, %mul3A_237 : i32
    %dma_start3A_246 = tpu.memref_slice %arg2[%add3A_245] : memref<1600000xf32, #tpu.memory_space<hbm>> -> memref<1280xf32, #tpu.memory_space<hbm>>
    %dma_start3A_247 = tpu.memref_slice %arg2[%add3A_245] : memref<1600000xf32, #tpu.memory_space<hbm>> -> memref<1280xf32, #tpu.memory_space<hbm>>
    tpu.enqueue_dma source(%dma_start3A_247 : memref<1280xf32, #tpu.memory_space<hbm>>) target(%arg27 : memref<1280xf32, #tpu.memory_space<vmem>>) target_semaphore(%arg36 : memref<!tpu.dma_semaphore, #tpu.memory_space<semaphore_mem>>)
    %scan3A = arith.constant 0 : i32
    %scan3A_248 = arith.constant 0 : i32
    %scan3A_249 = arith.constant 10 : i32
    %scan3A_250 = arith.addi %scan3A_248, %scan3A_249 : i32
    %scan3A_251 = arith.constant 1 : i32
    scf.for %scan3A_269 = %scan3A_248 to %scan3A_250 step %scan3A_251  : i32 {
      %mul3A_270 = arith.constant 2 : i32
      %mul3A_271 = arith.muli %scan3A_269, %mul3A_270 : i32
      %add3A_272 = arith.constant 0 : i32
      %add3A_273 = arith.addi %mul3A_271, %add3A_272 : i32
      %mul3A_274 = arith.constant 32 : i32
      %mul3A_275 = arith.muli %add3A_273, %mul3A_274 : i32
      %add3A_276 = arith.addi %add3A, %mul3A_275 : i32
      %add3A_277 = arith.constant 32 : i32
      %add3A_278 = arith.addi %add3A_276, %add3A_277 : i32
      %lt3A_279 = arith.constant 625 : i32
      %lt3A_280 = arith.cmpi slt, %add3A_278, %lt3A_279 : i32
      %convert_element_type3A_281 = arith.extui %lt3A_280 : i1 to i32
      %cond3A_282 = arith.constant 0 : i32
      %cond3A_283 = arith.cmpi ne, %convert_element_type3A_281, %cond3A_282 : i32
      scf.if %cond3A_283 {
        %dma_wait3A_322 = arith.constant 0 : i32
        %dma_wait3A_323 = tpu.memref_slice %arg3[%dma_wait3A_322] : memref<800000xi32, #tpu.memory_space<hbm>> -> memref<1280xi32, #tpu.memory_space<hbm>>
        %dma_wait3A_324 = arith.constant 0 : i32
        %dma_wait3A_325 = tpu.memref_slice %arg3[%dma_wait3A_324] : memref<800000xi32, #tpu.memory_space<hbm>> -> memref<1280xi32, #tpu.memory_space<hbm>>
        tpu.wait_dma2 semaphore(%arg36 : memref<!tpu.dma_semaphore, #tpu.memory_space<semaphore_mem>>) src(%dma_wait3A_325 : memref<1280xi32, #tpu.memory_space<hbm>>) dst(%arg24 : memref<1280xi32, #tpu.memory_space<vmem>>)
        %dma_wait3A_326 = arith.constant 0 : i32
        %dma_wait3A_327 = tpu.memref_slice %arg4[%dma_wait3A_326] : memref<800000xi32, #tpu.memory_space<hbm>> -> memref<1280xi32, #tpu.memory_space<hbm>>
        %dma_wait3A_328 = arith.constant 0 : i32
        %dma_wait3A_329 = tpu.memref_slice %arg4[%dma_wait3A_328] : memref<800000xi32, #tpu.memory_space<hbm>> -> memref<1280xi32, #tpu.memory_space<hbm>>
        tpu.wait_dma2 semaphore(%arg36 : memref<!tpu.dma_semaphore, #tpu.memory_space<semaphore_mem>>) src(%dma_wait3A_329 : memref<1280xi32, #tpu.memory_space<hbm>>) dst(%arg25 : memref<1280xi32, #tpu.memory_space<vmem>>)
        %dma_wait3A_330 = arith.constant 0 : i32
        %dma_wait3A_331 = tpu.memref_slice %arg2[%dma_wait3A_330] : memref<1600000xf32, #tpu.memory_space<hbm>> -> memref<1280xf32, #tpu.memory_space<hbm>>
        %dma_wait3A_332 = arith.constant 0 : i32
        %dma_wait3A_333 = tpu.memref_slice %arg2[%dma_wait3A_332] : memref<1600000xf32, #tpu.memory_space<hbm>> -> memref<1280xf32, #tpu.memory_space<hbm>>
        tpu.wait_dma2 semaphore(%arg36 : memref<!tpu.dma_semaphore, #tpu.memory_space<semaphore_mem>>) src(%dma_wait3A_333 : memref<1280xf32, #tpu.memory_space<hbm>>) dst(%arg26 : memref<1280xf32, #tpu.memory_space<vmem>>)
        %dma_wait3A_334 = arith.constant 0 : i32
        %dma_wait3A_335 = tpu.memref_slice %arg2[%dma_wait3A_334] : memref<1600000xf32, #tpu.memory_space<hbm>> -> memref<1280xf32, #tpu.memory_space<hbm>>
        %dma_wait3A_336 = arith.constant 0 : i32
        %dma_wait3A_337 = tpu.memref_slice %arg2[%dma_wait3A_336] : memref<1600000xf32, #tpu.memory_space<hbm>> -> memref<1280xf32, #tpu.memory_space<hbm>>
        tpu.wait_dma2 semaphore(%arg36 : memref<!tpu.dma_semaphore, #tpu.memory_space<semaphore_mem>>) src(%dma_wait3A_337 : memref<1280xf32, #tpu.memory_space<hbm>>) dst(%arg27 : memref<1280xf32, #tpu.memory_space<vmem>>)
        %dma_start3A_338 = arith.constant 0 : i32
        %dma_start3A_339 = tpu.memref_slice %arg28[%dma_start3A_338] : memref<1280xf32, #tpu.memory_space<vmem>> -> memref<128xf32, #tpu.memory_space<vmem>>
        %dma_start3A_340 = arith.constant 0 : i32
        %dma_start3A_341 = tpu.memref_slice %arg25[%dma_start3A_340] : memref<1280xi32, #tpu.memory_space<vmem>> -> memref<128xi32, #tpu.memory_space<vmem>>
        %dma_start3A_342 = arith.constant 0 : i32
        %dma_start3A_343 = tpu.memref_slice %arg10[%dma_start3A_342] : memref<200000xf32, #tpu.memory_space<vmem_shared>> -> memref<200000xf32, #tpu.memory_space<vmem_shared>>
        tpu.enqueue_indirect_dma source(%dma_start3A_343 : memref<200000xf32, #tpu.memory_space<vmem_shared>>) target(%dma_start3A_339 : memref<128xf32, #tpu.memory_space<vmem>>) offsets(%dma_start3A_341 : memref<128xi32, #tpu.memory_space<vmem>>) semaphore(%arg37 : memref<!tpu.dma_semaphore, #tpu.memory_space<semaphore_mem>>)
        %dma_start3A_344 = arith.constant 0 : i32
        %dma_start3A_345 = tpu.memref_slice %arg29[%dma_start3A_344] : memref<1280xf32, #tpu.memory_space<vmem>> -> memref<128xf32, #tpu.memory_space<vmem>>
        %dma_start3A_346 = arith.constant 0 : i32
        %dma_start3A_347 = tpu.memref_slice %arg25[%dma_start3A_346] : memref<1280xi32, #tpu.memory_space<vmem>> -> memref<128xi32, #tpu.memory_space<vmem>>
        %dma_start3A_348 = arith.constant 0 : i32
        %dma_start3A_349 = tpu.memref_slice %arg11[%dma_start3A_348] : memref<200000xf32, #tpu.memory_space<vmem_shared>> -> memref<200000xf32, #tpu.memory_space<vmem_shared>>
        tpu.enqueue_indirect_dma source(%dma_start3A_349 : memref<200000xf32, #tpu.memory_space<vmem_shared>>) target(%dma_start3A_345 : memref<128xf32, #tpu.memory_space<vmem>>) offsets(%dma_start3A_347 : memref<128xi32, #tpu.memory_space<vmem>>) semaphore(%arg37 : memref<!tpu.dma_semaphore, #tpu.memory_space<semaphore_mem>>)
        %dma_start3A_350 = arith.constant 0 : i32
        %dma_start3A_351 = tpu.memref_slice %arg30[%dma_start3A_350] : memref<1280xf32, #tpu.memory_space<vmem>> -> memref<128xf32, #tpu.memory_space<vmem>>
        %dma_start3A_352 = arith.constant 0 : i32
        %dma_start3A_353 = tpu.memref_slice %arg25[%dma_start3A_352] : memref<1280xi32, #tpu.memory_space<vmem>> -> memref<128xi32, #tpu.memory_space<vmem>>
        %dma_start3A_354 = arith.constant 0 : i32
        %dma_start3A_355 = tpu.memref_slice %arg12[%dma_start3A_354] : memref<200000xf32, #tpu.memory_space<vmem_shared>> -> memref<200000xf32, #tpu.memory_space<vmem_shared>>
        tpu.enqueue_indirect_dma source(%dma_start3A_355 : memref<200000xf32, #tpu.memory_space<vmem_shared>>) target(%dma_start3A_351 : memref<128xf32, #tpu.memory_space<vmem>>) offsets(%dma_start3A_353 : memref<128xi32, #tpu.memory_space<vmem>>) semaphore(%arg37 : memref<!tpu.dma_semaphore, #tpu.memory_space<semaphore_mem>>)
        %dma_start3A_356 = arith.constant 128 : i32
        %dma_start3A_357 = tpu.memref_slice %arg28[%dma_start3A_356] : memref<1280xf32, #tpu.memory_space<vmem>> -> memref<128xf32, #tpu.memory_space<vmem>>
        %dma_start3A_358 = arith.constant 128 : i32
        %dma_start3A_359 = tpu.memref_slice %arg25[%dma_start3A_358] : memref<1280xi32, #tpu.memory_space<vmem>> -> memref<128xi32, #tpu.memory_space<vmem>>
        %dma_start3A_360 = arith.constant 0 : i32
        %dma_start3A_361 = tpu.memref_slice %arg10[%dma_start3A_360] : memref<200000xf32, #tpu.memory_space<vmem_shared>> -> memref<200000xf32, #tpu.memory_space<vmem_shared>>
        tpu.enqueue_indirect_dma source(%dma_start3A_361 : memref<200000xf32, #tpu.memory_space<vmem_shared>>) target(%dma_start3A_357 : memref<128xf32, #tpu.memory_space<vmem>>) offsets(%dma_start3A_359 : memref<128xi32, #tpu.memory_space<vmem>>) semaphore(%arg37 : memref<!tpu.dma_semaphore, #tpu.memory_space<semaphore_mem>>)
        %dma_start3A_362 = arith.constant 128 : i32
        %dma_start3A_363 = tpu.memref_slice %arg29[%dma_start3A_362] : memref<1280xf32, #tpu.memory_space<vmem>> -> memref<128xf32, #tpu.memory_space<vmem>>
        %dma_start3A_364 = arith.constant 128 : i32
        %dma_start3A_365 = tpu.memref_slice %arg25[%dma_start3A_364] : memref<1280xi32, #tpu.memory_space<vmem>> -> memref<128xi32, #tpu.memory_space<vmem>>
        %dma_start3A_366 = arith.constant 0 : i32
        %dma_start3A_367 = tpu.memref_slice %arg11[%dma_start3A_366] : memref<200000xf32, #tpu.memory_space<vmem_shared>> -> memref<200000xf32, #tpu.memory_space<vmem_shared>>
        tpu.enqueue_indirect_dma source(%dma_start3A_367 : memref<200000xf32, #tpu.memory_space<vmem_shared>>) target(%dma_start3A_363 : memref<128xf32, #tpu.memory_space<vmem>>) offsets(%dma_start3A_365 : memref<128xi32, #tpu.memory_space<vmem>>) semaphore(%arg37 : memref<!tpu.dma_semaphore, #tpu.memory_space<semaphore_mem>>)
        %dma_start3A_368 = arith.constant 128 : i32
        %dma_start3A_369 = tpu.memref_slice %arg30[%dma_start3A_368] : memref<1280xf32, #tpu.memory_space<vmem>> -> memref<128xf32, #tpu.memory_space<vmem>>
        %dma_start3A_370 = arith.constant 128 : i32
        %dma_start3A_371 = tpu.memref_slice %arg25[%dma_start3A_370] : memref<1280xi32, #tpu.memory_space<vmem>> -> memref<128xi32, #tpu.memory_space<vmem>>
        %dma_start3A_372 = arith.constant 0 : i32
        %dma_start3A_373 = tpu.memref_slice %arg12[%dma_start3A_372] : memref<200000xf32, #tpu.memory_space<vmem_shared>> -> memref<200000xf32, #tpu.memory_space<vmem_shared>>
        tpu.enqueue_indirect_dma source(%dma_start3A_373 : memref<200000xf32, #tpu.memory_space<vmem_shared>>) target(%dma_start3A_369 : memref<128xf32, #tpu.memory_space<vmem>>) offsets(%dma_start3A_371 : memref<128xi32, #tpu.memory_space<vmem>>) semaphore(%arg37 : memref<!tpu.dma_semaphore, #tpu.memory_space<semaphore_mem>>)
        %dma_start3A_374 = arith.constant 256 : i32
        %dma_start3A_375 = tpu.memref_slice %arg28[%dma_start3A_374] : memref<1280xf32, #tpu.memory_space<vmem>> -> memref<128xf32, #tpu.memory_space<vmem>>
        %dma_start3A_376 = arith.constant 256 : i32
        %dma_start3A_377 = tpu.memref_slice %arg25[%dma_start3A_376] : memref<1280xi32, #tpu.memory_space<vmem>> -> memref<128xi32, #tpu.memory_space<vmem>>
        %dma_start3A_378 = arith.constant 0 : i32
        %dma_start3A_379 = tpu.memref_slice %arg10[%dma_start3A_378] : memref<200000xf32, #tpu.memory_space<vmem_shared>> -> memref<200000xf32, #tpu.memory_space<vmem_shared>>
        tpu.enqueue_indirect_dma source(%dma_start3A_379 : memref<200000xf32, #tpu.memory_space<vmem_shared>>) target(%dma_start3A_375 : memref<128xf32, #tpu.memory_space<vmem>>) offsets(%dma_start3A_377 : memref<128xi32, #tpu.memory_space<vmem>>) semaphore(%arg37 : memref<!tpu.dma_semaphore, #tpu.memory_space<semaphore_mem>>)
        %dma_start3A_380 = arith.constant 256 : i32
        %dma_start3A_381 = tpu.memref_slice %arg29[%dma_start3A_380] : memref<1280xf32, #tpu.memory_space<vmem>> -> memref<128xf32, #tpu.memory_space<vmem>>
        %dma_start3A_382 = arith.constant 256 : i32
        %dma_start3A_383 = tpu.memref_slice %arg25[%dma_start3A_382] : memref<1280xi32, #tpu.memory_space<vmem>> -> memref<128xi32, #tpu.memory_space<vmem>>
        %dma_start3A_384 = arith.constant 0 : i32
        %dma_start3A_385 = tpu.memref_slice %arg11[%dma_start3A_384] : memref<200000xf32, #tpu.memory_space<vmem_shared>> -> memref<200000xf32, #tpu.memory_space<vmem_shared>>
        tpu.enqueue_indirect_dma source(%dma_start3A_385 : memref<200000xf32, #tpu.memory_space<vmem_shared>>) target(%dma_start3A_381 : memref<128xf32, #tpu.memory_space<vmem>>) offsets(%dma_start3A_383 : memref<128xi32, #tpu.memory_space<vmem>>) semaphore(%arg37 : memref<!tpu.dma_semaphore, #tpu.memory_space<semaphore_mem>>)
        %dma_start3A_386 = arith.constant 256 : i32
        %dma_start3A_387 = tpu.memref_slice %arg30[%dma_start3A_386] : memref<1280xf32, #tpu.memory_space<vmem>> -> memref<128xf32, #tpu.memory_space<vmem>>
        %dma_start3A_388 = arith.constant 256 : i32
        %dma_start3A_389 = tpu.memref_slice %arg25[%dma_start3A_388] : memref<1280xi32, #tpu.memory_space<vmem>> -> memref<128xi32, #tpu.memory_space<vmem>>
        %dma_start3A_390 = arith.constant 0 : i32
        %dma_start3A_391 = tpu.memref_slice %arg12[%dma_start3A_390] : memref<200000xf32, #tpu.memory_space<vmem_shared>> -> memref<200000xf32, #tpu.memory_space<vmem_shared>>
        tpu.enqueue_indirect_dma source(%dma_start3A_391 : memref<200000xf32, #tpu.memory_space<vmem_shared>>) target(%dma_start3A_387 : memref<128xf32, #tpu.memory_space<vmem>>) offsets(%dma_start3A_389 : memref<128xi32, #tpu.memory_space<vmem>>) semaphore(%arg37 : memref<!tpu.dma_semaphore, #tpu.memory_space<semaphore_mem>>)
        %dma_start3A_392 = arith.constant 384 : i32
        %dma_start3A_393 = tpu.memref_slice %arg28[%dma_start3A_392] : memref<1280xf32, #tpu.memory_space<vmem>> -> memref<128xf32, #tpu.memory_space<vmem>>
        %dma_start3A_394 = arith.constant 384 : i32
        %dma_start3A_395 = tpu.memref_slice %arg25[%dma_start3A_394] : memref<1280xi32, #tpu.memory_space<vmem>> -> memref<128xi32, #tpu.memory_space<vmem>>
        %dma_start3A_396 = arith.constant 0 : i32
        %dma_start3A_397 = tpu.memref_slice %arg10[%dma_start3A_396] : memref<200000xf32, #tpu.memory_space<vmem_shared>> -> memref<200000xf32, #tpu.memory_space<vmem_shared>>
        tpu.enqueue_indirect_dma source(%dma_start3A_397 : memref<200000xf32, #tpu.memory_space<vmem_shared>>) target(%dma_start3A_393 : memref<128xf32, #tpu.memory_space<vmem>>) offsets(%dma_start3A_395 : memref<128xi32, #tpu.memory_space<vmem>>) semaphore(%arg37 : memref<!tpu.dma_semaphore, #tpu.memory_space<semaphore_mem>>)
        %dma_start3A_398 = arith.constant 384 : i32
        %dma_start3A_399 = tpu.memref_slice %arg29[%dma_start3A_398] : memref<1280xf32, #tpu.memory_space<vmem>> -> memref<128xf32, #tpu.memory_space<vmem>>
        %dma_start3A_400 = arith.constant 384 : i32
        %dma_start3A_401 = tpu.memref_slice %arg25[%dma_start3A_400] : memref<1280xi32, #tpu.memory_space<vmem>> -> memref<128xi32, #tpu.memory_space<vmem>>
        %dma_start3A_402 = arith.constant 0 : i32
        %dma_start3A_403 = tpu.memref_slice %arg11[%dma_start3A_402] : memref<200000xf32, #tpu.memory_space<vmem_shared>> -> memref<200000xf32, #tpu.memory_space<vmem_shared>>
        tpu.enqueue_indirect_dma source(%dma_start3A_403 : memref<200000xf32, #tpu.memory_space<vmem_shared>>) target(%dma_start3A_399 : memref<128xf32, #tpu.memory_space<vmem>>) offsets(%dma_start3A_401 : memref<128xi32, #tpu.memory_space<vmem>>) semaphore(%arg37 : memref<!tpu.dma_semaphore, #tpu.memory_space<semaphore_mem>>)
        %dma_start3A_404 = arith.constant 384 : i32
        %dma_start3A_405 = tpu.memref_slice %arg30[%dma_start3A_404] : memref<1280xf32, #tpu.memory_space<vmem>> -> memref<128xf32, #tpu.memory_space<vmem>>
        %dma_start3A_406 = arith.constant 384 : i32
        %dma_start3A_407 = tpu.memref_slice %arg25[%dma_start3A_406] : memref<1280xi32, #tpu.memory_space<vmem>> -> memref<128xi32, #tpu.memory_space<vmem>>
        %dma_start3A_408 = arith.constant 0 : i32
        %dma_start3A_409 = tpu.memref_slice %arg12[%dma_start3A_408] : memref<200000xf32, #tpu.memory_space<vmem_shared>> -> memref<200000xf32, #tpu.memory_space<vmem_shared>>
        tpu.enqueue_indirect_dma source(%dma_start3A_409 : memref<200000xf32, #tpu.memory_space<vmem_shared>>) target(%dma_start3A_405 : memref<128xf32, #tpu.memory_space<vmem>>) offsets(%dma_start3A_407 : memref<128xi32, #tpu.memory_space<vmem>>) semaphore(%arg37 : memref<!tpu.dma_semaphore, #tpu.memory_space<semaphore_mem>>)
        %dma_start3A_410 = arith.constant 512 : i32
        %dma_start3A_411 = tpu.memref_slice %arg28[%dma_start3A_410] : memref<1280xf32, #tpu.memory_space<vmem>> -> memref<128xf32, #tpu.memory_space<vmem>>
        %dma_start3A_412 = arith.constant 512 : i32
        %dma_start3A_413 = tpu.memref_slice %arg25[%dma_start3A_412] : memref<1280xi32, #tpu.memory_space<vmem>> -> memref<128xi32, #tpu.memory_space<vmem>>
        %dma_start3A_414 = arith.constant 0 : i32
        %dma_start3A_415 = tpu.memref_slice %arg10[%dma_start3A_414] : memref<200000xf32, #tpu.memory_space<vmem_shared>> -> memref<200000xf32, #tpu.memory_space<vmem_shared>>
        tpu.enqueue_indirect_dma source(%dma_start3A_415 : memref<200000xf32, #tpu.memory_space<vmem_shared>>) target(%dma_start3A_411 : memref<128xf32, #tpu.memory_space<vmem>>) offsets(%dma_start3A_413 : memref<128xi32, #tpu.memory_space<vmem>>) semaphore(%arg37 : memref<!tpu.dma_semaphore, #tpu.memory_space<semaphore_mem>>)
        %dma_start3A_416 = arith.constant 512 : i32
        %dma_start3A_417 = tpu.memref_slice %arg29[%dma_start3A_416] : memref<1280xf32, #tpu.memory_space<vmem>> -> memref<128xf32, #tpu.memory_space<vmem>>
        %dma_start3A_418 = arith.constant 512 : i32
        %dma_start3A_419 = tpu.memref_slice %arg25[%dma_start3A_418] : memref<1280xi32, #tpu.memory_space<vmem>> -> memref<128xi32, #tpu.memory_space<vmem>>
        %dma_start3A_420 = arith.constant 0 : i32
        %dma_start3A_421 = tpu.memref_slice %arg11[%dma_start3A_420] : memref<200000xf32, #tpu.memory_space<vmem_shared>> -> memref<200000xf32, #tpu.memory_space<vmem_shared>>
        tpu.enqueue_indirect_dma source(%dma_start3A_421 : memref<200000xf32, #tpu.memory_space<vmem_shared>>) target(%dma_start3A_417 : memref<128xf32, #tpu.memory_space<vmem>>) offsets(%dma_start3A_419 : memref<128xi32, #tpu.memory_space<vmem>>) semaphore(%arg37 : memref<!tpu.dma_semaphore, #tpu.memory_space<semaphore_mem>>)
        %dma_start3A_422 = arith.constant 512 : i32
        %dma_start3A_423 = tpu.memref_slice %arg30[%dma_start3A_422] : memref<1280xf32, #tpu.memory_space<vmem>> -> memref<128xf32, #tpu.memory_space<vmem>>
        %dma_start3A_424 = arith.constant 512 : i32
        %dma_start3A_425 = tpu.memref_slice %arg25[%dma_start3A_424] : memref<1280xi32, #tpu.memory_space<vmem>> -> memref<128xi32, #tpu.memory_space<vmem>>
        %dma_start3A_426 = arith.constant 0 : i32
        %dma_start3A_427 = tpu.memref_slice %arg12[%dma_start3A_426] : memref<200000xf32, #tpu.memory_space<vmem_shared>> -> memref<200000xf32, #tpu.memory_space<vmem_shared>>
        tpu.enqueue_indirect_dma source(%dma_start3A_427 : memref<200000xf32, #tpu.memory_space<vmem_shared>>) target(%dma_start3A_423 : memref<128xf32, #tpu.memory_space<vmem>>) offsets(%dma_start3A_425 : memref<128xi32, #tpu.memory_space<vmem>>) semaphore(%arg37 : memref<!tpu.dma_semaphore, #tpu.memory_space<semaphore_mem>>)
        %dma_start3A_428 = arith.constant 640 : i32
        %dma_start3A_429 = tpu.memref_slice %arg28[%dma_start3A_428] : memref<1280xf32, #tpu.memory_space<vmem>> -> memref<128xf32, #tpu.memory_space<vmem>>
        %dma_start3A_430 = arith.constant 640 : i32
        %dma_start3A_431 = tpu.memref_slice %arg25[%dma_start3A_430] : memref<1280xi32, #tpu.memory_space<vmem>> -> memref<128xi32, #tpu.memory_space<vmem>>
        %dma_start3A_432 = arith.constant 0 : i32
        %dma_start3A_433 = tpu.memref_slice %arg10[%dma_start3A_432] : memref<200000xf32, #tpu.memory_space<vmem_shared>> -> memref<200000xf32, #tpu.memory_space<vmem_shared>>
        tpu.enqueue_indirect_dma source(%dma_start3A_433 : memref<200000xf32, #tpu.memory_space<vmem_shared>>) target(%dma_start3A_429 : memref<128xf32, #tpu.memory_space<vmem>>) offsets(%dma_start3A_431 : memref<128xi32, #tpu.memory_space<vmem>>) semaphore(%arg37 : memref<!tpu.dma_semaphore, #tpu.memory_space<semaphore_mem>>)
        %dma_start3A_434 = arith.constant 640 : i32
        %dma_start3A_435 = tpu.memref_slice %arg29[%dma_start3A_434] : memref<1280xf32, #tpu.memory_space<vmem>> -> memref<128xf32, #tpu.memory_space<vmem>>
        %dma_start3A_436 = arith.constant 640 : i32
        %dma_start3A_437 = tpu.memref_slice %arg25[%dma_start3A_436] : memref<1280xi32, #tpu.memory_space<vmem>> -> memref<128xi32, #tpu.memory_space<vmem>>
        %dma_start3A_438 = arith.constant 0 : i32
        %dma_start3A_439 = tpu.memref_slice %arg11[%dma_start3A_438] : memref<200000xf32, #tpu.memory_space<vmem_shared>> -> memref<200000xf32, #tpu.memory_space<vmem_shared>>
        tpu.enqueue_indirect_dma source(%dma_start3A_439 : memref<200000xf32, #tpu.memory_space<vmem_shared>>) target(%dma_start3A_435 : memref<128xf32, #tpu.memory_space<vmem>>) offsets(%dma_start3A_437 : memref<128xi32, #tpu.memory_space<vmem>>) semaphore(%arg37 : memref<!tpu.dma_semaphore, #tpu.memory_space<semaphore_mem>>)
        %dma_start3A_440 = arith.constant 640 : i32
        %dma_start3A_441 = tpu.memref_slice %arg30[%dma_start3A_440] : memref<1280xf32, #tpu.memory_space<vmem>> -> memref<128xf32, #tpu.memory_space<vmem>>
        %dma_start3A_442 = arith.constant 640 : i32
        %dma_start3A_443 = tpu.memref_slice %arg25[%dma_start3A_442] : memref<1280xi32, #tpu.memory_space<vmem>> -> memref<128xi32, #tpu.memory_space<vmem>>
        %dma_start3A_444 = arith.constant 0 : i32
        %dma_start3A_445 = tpu.memref_slice %arg12[%dma_start3A_444] : memref<200000xf32, #tpu.memory_space<vmem_shared>> -> memref<200000xf32, #tpu.memory_space<vmem_shared>>
        tpu.enqueue_indirect_dma source(%dma_start3A_445 : memref<200000xf32, #tpu.memory_space<vmem_shared>>) target(%dma_start3A_441 : memref<128xf32, #tpu.memory_space<vmem>>) offsets(%dma_start3A_443 : memref<128xi32, #tpu.memory_space<vmem>>) semaphore(%arg37 : memref<!tpu.dma_semaphore, #tpu.memory_space<semaphore_mem>>)
        %dma_start3A_446 = arith.constant 768 : i32
        %dma_start3A_447 = tpu.memref_slice %arg28[%dma_start3A_446] : memref<1280xf32, #tpu.memory_space<vmem>> -> memref<128xf32, #tpu.memory_space<vmem>>
        %dma_start3A_448 = arith.constant 768 : i32
        %dma_start3A_449 = tpu.memref_slice %arg25[%dma_start3A_448] : memref<1280xi32, #tpu.memory_space<vmem>> -> memref<128xi32, #tpu.memory_space<vmem>>
        %dma_start3A_450 = arith.constant 0 : i32
        %dma_start3A_451 = tpu.memref_slice %arg10[%dma_start3A_450] : memref<200000xf32, #tpu.memory_space<vmem_shared>> -> memref<200000xf32, #tpu.memory_space<vmem_shared>>
        tpu.enqueue_indirect_dma source(%dma_start3A_451 : memref<200000xf32, #tpu.memory_space<vmem_shared>>) target(%dma_start3A_447 : memref<128xf32, #tpu.memory_space<vmem>>) offsets(%dma_start3A_449 : memref<128xi32, #tpu.memory_space<vmem>>) semaphore(%arg37 : memref<!tpu.dma_semaphore, #tpu.memory_space<semaphore_mem>>)
        %dma_start3A_452 = arith.constant 768 : i32
        %dma_start3A_453 = tpu.memref_slice %arg29[%dma_start3A_452] : memref<1280xf32, #tpu.memory_space<vmem>> -> memref<128xf32, #tpu.memory_space<vmem>>
        %dma_start3A_454 = arith.constant 768 : i32
        %dma_start3A_455 = tpu.memref_slice %arg25[%dma_start3A_454] : memref<1280xi32, #tpu.memory_space<vmem>> -> memref<128xi32, #tpu.memory_space<vmem>>
        %dma_start3A_456 = arith.constant 0 : i32
        %dma_start3A_457 = tpu.memref_slice %arg11[%dma_start3A_456] : memref<200000xf32, #tpu.memory_space<vmem_shared>> -> memref<200000xf32, #tpu.memory_space<vmem_shared>>
        tpu.enqueue_indirect_dma source(%dma_start3A_457 : memref<200000xf32, #tpu.memory_space<vmem_shared>>) target(%dma_start3A_453 : memref<128xf32, #tpu.memory_space<vmem>>) offsets(%dma_start3A_455 : memref<128xi32, #tpu.memory_space<vmem>>) semaphore(%arg37 : memref<!tpu.dma_semaphore, #tpu.memory_space<semaphore_mem>>)
        %dma_start3A_458 = arith.constant 768 : i32
        %dma_start3A_459 = tpu.memref_slice %arg30[%dma_start3A_458] : memref<1280xf32, #tpu.memory_space<vmem>> -> memref<128xf32, #tpu.memory_space<vmem>>
        %dma_start3A_460 = arith.constant 768 : i32
        %dma_start3A_461 = tpu.memref_slice %arg25[%dma_start3A_460] : memref<1280xi32, #tpu.memory_space<vmem>> -> memref<128xi32, #tpu.memory_space<vmem>>
        %dma_start3A_462 = arith.constant 0 : i32
        %dma_start3A_463 = tpu.memref_slice %arg12[%dma_start3A_462] : memref<200000xf32, #tpu.memory_space<vmem_shared>> -> memref<200000xf32, #tpu.memory_space<vmem_shared>>
        tpu.enqueue_indirect_dma source(%dma_start3A_463 : memref<200000xf32, #tpu.memory_space<vmem_shared>>) target(%dma_start3A_459 : memref<128xf32, #tpu.memory_space<vmem>>) offsets(%dma_start3A_461 : memref<128xi32, #tpu.memory_space<vmem>>) semaphore(%arg37 : memref<!tpu.dma_semaphore, #tpu.memory_space<semaphore_mem>>)
        %dma_start3A_464 = arith.constant 896 : i32
        %dma_start3A_465 = tpu.memref_slice %arg28[%dma_start3A_464] : memref<1280xf32, #tpu.memory_space<vmem>> -> memref<128xf32, #tpu.memory_space<vmem>>
        %dma_start3A_466 = arith.constant 896 : i32
        %dma_start3A_467 = tpu.memref_slice %arg25[%dma_start3A_466] : memref<1280xi32, #tpu.memory_space<vmem>> -> memref<128xi32, #tpu.memory_space<vmem>>
        %dma_start3A_468 = arith.constant 0 : i32
        %dma_start3A_469 = tpu.memref_slice %arg10[%dma_start3A_468] : memref<200000xf32, #tpu.memory_space<vmem_shared>> -> memref<200000xf32, #tpu.memory_space<vmem_shared>>
        tpu.enqueue_indirect_dma source(%dma_start3A_469 : memref<200000xf32, #tpu.memory_space<vmem_shared>>) target(%dma_start3A_465 : memref<128xf32, #tpu.memory_space<vmem>>) offsets(%dma_start3A_467 : memref<128xi32, #tpu.memory_space<vmem>>) semaphore(%arg37 : memref<!tpu.dma_semaphore, #tpu.memory_space<semaphore_mem>>)
        %dma_start3A_470 = arith.constant 896 : i32
        %dma_start3A_471 = tpu.memref_slice %arg29[%dma_start3A_470] : memref<1280xf32, #tpu.memory_space<vmem>> -> memref<128xf32, #tpu.memory_space<vmem>>
        %dma_start3A_472 = arith.constant 896 : i32
        %dma_start3A_473 = tpu.memref_slice %arg25[%dma_start3A_472] : memref<1280xi32, #tpu.memory_space<vmem>> -> memref<128xi32, #tpu.memory_space<vmem>>
        %dma_start3A_474 = arith.constant 0 : i32
        %dma_start3A_475 = tpu.memref_slice %arg11[%dma_start3A_474] : memref<200000xf32, #tpu.memory_space<vmem_shared>> -> memref<200000xf32, #tpu.memory_space<vmem_shared>>
        tpu.enqueue_indirect_dma source(%dma_start3A_475 : memref<200000xf32, #tpu.memory_space<vmem_shared>>) target(%dma_start3A_471 : memref<128xf32, #tpu.memory_space<vmem>>) offsets(%dma_start3A_473 : memref<128xi32, #tpu.memory_space<vmem>>) semaphore(%arg37 : memref<!tpu.dma_semaphore, #tpu.memory_space<semaphore_mem>>)
        %dma_start3A_476 = arith.constant 896 : i32
        %dma_start3A_477 = tpu.memref_slice %arg30[%dma_start3A_476] : memref<1280xf32, #tpu.memory_space<vmem>> -> memref<128xf32, #tpu.memory_space<vmem>>
        %dma_start3A_478 = arith.constant 896 : i32
        %dma_start3A_479 = tpu.memref_slice %arg25[%dma_start3A_478] : memref<1280xi32, #tpu.memory_space<vmem>> -> memref<128xi32, #tpu.memory_space<vmem>>
        %dma_start3A_480 = arith.constant 0 : i32
        %dma_start3A_481 = tpu.memref_slice %arg12[%dma_start3A_480] : memref<200000xf32, #tpu.memory_space<vmem_shared>> -> memref<200000xf32, #tpu.memory_space<vmem_shared>>
        tpu.enqueue_indirect_dma source(%dma_start3A_481 : memref<200000xf32, #tpu.memory_space<vmem_shared>>) target(%dma_start3A_477 : memref<128xf32, #tpu.memory_space<vmem>>) offsets(%dma_start3A_479 : memref<128xi32, #tpu.memory_space<vmem>>) semaphore(%arg37 : memref<!tpu.dma_semaphore, #tpu.memory_space<semaphore_mem>>)
        %dma_start3A_482 = arith.constant 1024 : i32
        %dma_start3A_483 = tpu.memref_slice %arg28[%dma_start3A_482] : memref<1280xf32, #tpu.memory_space<vmem>> -> memref<128xf32, #tpu.memory_space<vmem>>
        %dma_start3A_484 = arith.constant 1024 : i32
        %dma_start3A_485 = tpu.memref_slice %arg25[%dma_start3A_484] : memref<1280xi32, #tpu.memory_space<vmem>> -> memref<128xi32, #tpu.memory_space<vmem>>
        %dma_start3A_486 = arith.constant 0 : i32
        %dma_start3A_487 = tpu.memref_slice %arg10[%dma_start3A_486] : memref<200000xf32, #tpu.memory_space<vmem_shared>> -> memref<200000xf32, #tpu.memory_space<vmem_shared>>
        tpu.enqueue_indirect_dma source(%dma_start3A_487 : memref<200000xf32, #tpu.memory_space<vmem_shared>>) target(%dma_start3A_483 : memref<128xf32, #tpu.memory_space<vmem>>) offsets(%dma_start3A_485 : memref<128xi32, #tpu.memory_space<vmem>>) semaphore(%arg37 : memref<!tpu.dma_semaphore, #tpu.memory_space<semaphore_mem>>)
        %dma_start3A_488 = arith.constant 1024 : i32
        %dma_start3A_489 = tpu.memref_slice %arg29[%dma_start3A_488] : memref<1280xf32, #tpu.memory_space<vmem>> -> memref<128xf32, #tpu.memory_space<vmem>>
        %dma_start3A_490 = arith.constant 1024 : i32
        %dma_start3A_491 = tpu.memref_slice %arg25[%dma_start3A_490] : memref<1280xi32, #tpu.memory_space<vmem>> -> memref<128xi32, #tpu.memory_space<vmem>>
        %dma_start3A_492 = arith.constant 0 : i32
        %dma_start3A_493 = tpu.memref_slice %arg11[%dma_start3A_492] : memref<200000xf32, #tpu.memory_space<vmem_shared>> -> memref<200000xf32, #tpu.memory_space<vmem_shared>>
        tpu.enqueue_indirect_dma source(%dma_start3A_493 : memref<200000xf32, #tpu.memory_space<vmem_shared>>) target(%dma_start3A_489 : memref<128xf32, #tpu.memory_space<vmem>>) offsets(%dma_start3A_491 : memref<128xi32, #tpu.memory_space<vmem>>) semaphore(%arg37 : memref<!tpu.dma_semaphore, #tpu.memory_space<semaphore_mem>>)
        %dma_start3A_494 = arith.constant 1024 : i32
        %dma_start3A_495 = tpu.memref_slice %arg30[%dma_start3A_494] : memref<1280xf32, #tpu.memory_space<vmem>> -> memref<128xf32, #tpu.memory_space<vmem>>
        %dma_start3A_496 = arith.constant 1024 : i32
        %dma_start3A_497 = tpu.memref_slice %arg25[%dma_start3A_496] : memref<1280xi32, #tpu.memory_space<vmem>> -> memref<128xi32, #tpu.memory_space<vmem>>
        %dma_start3A_498 = arith.constant 0 : i32
        %dma_start3A_499 = tpu.memref_slice %arg12[%dma_start3A_498] : memref<200000xf32, #tpu.memory_space<vmem_shared>> -> memref<200000xf32, #tpu.memory_space<vmem_shared>>
        tpu.enqueue_indirect_dma source(%dma_start3A_499 : memref<200000xf32, #tpu.memory_space<vmem_shared>>) target(%dma_start3A_495 : memref<128xf32, #tpu.memory_space<vmem>>) offsets(%dma_start3A_497 : memref<128xi32, #tpu.memory_space<vmem>>) semaphore(%arg37 : memref<!tpu.dma_semaphore, #tpu.memory_space<semaphore_mem>>)
        %dma_start3A_500 = arith.constant 1152 : i32
        %dma_start3A_501 = tpu.memref_slice %arg28[%dma_start3A_500] : memref<1280xf32, #tpu.memory_space<vmem>> -> memref<128xf32, #tpu.memory_space<vmem>>
        %dma_start3A_502 = arith.constant 1152 : i32
        %dma_start3A_503 = tpu.memref_slice %arg25[%dma_start3A_502] : memref<1280xi32, #tpu.memory_space<vmem>> -> memref<128xi32, #tpu.memory_space<vmem>>
        %dma_start3A_504 = arith.constant 0 : i32
        %dma_start3A_505 = tpu.memref_slice %arg10[%dma_start3A_504] : memref<200000xf32, #tpu.memory_space<vmem_shared>> -> memref<200000xf32, #tpu.memory_space<vmem_shared>>
        tpu.enqueue_indirect_dma source(%dma_start3A_505 : memref<200000xf32, #tpu.memory_space<vmem_shared>>) target(%dma_start3A_501 : memref<128xf32, #tpu.memory_space<vmem>>) offsets(%dma_start3A_503 : memref<128xi32, #tpu.memory_space<vmem>>) semaphore(%arg37 : memref<!tpu.dma_semaphore, #tpu.memory_space<semaphore_mem>>)
        %dma_start3A_506 = arith.constant 1152 : i32
        %dma_start3A_507 = tpu.memref_slice %arg29[%dma_start3A_506] : memref<1280xf32, #tpu.memory_space<vmem>> -> memref<128xf32, #tpu.memory_space<vmem>>
        %dma_start3A_508 = arith.constant 1152 : i32
        %dma_start3A_509 = tpu.memref_slice %arg25[%dma_start3A_508] : memref<1280xi32, #tpu.memory_space<vmem>> -> memref<128xi32, #tpu.memory_space<vmem>>
        %dma_start3A_510 = arith.constant 0 : i32
        %dma_start3A_511 = tpu.memref_slice %arg11[%dma_start3A_510] : memref<200000xf32, #tpu.memory_space<vmem_shared>> -> memref<200000xf32, #tpu.memory_space<vmem_shared>>
        tpu.enqueue_indirect_dma source(%dma_start3A_511 : memref<200000xf32, #tpu.memory_space<vmem_shared>>) target(%dma_start3A_507 : memref<128xf32, #tpu.memory_space<vmem>>) offsets(%dma_start3A_509 : memref<128xi32, #tpu.memory_space<vmem>>) semaphore(%arg37 : memref<!tpu.dma_semaphore, #tpu.memory_space<semaphore_mem>>)
        %dma_start3A_512 = arith.constant 1152 : i32
        %dma_start3A_513 = tpu.memref_slice %arg30[%dma_start3A_512] : memref<1280xf32, #tpu.memory_space<vmem>> -> memref<128xf32, #tpu.memory_space<vmem>>
        %dma_start3A_514 = arith.constant 1152 : i32
        %dma_start3A_515 = tpu.memref_slice %arg25[%dma_start3A_514] : memref<1280xi32, #tpu.memory_space<vmem>> -> memref<128xi32, #tpu.memory_space<vmem>>
        %dma_start3A_516 = arith.constant 0 : i32
        %dma_start3A_517 = tpu.memref_slice %arg12[%dma_start3A_516] : memref<200000xf32, #tpu.memory_space<vmem_shared>> -> memref<200000xf32, #tpu.memory_space<vmem_shared>>
        tpu.enqueue_indirect_dma source(%dma_start3A_517 : memref<200000xf32, #tpu.memory_space<vmem_shared>>) target(%dma_start3A_513 : memref<128xf32, #tpu.memory_space<vmem>>) offsets(%dma_start3A_515 : memref<128xi32, #tpu.memory_space<vmem>>) semaphore(%arg37 : memref<!tpu.dma_semaphore, #tpu.memory_space<semaphore_mem>>)
      } else {
      }
      %lt3A_284 = arith.constant 625 : i32
      %lt3A_285 = arith.cmpi slt, %add3A_276, %lt3A_284 : i32
      %convert_element_type3A_286 = arith.extui %lt3A_285 : i1 to i32
      %cond3A_287 = arith.constant 0 : i32
      %cond3A_288 = arith.cmpi ne, %convert_element_type3A_286, %cond3A_287 : i32
      scf.if %cond3A_288 {
        %dma_wait3A_322 = arith.constant 0 : i32
        %dma_wait3A_323 = tpu.memref_slice %arg19[%dma_wait3A_322] : memref<1280xf32, #tpu.memory_space<vmem>> -> memref<128xf32, #tpu.memory_space<vmem>>
        %dma_wait3A_324 = arith.constant 0 : i32
        %dma_wait3A_325 = tpu.memref_slice %arg16[%dma_wait3A_324] : memref<1280xi32, #tpu.memory_space<vmem>> -> memref<128xi32, #tpu.memory_space<vmem>>
        %dma_wait3A_326 = arith.constant 0 : i32
        %dma_wait3A_327 = tpu.memref_slice %arg10[%dma_wait3A_326] : memref<200000xf32, #tpu.memory_space<vmem_shared>> -> memref<200000xf32, #tpu.memory_space<vmem_shared>>
        tpu.wait_indirect_dma semaphore(%arg34 : memref<!tpu.dma_semaphore, #tpu.memory_space<semaphore_mem>>) src(%dma_wait3A_327 : memref<200000xf32, #tpu.memory_space<vmem_shared>>) dst(%dma_wait3A_323 : memref<128xf32, #tpu.memory_space<vmem>>)
        %dma_wait3A_328 = arith.constant 0 : i32
        %dma_wait3A_329 = tpu.memref_slice %arg20[%dma_wait3A_328] : memref<1280xf32, #tpu.memory_space<vmem>> -> memref<128xf32, #tpu.memory_space<vmem>>
        %dma_wait3A_330 = arith.constant 0 : i32
        %dma_wait3A_331 = tpu.memref_slice %arg16[%dma_wait3A_330] : memref<1280xi32, #tpu.memory_space<vmem>> -> memref<128xi32, #tpu.memory_space<vmem>>
        %dma_wait3A_332 = arith.constant 0 : i32
        %dma_wait3A_333 = tpu.memref_slice %arg11[%dma_wait3A_332] : memref<200000xf32, #tpu.memory_space<vmem_shared>> -> memref<200000xf32, #tpu.memory_space<vmem_shared>>
        tpu.wait_indirect_dma semaphore(%arg34 : memref<!tpu.dma_semaphore, #tpu.memory_space<semaphore_mem>>) src(%dma_wait3A_333 : memref<200000xf32, #tpu.memory_space<vmem_shared>>) dst(%dma_wait3A_329 : memref<128xf32, #tpu.memory_space<vmem>>)
        %dma_wait3A_334 = arith.constant 0 : i32
        %dma_wait3A_335 = tpu.memref_slice %arg21[%dma_wait3A_334] : memref<1280xf32, #tpu.memory_space<vmem>> -> memref<128xf32, #tpu.memory_space<vmem>>
        %dma_wait3A_336 = arith.constant 0 : i32
        %dma_wait3A_337 = tpu.memref_slice %arg16[%dma_wait3A_336] : memref<1280xi32, #tpu.memory_space<vmem>> -> memref<128xi32, #tpu.memory_space<vmem>>
        %dma_wait3A_338 = arith.constant 0 : i32
        %dma_wait3A_339 = tpu.memref_slice %arg12[%dma_wait3A_338] : memref<200000xf32, #tpu.memory_space<vmem_shared>> -> memref<200000xf32, #tpu.memory_space<vmem_shared>>
        tpu.wait_indirect_dma semaphore(%arg34 : memref<!tpu.dma_semaphore, #tpu.memory_space<semaphore_mem>>) src(%dma_wait3A_339 : memref<200000xf32, #tpu.memory_space<vmem_shared>>) dst(%dma_wait3A_335 : memref<128xf32, #tpu.memory_space<vmem>>)
        %dma_wait3A_340 = arith.constant 128 : i32
        %dma_wait3A_341 = tpu.memref_slice %arg19[%dma_wait3A_340] : memref<1280xf32, #tpu.memory_space<vmem>> -> memref<128xf32, #tpu.memory_space<vmem>>
        %dma_wait3A_342 = arith.constant 128 : i32
        %dma_wait3A_343 = tpu.memref_slice %arg16[%dma_wait3A_342] : memref<1280xi32, #tpu.memory_space<vmem>> -> memref<128xi32, #tpu.memory_space<vmem>>
        %dma_wait3A_344 = arith.constant 0 : i32
        %dma_wait3A_345 = tpu.memref_slice %arg10[%dma_wait3A_344] : memref<200000xf32, #tpu.memory_space<vmem_shared>> -> memref<200000xf32, #tpu.memory_space<vmem_shared>>
        tpu.wait_indirect_dma semaphore(%arg34 : memref<!tpu.dma_semaphore, #tpu.memory_space<semaphore_mem>>) src(%dma_wait3A_345 : memref<200000xf32, #tpu.memory_space<vmem_shared>>) dst(%dma_wait3A_341 : memref<128xf32, #tpu.memory_space<vmem>>)
        %dma_wait3A_346 = arith.constant 128 : i32
        %dma_wait3A_347 = tpu.memref_slice %arg20[%dma_wait3A_346] : memref<1280xf32, #tpu.memory_space<vmem>> -> memref<128xf32, #tpu.memory_space<vmem>>
        %dma_wait3A_348 = arith.constant 128 : i32
        %dma_wait3A_349 = tpu.memref_slice %arg16[%dma_wait3A_348] : memref<1280xi32, #tpu.memory_space<vmem>> -> memref<128xi32, #tpu.memory_space<vmem>>
        %dma_wait3A_350 = arith.constant 0 : i32
        %dma_wait3A_351 = tpu.memref_slice %arg11[%dma_wait3A_350] : memref<200000xf32, #tpu.memory_space<vmem_shared>> -> memref<200000xf32, #tpu.memory_space<vmem_shared>>
        tpu.wait_indirect_dma semaphore(%arg34 : memref<!tpu.dma_semaphore, #tpu.memory_space<semaphore_mem>>) src(%dma_wait3A_351 : memref<200000xf32, #tpu.memory_space<vmem_shared>>) dst(%dma_wait3A_347 : memref<128xf32, #tpu.memory_space<vmem>>)
        %dma_wait3A_352 = arith.constant 128 : i32
        %dma_wait3A_353 = tpu.memref_slice %arg21[%dma_wait3A_352] : memref<1280xf32, #tpu.memory_space<vmem>> -> memref<128xf32, #tpu.memory_space<vmem>>
        %dma_wait3A_354 = arith.constant 128 : i32
        %dma_wait3A_355 = tpu.memref_slice %arg16[%dma_wait3A_354] : memref<1280xi32, #tpu.memory_space<vmem>> -> memref<128xi32, #tpu.memory_space<vmem>>
        %dma_wait3A_356 = arith.constant 0 : i32
        %dma_wait3A_357 = tpu.memref_slice %arg12[%dma_wait3A_356] : memref<200000xf32, #tpu.memory_space<vmem_shared>> -> memref<200000xf32, #tpu.memory_space<vmem_shared>>
        tpu.wait_indirect_dma semaphore(%arg34 : memref<!tpu.dma_semaphore, #tpu.memory_space<semaphore_mem>>) src(%dma_wait3A_357 : memref<200000xf32, #tpu.memory_space<vmem_shared>>) dst(%dma_wait3A_353 : memref<128xf32, #tpu.memory_space<vmem>>)
        %dma_wait3A_358 = arith.constant 256 : i32
        %dma_wait3A_359 = tpu.memref_slice %arg19[%dma_wait3A_358] : memref<1280xf32, #tpu.memory_space<vmem>> -> memref<128xf32, #tpu.memory_space<vmem>>
        %dma_wait3A_360 = arith.constant 256 : i32
        %dma_wait3A_361 = tpu.memref_slice %arg16[%dma_wait3A_360] : memref<1280xi32, #tpu.memory_space<vmem>> -> memref<128xi32, #tpu.memory_space<vmem>>
        %dma_wait3A_362 = arith.constant 0 : i32
        %dma_wait3A_363 = tpu.memref_slice %arg10[%dma_wait3A_362] : memref<200000xf32, #tpu.memory_space<vmem_shared>> -> memref<200000xf32, #tpu.memory_space<vmem_shared>>
        tpu.wait_indirect_dma semaphore(%arg34 : memref<!tpu.dma_semaphore, #tpu.memory_space<semaphore_mem>>) src(%dma_wait3A_363 : memref<200000xf32, #tpu.memory_space<vmem_shared>>) dst(%dma_wait3A_359 : memref<128xf32, #tpu.memory_space<vmem>>)
        %dma_wait3A_364 = arith.constant 256 : i32
        %dma_wait3A_365 = tpu.memref_slice %arg20[%dma_wait3A_364] : memref<1280xf32, #tpu.memory_space<vmem>> -> memref<128xf32, #tpu.memory_space<vmem>>
        %dma_wait3A_366 = arith.constant 256 : i32
        %dma_wait3A_367 = tpu.memref_slice %arg16[%dma_wait3A_366] : memref<1280xi32, #tpu.memory_space<vmem>> -> memref<128xi32, #tpu.memory_space<vmem>>
        %dma_wait3A_368 = arith.constant 0 : i32
        %dma_wait3A_369 = tpu.memref_slice %arg11[%dma_wait3A_368] : memref<200000xf32, #tpu.memory_space<vmem_shared>> -> memref<200000xf32, #tpu.memory_space<vmem_shared>>
        tpu.wait_indirect_dma semaphore(%arg34 : memref<!tpu.dma_semaphore, #tpu.memory_space<semaphore_mem>>) src(%dma_wait3A_369 : memref<200000xf32, #tpu.memory_space<vmem_shared>>) dst(%dma_wait3A_365 : memref<128xf32, #tpu.memory_space<vmem>>)
        %dma_wait3A_370 = arith.constant 256 : i32
        %dma_wait3A_371 = tpu.memref_slice %arg21[%dma_wait3A_370] : memref<1280xf32, #tpu.memory_space<vmem>> -> memref<128xf32, #tpu.memory_space<vmem>>
        %dma_wait3A_372 = arith.constant 256 : i32
        %dma_wait3A_373 = tpu.memref_slice %arg16[%dma_wait3A_372] : memref<1280xi32, #tpu.memory_space<vmem>> -> memref<128xi32, #tpu.memory_space<vmem>>
        %dma_wait3A_374 = arith.constant 0 : i32
        %dma_wait3A_375 = tpu.memref_slice %arg12[%dma_wait3A_374] : memref<200000xf32, #tpu.memory_space<vmem_shared>> -> memref<200000xf32, #tpu.memory_space<vmem_shared>>
        tpu.wait_indirect_dma semaphore(%arg34 : memref<!tpu.dma_semaphore, #tpu.memory_space<semaphore_mem>>) src(%dma_wait3A_375 : memref<200000xf32, #tpu.memory_space<vmem_shared>>) dst(%dma_wait3A_371 : memref<128xf32, #tpu.memory_space<vmem>>)
        %dma_wait3A_376 = arith.constant 384 : i32
        %dma_wait3A_377 = tpu.memref_slice %arg19[%dma_wait3A_376] : memref<1280xf32, #tpu.memory_space<vmem>> -> memref<128xf32, #tpu.memory_space<vmem>>
        %dma_wait3A_378 = arith.constant 384 : i32
        %dma_wait3A_379 = tpu.memref_slice %arg16[%dma_wait3A_378] : memref<1280xi32, #tpu.memory_space<vmem>> -> memref<128xi32, #tpu.memory_space<vmem>>
        %dma_wait3A_380 = arith.constant 0 : i32
        %dma_wait3A_381 = tpu.memref_slice %arg10[%dma_wait3A_380] : memref<200000xf32, #tpu.memory_space<vmem_shared>> -> memref<200000xf32, #tpu.memory_space<vmem_shared>>
        tpu.wait_indirect_dma semaphore(%arg34 : memref<!tpu.dma_semaphore, #tpu.memory_space<semaphore_mem>>) src(%dma_wait3A_381 : memref<200000xf32, #tpu.memory_space<vmem_shared>>) dst(%dma_wait3A_377 : memref<128xf32, #tpu.memory_space<vmem>>)
        %dma_wait3A_382 = arith.constant 384 : i32
        %dma_wait3A_383 = tpu.memref_slice %arg20[%dma_wait3A_382] : memref<1280xf32, #tpu.memory_space<vmem>> -> memref<128xf32, #tpu.memory_space<vmem>>
        %dma_wait3A_384 = arith.constant 384 : i32
        %dma_wait3A_385 = tpu.memref_slice %arg16[%dma_wait3A_384] : memref<1280xi32, #tpu.memory_space<vmem>> -> memref<128xi32, #tpu.memory_space<vmem>>
        %dma_wait3A_386 = arith.constant 0 : i32
        %dma_wait3A_387 = tpu.memref_slice %arg11[%dma_wait3A_386] : memref<200000xf32, #tpu.memory_space<vmem_shared>> -> memref<200000xf32, #tpu.memory_space<vmem_shared>>
        tpu.wait_indirect_dma semaphore(%arg34 : memref<!tpu.dma_semaphore, #tpu.memory_space<semaphore_mem>>) src(%dma_wait3A_387 : memref<200000xf32, #tpu.memory_space<vmem_shared>>) dst(%dma_wait3A_383 : memref<128xf32, #tpu.memory_space<vmem>>)
        %dma_wait3A_388 = arith.constant 384 : i32
        %dma_wait3A_389 = tpu.memref_slice %arg21[%dma_wait3A_388] : memref<1280xf32, #tpu.memory_space<vmem>> -> memref<128xf32, #tpu.memory_space<vmem>>
        %dma_wait3A_390 = arith.constant 384 : i32
        %dma_wait3A_391 = tpu.memref_slice %arg16[%dma_wait3A_390] : memref<1280xi32, #tpu.memory_space<vmem>> -> memref<128xi32, #tpu.memory_space<vmem>>
        %dma_wait3A_392 = arith.constant 0 : i32
        %dma_wait3A_393 = tpu.memref_slice %arg12[%dma_wait3A_392] : memref<200000xf32, #tpu.memory_space<vmem_shared>> -> memref<200000xf32, #tpu.memory_space<vmem_shared>>
        tpu.wait_indirect_dma semaphore(%arg34 : memref<!tpu.dma_semaphore, #tpu.memory_space<semaphore_mem>>) src(%dma_wait3A_393 : memref<200000xf32, #tpu.memory_space<vmem_shared>>) dst(%dma_wait3A_389 : memref<128xf32, #tpu.memory_space<vmem>>)
        %dma_wait3A_394 = arith.constant 512 : i32
        %dma_wait3A_395 = tpu.memref_slice %arg19[%dma_wait3A_394] : memref<1280xf32, #tpu.memory_space<vmem>> -> memref<128xf32, #tpu.memory_space<vmem>>
        %dma_wait3A_396 = arith.constant 512 : i32
        %dma_wait3A_397 = tpu.memref_slice %arg16[%dma_wait3A_396] : memref<1280xi32, #tpu.memory_space<vmem>> -> memref<128xi32, #tpu.memory_space<vmem>>
        %dma_wait3A_398 = arith.constant 0 : i32
        %dma_wait3A_399 = tpu.memref_slice %arg10[%dma_wait3A_398] : memref<200000xf32, #tpu.memory_space<vmem_shared>> -> memref<200000xf32, #tpu.memory_space<vmem_shared>>
        tpu.wait_indirect_dma semaphore(%arg34 : memref<!tpu.dma_semaphore, #tpu.memory_space<semaphore_mem>>) src(%dma_wait3A_399 : memref<200000xf32, #tpu.memory_space<vmem_shared>>) dst(%dma_wait3A_395 : memref<128xf32, #tpu.memory_space<vmem>>)
        %dma_wait3A_400 = arith.constant 512 : i32
        %dma_wait3A_401 = tpu.memref_slice %arg20[%dma_wait3A_400] : memref<1280xf32, #tpu.memory_space<vmem>> -> memref<128xf32, #tpu.memory_space<vmem>>
        %dma_wait3A_402 = arith.constant 512 : i32
        %dma_wait3A_403 = tpu.memref_slice %arg16[%dma_wait3A_402] : memref<1280xi32, #tpu.memory_space<vmem>> -> memref<128xi32, #tpu.memory_space<vmem>>
        %dma_wait3A_404 = arith.constant 0 : i32
        %dma_wait3A_405 = tpu.memref_slice %arg11[%dma_wait3A_404] : memref<200000xf32, #tpu.memory_space<vmem_shared>> -> memref<200000xf32, #tpu.memory_space<vmem_shared>>
        tpu.wait_indirect_dma semaphore(%arg34 : memref<!tpu.dma_semaphore, #tpu.memory_space<semaphore_mem>>) src(%dma_wait3A_405 : memref<200000xf32, #tpu.memory_space<vmem_shared>>) dst(%dma_wait3A_401 : memref<128xf32, #tpu.memory_space<vmem>>)
        %dma_wait3A_406 = arith.constant 512 : i32
        %dma_wait3A_407 = tpu.memref_slice %arg21[%dma_wait3A_406] : memref<1280xf32, #tpu.memory_space<vmem>> -> memref<128xf32, #tpu.memory_space<vmem>>
        %dma_wait3A_408 = arith.constant 512 : i32
        %dma_wait3A_409 = tpu.memref_slice %arg16[%dma_wait3A_408] : memref<1280xi32, #tpu.memory_space<vmem>> -> memref<128xi32, #tpu.memory_space<vmem>>
        %dma_wait3A_410 = arith.constant 0 : i32
        %dma_wait3A_411 = tpu.memref_slice %arg12[%dma_wait3A_410] : memref<200000xf32, #tpu.memory_space<vmem_shared>> -> memref<200000xf32, #tpu.memory_space<vmem_shared>>
        tpu.wait_indirect_dma semaphore(%arg34 : memref<!tpu.dma_semaphore, #tpu.memory_space<semaphore_mem>>) src(%dma_wait3A_411 : memref<200000xf32, #tpu.memory_space<vmem_shared>>) dst(%dma_wait3A_407 : memref<128xf32, #tpu.memory_space<vmem>>)
        %dma_wait3A_412 = arith.constant 640 : i32
        %dma_wait3A_413 = tpu.memref_slice %arg19[%dma_wait3A_412] : memref<1280xf32, #tpu.memory_space<vmem>> -> memref<128xf32, #tpu.memory_space<vmem>>
        %dma_wait3A_414 = arith.constant 640 : i32
        %dma_wait3A_415 = tpu.memref_slice %arg16[%dma_wait3A_414] : memref<1280xi32, #tpu.memory_space<vmem>> -> memref<128xi32, #tpu.memory_space<vmem>>
        %dma_wait3A_416 = arith.constant 0 : i32
        %dma_wait3A_417 = tpu.memref_slice %arg10[%dma_wait3A_416] : memref<200000xf32, #tpu.memory_space<vmem_shared>> -> memref<200000xf32, #tpu.memory_space<vmem_shared>>
        tpu.wait_indirect_dma semaphore(%arg34 : memref<!tpu.dma_semaphore, #tpu.memory_space<semaphore_mem>>) src(%dma_wait3A_417 : memref<200000xf32, #tpu.memory_space<vmem_shared>>) dst(%dma_wait3A_413 : memref<128xf32, #tpu.memory_space<vmem>>)
        %dma_wait3A_418 = arith.constant 640 : i32
        %dma_wait3A_419 = tpu.memref_slice %arg20[%dma_wait3A_418] : memref<1280xf32, #tpu.memory_space<vmem>> -> memref<128xf32, #tpu.memory_space<vmem>>
        %dma_wait3A_420 = arith.constant 640 : i32
        %dma_wait3A_421 = tpu.memref_slice %arg16[%dma_wait3A_420] : memref<1280xi32, #tpu.memory_space<vmem>> -> memref<128xi32, #tpu.memory_space<vmem>>
        %dma_wait3A_422 = arith.constant 0 : i32
        %dma_wait3A_423 = tpu.memref_slice %arg11[%dma_wait3A_422] : memref<200000xf32, #tpu.memory_space<vmem_shared>> -> memref<200000xf32, #tpu.memory_space<vmem_shared>>
        tpu.wait_indirect_dma semaphore(%arg34 : memref<!tpu.dma_semaphore, #tpu.memory_space<semaphore_mem>>) src(%dma_wait3A_423 : memref<200000xf32, #tpu.memory_space<vmem_shared>>) dst(%dma_wait3A_419 : memref<128xf32, #tpu.memory_space<vmem>>)
        %dma_wait3A_424 = arith.constant 640 : i32
        %dma_wait3A_425 = tpu.memref_slice %arg21[%dma_wait3A_424] : memref<1280xf32, #tpu.memory_space<vmem>> -> memref<128xf32, #tpu.memory_space<vmem>>
        %dma_wait3A_426 = arith.constant 640 : i32
        %dma_wait3A_427 = tpu.memref_slice %arg16[%dma_wait3A_426] : memref<1280xi32, #tpu.memory_space<vmem>> -> memref<128xi32, #tpu.memory_space<vmem>>
        %dma_wait3A_428 = arith.constant 0 : i32
        %dma_wait3A_429 = tpu.memref_slice %arg12[%dma_wait3A_428] : memref<200000xf32, #tpu.memory_space<vmem_shared>> -> memref<200000xf32, #tpu.memory_space<vmem_shared>>
        tpu.wait_indirect_dma semaphore(%arg34 : memref<!tpu.dma_semaphore, #tpu.memory_space<semaphore_mem>>) src(%dma_wait3A_429 : memref<200000xf32, #tpu.memory_space<vmem_shared>>) dst(%dma_wait3A_425 : memref<128xf32, #tpu.memory_space<vmem>>)
        %dma_wait3A_430 = arith.constant 768 : i32
        %dma_wait3A_431 = tpu.memref_slice %arg19[%dma_wait3A_430] : memref<1280xf32, #tpu.memory_space<vmem>> -> memref<128xf32, #tpu.memory_space<vmem>>
        %dma_wait3A_432 = arith.constant 768 : i32
        %dma_wait3A_433 = tpu.memref_slice %arg16[%dma_wait3A_432] : memref<1280xi32, #tpu.memory_space<vmem>> -> memref<128xi32, #tpu.memory_space<vmem>>
        %dma_wait3A_434 = arith.constant 0 : i32
        %dma_wait3A_435 = tpu.memref_slice %arg10[%dma_wait3A_434] : memref<200000xf32, #tpu.memory_space<vmem_shared>> -> memref<200000xf32, #tpu.memory_space<vmem_shared>>
        tpu.wait_indirect_dma semaphore(%arg34 : memref<!tpu.dma_semaphore, #tpu.memory_space<semaphore_mem>>) src(%dma_wait3A_435 : memref<200000xf32, #tpu.memory_space<vmem_shared>>) dst(%dma_wait3A_431 : memref<128xf32, #tpu.memory_space<vmem>>)
        %dma_wait3A_436 = arith.constant 768 : i32
        %dma_wait3A_437 = tpu.memref_slice %arg20[%dma_wait3A_436] : memref<1280xf32, #tpu.memory_space<vmem>> -> memref<128xf32, #tpu.memory_space<vmem>>
        %dma_wait3A_438 = arith.constant 768 : i32
        %dma_wait3A_439 = tpu.memref_slice %arg16[%dma_wait3A_438] : memref<1280xi32, #tpu.memory_space<vmem>> -> memref<128xi32, #tpu.memory_space<vmem>>
        %dma_wait3A_440 = arith.constant 0 : i32
        %dma_wait3A_441 = tpu.memref_slice %arg11[%dma_wait3A_440] : memref<200000xf32, #tpu.memory_space<vmem_shared>> -> memref<200000xf32, #tpu.memory_space<vmem_shared>>
        tpu.wait_indirect_dma semaphore(%arg34 : memref<!tpu.dma_semaphore, #tpu.memory_space<semaphore_mem>>) src(%dma_wait3A_441 : memref<200000xf32, #tpu.memory_space<vmem_shared>>) dst(%dma_wait3A_437 : memref<128xf32, #tpu.memory_space<vmem>>)
        %dma_wait3A_442 = arith.constant 768 : i32
        %dma_wait3A_443 = tpu.memref_slice %arg21[%dma_wait3A_442] : memref<1280xf32, #tpu.memory_space<vmem>> -> memref<128xf32, #tpu.memory_space<vmem>>
        %dma_wait3A_444 = arith.constant 768 : i32
        %dma_wait3A_445 = tpu.memref_slice %arg16[%dma_wait3A_444] : memref<1280xi32, #tpu.memory_space<vmem>> -> memref<128xi32, #tpu.memory_space<vmem>>
        %dma_wait3A_446 = arith.constant 0 : i32
        %dma_wait3A_447 = tpu.memref_slice %arg12[%dma_wait3A_446] : memref<200000xf32, #tpu.memory_space<vmem_shared>> -> memref<200000xf32, #tpu.memory_space<vmem_shared>>
        tpu.wait_indirect_dma semaphore(%arg34 : memref<!tpu.dma_semaphore, #tpu.memory_space<semaphore_mem>>) src(%dma_wait3A_447 : memref<200000xf32, #tpu.memory_space<vmem_shared>>) dst(%dma_wait3A_443 : memref<128xf32, #tpu.memory_space<vmem>>)
        %dma_wait3A_448 = arith.constant 896 : i32
        %dma_wait3A_449 = tpu.memref_slice %arg19[%dma_wait3A_448] : memref<1280xf32, #tpu.memory_space<vmem>> -> memref<128xf32, #tpu.memory_space<vmem>>
        %dma_wait3A_450 = arith.constant 896 : i32
        %dma_wait3A_451 = tpu.memref_slice %arg16[%dma_wait3A_450] : memref<1280xi32, #tpu.memory_space<vmem>> -> memref<128xi32, #tpu.memory_space<vmem>>
        %dma_wait3A_452 = arith.constant 0 : i32
        %dma_wait3A_453 = tpu.memref_slice %arg10[%dma_wait3A_452] : memref<200000xf32, #tpu.memory_space<vmem_shared>> -> memref<200000xf32, #tpu.memory_space<vmem_shared>>
        tpu.wait_indirect_dma semaphore(%arg34 : memref<!tpu.dma_semaphore, #tpu.memory_space<semaphore_mem>>) src(%dma_wait3A_453 : memref<200000xf32, #tpu.memory_space<vmem_shared>>) dst(%dma_wait3A_449 : memref<128xf32, #tpu.memory_space<vmem>>)
        %dma_wait3A_454 = arith.constant 896 : i32
        %dma_wait3A_455 = tpu.memref_slice %arg20[%dma_wait3A_454] : memref<1280xf32, #tpu.memory_space<vmem>> -> memref<128xf32, #tpu.memory_space<vmem>>
        %dma_wait3A_456 = arith.constant 896 : i32
        %dma_wait3A_457 = tpu.memref_slice %arg16[%dma_wait3A_456] : memref<1280xi32, #tpu.memory_space<vmem>> -> memref<128xi32, #tpu.memory_space<vmem>>
        %dma_wait3A_458 = arith.constant 0 : i32
        %dma_wait3A_459 = tpu.memref_slice %arg11[%dma_wait3A_458] : memref<200000xf32, #tpu.memory_space<vmem_shared>> -> memref<200000xf32, #tpu.memory_space<vmem_shared>>
        tpu.wait_indirect_dma semaphore(%arg34 : memref<!tpu.dma_semaphore, #tpu.memory_space<semaphore_mem>>) src(%dma_wait3A_459 : memref<200000xf32, #tpu.memory_space<vmem_shared>>) dst(%dma_wait3A_455 : memref<128xf32, #tpu.memory_space<vmem>>)
        %dma_wait3A_460 = arith.constant 896 : i32
        %dma_wait3A_461 = tpu.memref_slice %arg21[%dma_wait3A_460] : memref<1280xf32, #tpu.memory_space<vmem>> -> memref<128xf32, #tpu.memory_space<vmem>>
        %dma_wait3A_462 = arith.constant 896 : i32
        %dma_wait3A_463 = tpu.memref_slice %arg16[%dma_wait3A_462] : memref<1280xi32, #tpu.memory_space<vmem>> -> memref<128xi32, #tpu.memory_space<vmem>>
        %dma_wait3A_464 = arith.constant 0 : i32
        %dma_wait3A_465 = tpu.memref_slice %arg12[%dma_wait3A_464] : memref<200000xf32, #tpu.memory_space<vmem_shared>> -> memref<200000xf32, #tpu.memory_space<vmem_shared>>
        tpu.wait_indirect_dma semaphore(%arg34 : memref<!tpu.dma_semaphore, #tpu.memory_space<semaphore_mem>>) src(%dma_wait3A_465 : memref<200000xf32, #tpu.memory_space<vmem_shared>>) dst(%dma_wait3A_461 : memref<128xf32, #tpu.memory_space<vmem>>)
        %dma_wait3A_466 = arith.constant 1024 : i32
        %dma_wait3A_467 = tpu.memref_slice %arg19[%dma_wait3A_466] : memref<1280xf32, #tpu.memory_space<vmem>> -> memref<128xf32, #tpu.memory_space<vmem>>
        %dma_wait3A_468 = arith.constant 1024 : i32
        %dma_wait3A_469 = tpu.memref_slice %arg16[%dma_wait3A_468] : memref<1280xi32, #tpu.memory_space<vmem>> -> memref<128xi32, #tpu.memory_space<vmem>>
        %dma_wait3A_470 = arith.constant 0 : i32
        %dma_wait3A_471 = tpu.memref_slice %arg10[%dma_wait3A_470] : memref<200000xf32, #tpu.memory_space<vmem_shared>> -> memref<200000xf32, #tpu.memory_space<vmem_shared>>
        tpu.wait_indirect_dma semaphore(%arg34 : memref<!tpu.dma_semaphore, #tpu.memory_space<semaphore_mem>>) src(%dma_wait3A_471 : memref<200000xf32, #tpu.memory_space<vmem_shared>>) dst(%dma_wait3A_467 : memref<128xf32, #tpu.memory_space<vmem>>)
        %dma_wait3A_472 = arith.constant 1024 : i32
        %dma_wait3A_473 = tpu.memref_slice %arg20[%dma_wait3A_472] : memref<1280xf32, #tpu.memory_space<vmem>> -> memref<128xf32, #tpu.memory_space<vmem>>
        %dma_wait3A_474 = arith.constant 1024 : i32
        %dma_wait3A_475 = tpu.memref_slice %arg16[%dma_wait3A_474] : memref<1280xi32, #tpu.memory_space<vmem>> -> memref<128xi32, #tpu.memory_space<vmem>>
        %dma_wait3A_476 = arith.constant 0 : i32
        %dma_wait3A_477 = tpu.memref_slice %arg11[%dma_wait3A_476] : memref<200000xf32, #tpu.memory_space<vmem_shared>> -> memref<200000xf32, #tpu.memory_space<vmem_shared>>
        tpu.wait_indirect_dma semaphore(%arg34 : memref<!tpu.dma_semaphore, #tpu.memory_space<semaphore_mem>>) src(%dma_wait3A_477 : memref<200000xf32, #tpu.memory_space<vmem_shared>>) dst(%dma_wait3A_473 : memref<128xf32, #tpu.memory_space<vmem>>)
        %dma_wait3A_478 = arith.constant 1024 : i32
        %dma_wait3A_479 = tpu.memref_slice %arg21[%dma_wait3A_478] : memref<1280xf32, #tpu.memory_space<vmem>> -> memref<128xf32, #tpu.memory_space<vmem>>
        %dma_wait3A_480 = arith.constant 1024 : i32
        %dma_wait3A_481 = tpu.memref_slice %arg16[%dma_wait3A_480] : memref<1280xi32, #tpu.memory_space<vmem>> -> memref<128xi32, #tpu.memory_space<vmem>>
        %dma_wait3A_482 = arith.constant 0 : i32
        %dma_wait3A_483 = tpu.memref_slice %arg12[%dma_wait3A_482] : memref<200000xf32, #tpu.memory_space<vmem_shared>> -> memref<200000xf32, #tpu.memory_space<vmem_shared>>
        tpu.wait_indirect_dma semaphore(%arg34 : memref<!tpu.dma_semaphore, #tpu.memory_space<semaphore_mem>>) src(%dma_wait3A_483 : memref<200000xf32, #tpu.memory_space<vmem_shared>>) dst(%dma_wait3A_479 : memref<128xf32, #tpu.memory_space<vmem>>)
        %dma_wait3A_484 = arith.constant 1152 : i32
        %dma_wait3A_485 = tpu.memref_slice %arg19[%dma_wait3A_484] : memref<1280xf32, #tpu.memory_space<vmem>> -> memref<128xf32, #tpu.memory_space<vmem>>
        %dma_wait3A_486 = arith.constant 1152 : i32
        %dma_wait3A_487 = tpu.memref_slice %arg16[%dma_wait3A_486] : memref<1280xi32, #tpu.memory_space<vmem>> -> memref<128xi32, #tpu.memory_space<vmem>>
        %dma_wait3A_488 = arith.constant 0 : i32
        %dma_wait3A_489 = tpu.memref_slice %arg10[%dma_wait3A_488] : memref<200000xf32, #tpu.memory_space<vmem_shared>> -> memref<200000xf32, #tpu.memory_space<vmem_shared>>
        tpu.wait_indirect_dma semaphore(%arg34 : memref<!tpu.dma_semaphore, #tpu.memory_space<semaphore_mem>>) src(%dma_wait3A_489 : memref<200000xf32, #tpu.memory_space<vmem_shared>>) dst(%dma_wait3A_485 : memref<128xf32, #tpu.memory_space<vmem>>)
        %dma_wait3A_490 = arith.constant 1152 : i32
        %dma_wait3A_491 = tpu.memref_slice %arg20[%dma_wait3A_490] : memref<1280xf32, #tpu.memory_space<vmem>> -> memref<128xf32, #tpu.memory_space<vmem>>
        %dma_wait3A_492 = arith.constant 1152 : i32
        %dma_wait3A_493 = tpu.memref_slice %arg16[%dma_wait3A_492] : memref<1280xi32, #tpu.memory_space<vmem>> -> memref<128xi32, #tpu.memory_space<vmem>>
        %dma_wait3A_494 = arith.constant 0 : i32
        %dma_wait3A_495 = tpu.memref_slice %arg11[%dma_wait3A_494] : memref<200000xf32, #tpu.memory_space<vmem_shared>> -> memref<200000xf32, #tpu.memory_space<vmem_shared>>
        tpu.wait_indirect_dma semaphore(%arg34 : memref<!tpu.dma_semaphore, #tpu.memory_space<semaphore_mem>>) src(%dma_wait3A_495 : memref<200000xf32, #tpu.memory_space<vmem_shared>>) dst(%dma_wait3A_491 : memref<128xf32, #tpu.memory_space<vmem>>)
        %dma_wait3A_496 = arith.constant 1152 : i32
        %dma_wait3A_497 = tpu.memref_slice %arg21[%dma_wait3A_496] : memref<1280xf32, #tpu.memory_space<vmem>> -> memref<128xf32, #tpu.memory_space<vmem>>
        %dma_wait3A_498 = arith.constant 1152 : i32
        %dma_wait3A_499 = tpu.memref_slice %arg16[%dma_wait3A_498] : memref<1280xi32, #tpu.memory_space<vmem>> -> memref<128xi32, #tpu.memory_space<vmem>>
        %dma_wait3A_500 = arith.constant 0 : i32
        %dma_wait3A_501 = tpu.memref_slice %arg12[%dma_wait3A_500] : memref<200000xf32, #tpu.memory_space<vmem_shared>> -> memref<200000xf32, #tpu.memory_space<vmem_shared>>
        tpu.wait_indirect_dma semaphore(%arg34 : memref<!tpu.dma_semaphore, #tpu.memory_space<semaphore_mem>>) src(%dma_wait3A_501 : memref<200000xf32, #tpu.memory_space<vmem_shared>>) dst(%dma_wait3A_497 : memref<128xf32, #tpu.memory_space<vmem>>)
        %ge3A = arith.constant 64 : i32
        %ge3A_502 = arith.cmpi sge, %add3A_276, %ge3A : i32
        %convert_element_type3A_503 = arith.extui %ge3A_502 : i1 to i32
        %cond3A_504 = arith.constant 0 : i32
        %cond3A_505 = arith.cmpi ne, %convert_element_type3A_503, %cond3A_504 : i32
        scf.if %cond3A_505 {
          %dma_wait3A_517 = arith.constant 0 : i32
          %dma_wait3A_518 = tpu.memref_slice %arg9[%dma_wait3A_517] : memref<1600000xf32, #tpu.memory_space<hbm>> -> memref<1280xf32, #tpu.memory_space<hbm>>
          %dma_wait3A_519 = arith.constant 0 : i32
          %dma_wait3A_520 = tpu.memref_slice %arg9[%dma_wait3A_519] : memref<1600000xf32, #tpu.memory_space<hbm>> -> memref<1280xf32, #tpu.memory_space<hbm>>
          tpu.wait_dma2 semaphore(%arg35 : memref<!tpu.dma_semaphore, #tpu.memory_space<semaphore_mem>>) src(%arg22 : memref<1280xf32, #tpu.memory_space<vmem>>) dst(%dma_wait3A_520 : memref<1280xf32, #tpu.memory_space<hbm>>)
          %dma_wait3A_521 = arith.constant 0 : i32
          %dma_wait3A_522 = tpu.memref_slice %arg9[%dma_wait3A_521] : memref<1600000xf32, #tpu.memory_space<hbm>> -> memref<1280xf32, #tpu.memory_space<hbm>>
          %dma_wait3A_523 = arith.constant 0 : i32
          %dma_wait3A_524 = tpu.memref_slice %arg9[%dma_wait3A_523] : memref<1600000xf32, #tpu.memory_space<hbm>> -> memref<1280xf32, #tpu.memory_space<hbm>>
          tpu.wait_dma2 semaphore(%arg35 : memref<!tpu.dma_semaphore, #tpu.memory_space<semaphore_mem>>) src(%arg23 : memref<1280xf32, #tpu.memory_space<vmem>>) dst(%dma_wait3A_524 : memref<1280xf32, #tpu.memory_space<hbm>>)
        } else {
        }
        %parallel_loop3A_506 = arith.constant 0 : i32
        %parallel_loop3A_507 = arith.constant 80 : i32
        %parallel_loop3A_508 = arith.constant 1 : i32
        scf.for %parallel_loop3A_517 = %parallel_loop3A_506 to %parallel_loop3A_507 step %parallel_loop3A_508  : i32 {
          %parallel_loop3A_518 = arith.constant 16 : i32
          %parallel_loop3A_519 = arith.muli %parallel_loop3A_517, %parallel_loop3A_518 : i32
          %parallel_loop3A_520 = arith.index_cast %parallel_loop3A_519 : i32 to index
          %parallel_loop3A_521 = tpu.vector_load %arg15[%parallel_loop3A_520] {strides = array<i32>} : memref<1280xi32, #tpu.memory_space<vmem>>, vector<16xi32>,
          %parallel_loop3A_522 = arith.addi %parallel_loop3A_521, %broadcast_in_dim3A_9 : vector<16xi32>
          %parallel_loop3A_523 = tpu.vector_load_idx %arg13[%parallel_loop3A_522] : memref<10000xf32, #tpu.memory_space<vmem>>[vector<16xi32>], vector<16xf32>,
          %parallel_loop3A_524 = arith.addi %parallel_loop3A_521, %broadcast_in_dim3A_11 : vector<16xi32>
          %parallel_loop3A_525 = tpu.vector_load_idx %arg13[%parallel_loop3A_524] : memref<10000xf32, #tpu.memory_space<vmem>>[vector<16xi32>], vector<16xf32>,
          %parallel_loop3A_526 = arith.addi %parallel_loop3A_521, %broadcast_in_dim3A_13 : vector<16xi32>
          %parallel_loop3A_527 = tpu.vector_load_idx %arg13[%parallel_loop3A_526] : memref<10000xf32, #tpu.memory_space<vmem>>[vector<16xi32>], vector<16xf32>,
          %parallel_loop3A_528 = arith.addi %parallel_loop3A_521, %broadcast_in_dim3A_15 : vector<16xi32>
          %parallel_loop3A_529 = tpu.vector_load_idx %arg13[%parallel_loop3A_528] : memref<10000xf32, #tpu.memory_space<vmem>>[vector<16xi32>], vector<16xf32>,
          %parallel_loop3A_530 = arith.addi %parallel_loop3A_521, %broadcast_in_dim3A_17 : vector<16xi32>
          %parallel_loop3A_531 = tpu.vector_load_idx %arg13[%parallel_loop3A_530] : memref<10000xf32, #tpu.memory_space<vmem>>[vector<16xi32>], vector<16xf32>,
          %parallel_loop3A_532 = arith.addi %parallel_loop3A_521, %broadcast_in_dim3A_19 : vector<16xi32>
          %parallel_loop3A_533 = tpu.vector_load_idx %arg13[%parallel_loop3A_532] : memref<10000xf32, #tpu.memory_space<vmem>>[vector<16xi32>], vector<16xf32>,
          %parallel_loop3A_534 = arith.addi %parallel_loop3A_521, %broadcast_in_dim3A_21 : vector<16xi32>
          %parallel_loop3A_535 = tpu.vector_load_idx %arg13[%parallel_loop3A_534] : memref<10000xf32, #tpu.memory_space<vmem>>[vector<16xi32>], vector<16xf32>,
          %parallel_loop3A_536 = arith.addi %parallel_loop3A_521, %broadcast_in_dim3A_23 : vector<16xi32>
          %parallel_loop3A_537 = tpu.vector_load_idx %arg13[%parallel_loop3A_536] : memref<10000xf32, #tpu.memory_space<vmem>>[vector<16xi32>], vector<16xf32>,
          %parallel_loop3A_538 = arith.addi %parallel_loop3A_521, %broadcast_in_dim3A_25 : vector<16xi32>
          %parallel_loop3A_539 = tpu.vector_load_idx %arg13[%parallel_loop3A_538] : memref<10000xf32, #tpu.memory_space<vmem>>[vector<16xi32>], vector<16xf32>,
          %parallel_loop3A_540 = arith.addi %parallel_loop3A_521, %broadcast_in_dim3A_27 : vector<16xi32>
          %parallel_loop3A_541 = tpu.vector_load_idx %arg13[%parallel_loop3A_540] : memref<10000xf32, #tpu.memory_space<vmem>>[vector<16xi32>], vector<16xf32>,
          %parallel_loop3A_542 = arith.index_cast %parallel_loop3A_519 : i32 to index
          %parallel_loop3A_543 = tpu.vector_load %arg19[%parallel_loop3A_542] {strides = array<i32>} : memref<1280xf32, #tpu.memory_space<vmem>>, vector<16xf32>,
          %parallel_loop3A_544 = arith.index_cast %parallel_loop3A_519 : i32 to index
          %parallel_loop3A_545 = tpu.vector_load %arg20[%parallel_loop3A_544] {strides = array<i32>} : memref<1280xf32, #tpu.memory_space<vmem>>, vector<16xf32>,
          %parallel_loop3A_546 = arith.index_cast %parallel_loop3A_519 : i32 to index
          %parallel_loop3A_547 = tpu.vector_load %arg21[%parallel_loop3A_546] {strides = array<i32>} : memref<1280xf32, #tpu.memory_space<vmem>>, vector<16xf32>,
          %parallel_loop3A_548 = tpu.vector_load_idx %arg14[%parallel_loop3A_521] : memref<1008xf32, #tpu.memory_space<vmem>>[vector<16xi32>], vector<16xf32>,
          %parallel_loop3A_549 = arith.mulf %parallel_loop3A_527, %parallel_loop3A_547 : vector<16xf32>
          %parallel_loop3A_550 = arith.mulf %parallel_loop3A_529, %parallel_loop3A_545 : vector<16xf32>
          %parallel_loop3A_551 = arith.subf %parallel_loop3A_549, %parallel_loop3A_550 : vector<16xf32>
          %parallel_loop3A_552 = arith.mulf %parallel_loop3A_523, %parallel_loop3A_543 : vector<16xf32>
          %parallel_loop3A_553 = arith.addf %parallel_loop3A_551, %parallel_loop3A_552 : vector<16xf32>
          %parallel_loop3A_554 = arith.mulf %parallel_loop3A_529, %parallel_loop3A_543 : vector<16xf32>
          %parallel_loop3A_555 = arith.mulf %parallel_loop3A_525, %parallel_loop3A_547 : vector<16xf32>
          %parallel_loop3A_556 = arith.subf %parallel_loop3A_554, %parallel_loop3A_555 : vector<16xf32>
          %parallel_loop3A_557 = arith.mulf %parallel_loop3A_523, %parallel_loop3A_545 : vector<16xf32>
          %parallel_loop3A_558 = arith.addf %parallel_loop3A_556, %parallel_loop3A_557 : vector<16xf32>
          %parallel_loop3A_559 = arith.mulf %parallel_loop3A_525, %parallel_loop3A_545 : vector<16xf32>
          %parallel_loop3A_560 = arith.mulf %parallel_loop3A_527, %parallel_loop3A_543 : vector<16xf32>
          %parallel_loop3A_561 = arith.subf %parallel_loop3A_559, %parallel_loop3A_560 : vector<16xf32>
          %parallel_loop3A_562 = arith.mulf %parallel_loop3A_523, %parallel_loop3A_547 : vector<16xf32>
          %parallel_loop3A_563 = arith.addf %parallel_loop3A_561, %parallel_loop3A_562 : vector<16xf32>
          %parallel_loop3A_564 = arith.mulf %parallel_loop3A_527, %parallel_loop3A_563 : vector<16xf32>
          %parallel_loop3A_565 = arith.mulf %parallel_loop3A_529, %parallel_loop3A_558 : vector<16xf32>
          %parallel_loop3A_566 = arith.subf %parallel_loop3A_564, %parallel_loop3A_565 : vector<16xf32>
          %parallel_loop3A_567 = arith.mulf %parallel_loop3A_548, %parallel_loop3A_566 : vector<16xf32>
          %parallel_loop3A_568 = arith.addf %parallel_loop3A_543, %parallel_loop3A_567 : vector<16xf32>
          %parallel_loop3A_569 = arith.addf %parallel_loop3A_568, %parallel_loop3A_531 : vector<16xf32>
          %parallel_loop3A_570 = arith.mulf %parallel_loop3A_529, %parallel_loop3A_553 : vector<16xf32>
          %parallel_loop3A_571 = arith.mulf %parallel_loop3A_525, %parallel_loop3A_563 : vector<16xf32>
          %parallel_loop3A_572 = arith.subf %parallel_loop3A_570, %parallel_loop3A_571 : vector<16xf32>
          %parallel_loop3A_573 = arith.mulf %parallel_loop3A_548, %parallel_loop3A_572 : vector<16xf32>
          %parallel_loop3A_574 = arith.addf %parallel_loop3A_545, %parallel_loop3A_573 : vector<16xf32>
          %parallel_loop3A_575 = arith.addf %parallel_loop3A_574, %parallel_loop3A_533 : vector<16xf32>
          %parallel_loop3A_576 = arith.mulf %parallel_loop3A_525, %parallel_loop3A_558 : vector<16xf32>
          %parallel_loop3A_577 = arith.mulf %parallel_loop3A_527, %parallel_loop3A_553 : vector<16xf32>
          %parallel_loop3A_578 = arith.subf %parallel_loop3A_576, %parallel_loop3A_577 : vector<16xf32>
          %parallel_loop3A_579 = arith.mulf %parallel_loop3A_548, %parallel_loop3A_578 : vector<16xf32>
          %parallel_loop3A_580 = arith.addf %parallel_loop3A_547, %parallel_loop3A_579 : vector<16xf32>
          %parallel_loop3A_581 = arith.addf %parallel_loop3A_580, %parallel_loop3A_535 : vector<16xf32>
          %parallel_loop3A_582 = arith.constant -1.000000e+00 : f32
          %parallel_loop3A_583 = vector.broadcast %parallel_loop3A_582 : f32 to vector<16xf32>
          %parallel_loop3A_584 = arith.divf %parallel_loop3A_583, %parallel_loop3A_581 : vector<16xf32>
          %parallel_loop3A_585 = arith.mulf %parallel_loop3A_569, %parallel_loop3A_584 : vector<16xf32>
          %parallel_loop3A_586 = arith.mulf %parallel_loop3A_575, %parallel_loop3A_584 : vector<16xf32>
          %parallel_loop3A_587 = arith.mulf %parallel_loop3A_585, %parallel_loop3A_585 : vector<16xf32>
          %parallel_loop3A_588 = arith.mulf %parallel_loop3A_586, %parallel_loop3A_586 : vector<16xf32>
          %parallel_loop3A_589 = arith.addf %parallel_loop3A_587, %parallel_loop3A_588 : vector<16xf32>
          %parallel_loop3A_590 = arith.mulf %parallel_loop3A_539, %parallel_loop3A_589 : vector<16xf32>
          %parallel_loop3A_591 = arith.constant 1.000000e+00 : f32
          %parallel_loop3A_592 = vector.broadcast %parallel_loop3A_591 : f32 to vector<16xf32>
          %parallel_loop3A_593 = arith.addf %parallel_loop3A_592, %parallel_loop3A_590 : vector<16xf32>
          %parallel_loop3A_594 = arith.mulf %parallel_loop3A_541, %parallel_loop3A_589 : vector<16xf32>
          %parallel_loop3A_595 = arith.mulf %parallel_loop3A_594, %parallel_loop3A_589 : vector<16xf32>
          %parallel_loop3A_596 = arith.addf %parallel_loop3A_593, %parallel_loop3A_595 : vector<16xf32>
          %parallel_loop3A_597 = arith.mulf %parallel_loop3A_537, %parallel_loop3A_596 : vector<16xf32>
          %parallel_loop3A_598 = arith.mulf %parallel_loop3A_585, %parallel_loop3A_597 : vector<16xf32>
          %parallel_loop3A_599 = arith.index_cast %parallel_loop3A_519 : i32 to index
          %parallel_loop3A_600 = tpu.vector_load %arg17[%parallel_loop3A_599] {strides = array<i32>} : memref<1280xf32, #tpu.memory_space<vmem>>, vector<16xf32>,
          %parallel_loop3A_601 = arith.subf %parallel_loop3A_598, %parallel_loop3A_600 : vector<16xf32>
          %parallel_loop3A_602 = arith.index_cast %parallel_loop3A_519 : i32 to index
          %parallel_loop3A_603 = tpu.vector_load %arg22[%parallel_loop3A_602] {strides = array<i32>} : memref<1280xf32, #tpu.memory_space<vmem>>, vector<16xf32>,
          tpu.vector_store %arg22[%parallel_loop3A_602], %parallel_loop3A_601 {strides = array<i32>} : memref<1280xf32, #tpu.memory_space<vmem>>, vector<16xf32>,
          %parallel_loop3A_604 = arith.mulf %parallel_loop3A_586, %parallel_loop3A_597 : vector<16xf32>
          %parallel_loop3A_605 = arith.index_cast %parallel_loop3A_519 : i32 to index
          %parallel_loop3A_606 = tpu.vector_load %arg18[%parallel_loop3A_605] {strides = array<i32>} : memref<1280xf32, #tpu.memory_space<vmem>>, vector<16xf32>,
          %parallel_loop3A_607 = arith.subf %parallel_loop3A_604, %parallel_loop3A_606 : vector<16xf32>
          %parallel_loop3A_608 = arith.index_cast %parallel_loop3A_519 : i32 to index
          %parallel_loop3A_609 = tpu.vector_load %arg23[%parallel_loop3A_608] {strides = array<i32>} : memref<1280xf32, #tpu.memory_space<vmem>>, vector<16xf32>,
          tpu.vector_store %arg23[%parallel_loop3A_608], %parallel_loop3A_607 {strides = array<i32>} : memref<1280xf32, #tpu.memory_space<vmem>>, vector<16xf32>,
        } {sc.loop_unroll_factor = 1 : i64, sc.parallel_access}
        %mul3A_509 = arith.constant 1280 : i32
        %mul3A_510 = arith.muli %add3A_276, %mul3A_509 : i32
        %dma_start3A_511 = tpu.memref_slice %arg9[%mul3A_510] : memref<1600000xf32, #tpu.memory_space<hbm>> -> memref<1280xf32, #tpu.memory_space<hbm>>
        %dma_start3A_512 = tpu.memref_slice %arg9[%mul3A_510] : memref<1600000xf32, #tpu.memory_space<hbm>> -> memref<1280xf32, #tpu.memory_space<hbm>>
        tpu.enqueue_dma source(%arg22 : memref<1280xf32, #tpu.memory_space<vmem>>) target(%dma_start3A_512 : memref<1280xf32, #tpu.memory_space<hbm>>) target_semaphore(%arg35 : memref<!tpu.dma_semaphore, #tpu.memory_space<semaphore_mem>>)
        %add3A_513 = arith.constant 800000 : i32
        %add3A_514 = arith.addi %add3A_513, %mul3A_510 : i32
        %dma_start3A_515 = tpu.memref_slice %arg9[%add3A_514] : memref<1600000xf32, #tpu.memory_space<hbm>> -> memref<1280xf32, #tpu.memory_space<hbm>>
        %dma_start3A_516 = tpu.memref_slice %arg9[%add3A_514] : memref<1600000xf32, #tpu.memory_space<hbm>> -> memref<1280xf32, #tpu.memory_space<hbm>>
        tpu.enqueue_dma source(%arg23 : memref<1280xf32, #tpu.memory_space<vmem>>) target(%dma_start3A_516 : memref<1280xf32, #tpu.memory_space<hbm>>) target_semaphore(%arg35 : memref<!tpu.dma_semaphore, #tpu.memory_space<semaphore_mem>>)
      } else {
      }
      %add3A_289 = arith.constant 64 : i32
      %add3A_290 = arith.addi %add3A_276, %add3A_289 : i32
      %lt3A_291 = arith.constant 625 : i32
      %lt3A_292 = arith.cmpi slt, %add3A_290, %lt3A_291 : i32
      %convert_element_type3A_293 = arith.extui %lt3A_292 : i1 to i32
      %cond3A_294 = arith.constant 0 : i32
      %cond3A_295 = arith.cmpi ne, %convert_element_type3A_293, %cond3A_294 : i32
      scf.if %cond3A_295 {
        %add3A_322 = arith.constant 64 : i32
        %add3A_323 = arith.addi %add3A_276, %add3A_322 : i32
        %mul3A_324 = arith.constant 1280 : i32
        %mul3A_325 = arith.muli %add3A_323, %mul3A_324 : i32
        %dma_start3A_326 = tpu.memref_slice %arg3[%mul3A_325] : memref<800000xi32, #tpu.memory_space<hbm>> -> memref<1280xi32, #tpu.memory_space<hbm>>
        %dma_start3A_327 = tpu.memref_slice %arg3[%mul3A_325] : memref<800000xi32, #tpu.memory_space<hbm>> -> memref<1280xi32, #tpu.memory_space<hbm>>
        tpu.enqueue_dma source(%dma_start3A_327 : memref<1280xi32, #tpu.memory_space<hbm>>) target(%arg15 : memref<1280xi32, #tpu.memory_space<vmem>>) target_semaphore(%arg33 : memref<!tpu.dma_semaphore, #tpu.memory_space<semaphore_mem>>)
        %dma_start3A_328 = tpu.memref_slice %arg4[%mul3A_325] : memref<800000xi32, #tpu.memory_space<hbm>> -> memref<1280xi32, #tpu.memory_space<hbm>>
        %dma_start3A_329 = tpu.memref_slice %arg4[%mul3A_325] : memref<800000xi32, #tpu.memory_space<hbm>> -> memref<1280xi32, #tpu.memory_space<hbm>>
        tpu.enqueue_dma source(%dma_start3A_329 : memref<1280xi32, #tpu.memory_space<hbm>>) target(%arg16 : memref<1280xi32, #tpu.memory_space<vmem>>) target_semaphore(%arg33 : memref<!tpu.dma_semaphore, #tpu.memory_space<semaphore_mem>>)
        %dma_start3A_330 = tpu.memref_slice %arg2[%mul3A_325] : memref<1600000xf32, #tpu.memory_space<hbm>> -> memref<1280xf32, #tpu.memory_space<hbm>>
        %dma_start3A_331 = tpu.memref_slice %arg2[%mul3A_325] : memref<1600000xf32, #tpu.memory_space<hbm>> -> memref<1280xf32, #tpu.memory_space<hbm>>
        tpu.enqueue_dma source(%dma_start3A_331 : memref<1280xf32, #tpu.memory_space<hbm>>) target(%arg17 : memref<1280xf32, #tpu.memory_space<vmem>>) target_semaphore(%arg33 : memref<!tpu.dma_semaphore, #tpu.memory_space<semaphore_mem>>)
        %add3A_332 = arith.constant 800000 : i32
        %add3A_333 = arith.addi %add3A_332, %mul3A_325 : i32
        %dma_start3A_334 = tpu.memref_slice %arg2[%add3A_333] : memref<1600000xf32, #tpu.memory_space<hbm>> -> memref<1280xf32, #tpu.memory_space<hbm>>
        %dma_start3A_335 = tpu.memref_slice %arg2[%add3A_333] : memref<1600000xf32, #tpu.memory_space<hbm>> -> memref<1280xf32, #tpu.memory_space<hbm>>
        tpu.enqueue_dma source(%dma_start3A_335 : memref<1280xf32, #tpu.memory_space<hbm>>) target(%arg18 : memref<1280xf32, #tpu.memory_space<vmem>>) target_semaphore(%arg33 : memref<!tpu.dma_semaphore, #tpu.memory_space<semaphore_mem>>)
      } else {
      }
      %mul3A_296 = arith.constant 2 : i32
      %mul3A_297 = arith.muli %scan3A_269, %mul3A_296 : i32
      %add3A_298 = arith.constant 1 : i32
      %add3A_299 = arith.addi %mul3A_297, %add3A_298 : i32
      %mul3A_300 = arith.constant 32 : i32
      %mul3A_301 = arith.muli %add3A_299, %mul3A_300 : i32
      %add3A_302 = arith.addi %add3A, %mul3A_301 : i32
      %add3A_303 = arith.constant 32 : i32
      %add3A_304 = arith.addi %add3A_302, %add3A_303 : i32
      %lt3A_305 = arith.constant 625 : i32
      %lt3A_306 = arith.cmpi slt, %add3A_304, %lt3A_305 : i32
      %convert_element_type3A_307 = arith.extui %lt3A_306 : i1 to i32
      %cond3A_308 = arith.constant 0 : i32
      %cond3A_309 = arith.cmpi ne, %convert_element_type3A_307, %cond3A_308 : i32
      scf.if %cond3A_309 {
        %dma_wait3A_322 = arith.constant 0 : i32
        %dma_wait3A_323 = tpu.memref_slice %arg3[%dma_wait3A_322] : memref<800000xi32, #tpu.memory_space<hbm>> -> memref<1280xi32, #tpu.memory_space<hbm>>
        %dma_wait3A_324 = arith.constant 0 : i32
        %dma_wait3A_325 = tpu.memref_slice %arg3[%dma_wait3A_324] : memref<800000xi32, #tpu.memory_space<hbm>> -> memref<1280xi32, #tpu.memory_space<hbm>>
        tpu.wait_dma2 semaphore(%arg33 : memref<!tpu.dma_semaphore, #tpu.memory_space<semaphore_mem>>) src(%dma_wait3A_325 : memref<1280xi32, #tpu.memory_space<hbm>>) dst(%arg15 : memref<1280xi32, #tpu.memory_space<vmem>>)
        %dma_wait3A_326 = arith.constant 0 : i32
        %dma_wait3A_327 = tpu.memref_slice %arg4[%dma_wait3A_326] : memref<800000xi32, #tpu.memory_space<hbm>> -> memref<1280xi32, #tpu.memory_space<hbm>>
        %dma_wait3A_328 = arith.constant 0 : i32
        %dma_wait3A_329 = tpu.memref_slice %arg4[%dma_wait3A_328] : memref<800000xi32, #tpu.memory_space<hbm>> -> memref<1280xi32, #tpu.memory_space<hbm>>
        tpu.wait_dma2 semaphore(%arg33 : memref<!tpu.dma_semaphore, #tpu.memory_space<semaphore_mem>>) src(%dma_wait3A_329 : memref<1280xi32, #tpu.memory_space<hbm>>) dst(%arg16 : memref<1280xi32, #tpu.memory_space<vmem>>)
        %dma_wait3A_330 = arith.constant 0 : i32
        %dma_wait3A_331 = tpu.memref_slice %arg2[%dma_wait3A_330] : memref<1600000xf32, #tpu.memory_space<hbm>> -> memref<1280xf32, #tpu.memory_space<hbm>>
        %dma_wait3A_332 = arith.constant 0 : i32
        %dma_wait3A_333 = tpu.memref_slice %arg2[%dma_wait3A_332] : memref<1600000xf32, #tpu.memory_space<hbm>> -> memref<1280xf32, #tpu.memory_space<hbm>>
        tpu.wait_dma2 semaphore(%arg33 : memref<!tpu.dma_semaphore, #tpu.memory_space<semaphore_mem>>) src(%dma_wait3A_333 : memref<1280xf32, #tpu.memory_space<hbm>>) dst(%arg17 : memref<1280xf32, #tpu.memory_space<vmem>>)
        %dma_wait3A_334 = arith.constant 0 : i32
        %dma_wait3A_335 = tpu.memref_slice %arg2[%dma_wait3A_334] : memref<1600000xf32, #tpu.memory_space<hbm>> -> memref<1280xf32, #tpu.memory_space<hbm>>
        %dma_wait3A_336 = arith.constant 0 : i32
        %dma_wait3A_337 = tpu.memref_slice %arg2[%dma_wait3A_336] : memref<1600000xf32, #tpu.memory_space<hbm>> -> memref<1280xf32, #tpu.memory_space<hbm>>
        tpu.wait_dma2 semaphore(%arg33 : memref<!tpu.dma_semaphore, #tpu.memory_space<semaphore_mem>>) src(%dma_wait3A_337 : memref<1280xf32, #tpu.memory_space<hbm>>) dst(%arg18 : memref<1280xf32, #tpu.memory_space<vmem>>)
        %dma_start3A_338 = arith.constant 0 : i32
        %dma_start3A_339 = tpu.memref_slice %arg19[%dma_start3A_338] : memref<1280xf32, #tpu.memory_space<vmem>> -> memref<128xf32, #tpu.memory_space<vmem>>
        %dma_start3A_340 = arith.constant 0 : i32
        %dma_start3A_341 = tpu.memref_slice %arg16[%dma_start3A_340] : memref<1280xi32, #tpu.memory_space<vmem>> -> memref<128xi32, #tpu.memory_space<vmem>>
        %dma_start3A_342 = arith.constant 0 : i32
        %dma_start3A_343 = tpu.memref_slice %arg10[%dma_start3A_342] : memref<200000xf32, #tpu.memory_space<vmem_shared>> -> memref<200000xf32, #tpu.memory_space<vmem_shared>>
        tpu.enqueue_indirect_dma source(%dma_start3A_343 : memref<200000xf32, #tpu.memory_space<vmem_shared>>) target(%dma_start3A_339 : memref<128xf32, #tpu.memory_space<vmem>>) offsets(%dma_start3A_341 : memref<128xi32, #tpu.memory_space<vmem>>) semaphore(%arg34 : memref<!tpu.dma_semaphore, #tpu.memory_space<semaphore_mem>>)
        %dma_start3A_344 = arith.constant 0 : i32
        %dma_start3A_345 = tpu.memref_slice %arg20[%dma_start3A_344] : memref<1280xf32, #tpu.memory_space<vmem>> -> memref<128xf32, #tpu.memory_space<vmem>>
        %dma_start3A_346 = arith.constant 0 : i32
        %dma_start3A_347 = tpu.memref_slice %arg16[%dma_start3A_346] : memref<1280xi32, #tpu.memory_space<vmem>> -> memref<128xi32, #tpu.memory_space<vmem>>
        %dma_start3A_348 = arith.constant 0 : i32
        %dma_start3A_349 = tpu.memref_slice %arg11[%dma_start3A_348] : memref<200000xf32, #tpu.memory_space<vmem_shared>> -> memref<200000xf32, #tpu.memory_space<vmem_shared>>
        tpu.enqueue_indirect_dma source(%dma_start3A_349 : memref<200000xf32, #tpu.memory_space<vmem_shared>>) target(%dma_start3A_345 : memref<128xf32, #tpu.memory_space<vmem>>) offsets(%dma_start3A_347 : memref<128xi32, #tpu.memory_space<vmem>>) semaphore(%arg34 : memref<!tpu.dma_semaphore, #tpu.memory_space<semaphore_mem>>)
        %dma_start3A_350 = arith.constant 0 : i32
        %dma_start3A_351 = tpu.memref_slice %arg21[%dma_start3A_350] : memref<1280xf32, #tpu.memory_space<vmem>> -> memref<128xf32, #tpu.memory_space<vmem>>
        %dma_start3A_352 = arith.constant 0 : i32
        %dma_start3A_353 = tpu.memref_slice %arg16[%dma_start3A_352] : memref<1280xi32, #tpu.memory_space<vmem>> -> memref<128xi32, #tpu.memory_space<vmem>>
        %dma_start3A_354 = arith.constant 0 : i32
        %dma_start3A_355 = tpu.memref_slice %arg12[%dma_start3A_354] : memref<200000xf32, #tpu.memory_space<vmem_shared>> -> memref<200000xf32, #tpu.memory_space<vmem_shared>>
        tpu.enqueue_indirect_dma source(%dma_start3A_355 : memref<200000xf32, #tpu.memory_space<vmem_shared>>) target(%dma_start3A_351 : memref<128xf32, #tpu.memory_space<vmem>>) offsets(%dma_start3A_353 : memref<128xi32, #tpu.memory_space<vmem>>) semaphore(%arg34 : memref<!tpu.dma_semaphore, #tpu.memory_space<semaphore_mem>>)
        %dma_start3A_356 = arith.constant 128 : i32
        %dma_start3A_357 = tpu.memref_slice %arg19[%dma_start3A_356] : memref<1280xf32, #tpu.memory_space<vmem>> -> memref<128xf32, #tpu.memory_space<vmem>>
        %dma_start3A_358 = arith.constant 128 : i32
        %dma_start3A_359 = tpu.memref_slice %arg16[%dma_start3A_358] : memref<1280xi32, #tpu.memory_space<vmem>> -> memref<128xi32, #tpu.memory_space<vmem>>
        %dma_start3A_360 = arith.constant 0 : i32
        %dma_start3A_361 = tpu.memref_slice %arg10[%dma_start3A_360] : memref<200000xf32, #tpu.memory_space<vmem_shared>> -> memref<200000xf32, #tpu.memory_space<vmem_shared>>
        tpu.enqueue_indirect_dma source(%dma_start3A_361 : memref<200000xf32, #tpu.memory_space<vmem_shared>>) target(%dma_start3A_357 : memref<128xf32, #tpu.memory_space<vmem>>) offsets(%dma_start3A_359 : memref<128xi32, #tpu.memory_space<vmem>>) semaphore(%arg34 : memref<!tpu.dma_semaphore, #tpu.memory_space<semaphore_mem>>)
        %dma_start3A_362 = arith.constant 128 : i32
        %dma_start3A_363 = tpu.memref_slice %arg20[%dma_start3A_362] : memref<1280xf32, #tpu.memory_space<vmem>> -> memref<128xf32, #tpu.memory_space<vmem>>
        %dma_start3A_364 = arith.constant 128 : i32
        %dma_start3A_365 = tpu.memref_slice %arg16[%dma_start3A_364] : memref<1280xi32, #tpu.memory_space<vmem>> -> memref<128xi32, #tpu.memory_space<vmem>>
        %dma_start3A_366 = arith.constant 0 : i32
        %dma_start3A_367 = tpu.memref_slice %arg11[%dma_start3A_366] : memref<200000xf32, #tpu.memory_space<vmem_shared>> -> memref<200000xf32, #tpu.memory_space<vmem_shared>>
        tpu.enqueue_indirect_dma source(%dma_start3A_367 : memref<200000xf32, #tpu.memory_space<vmem_shared>>) target(%dma_start3A_363 : memref<128xf32, #tpu.memory_space<vmem>>) offsets(%dma_start3A_365 : memref<128xi32, #tpu.memory_space<vmem>>) semaphore(%arg34 : memref<!tpu.dma_semaphore, #tpu.memory_space<semaphore_mem>>)
        %dma_start3A_368 = arith.constant 128 : i32
        %dma_start3A_369 = tpu.memref_slice %arg21[%dma_start3A_368] : memref<1280xf32, #tpu.memory_space<vmem>> -> memref<128xf32, #tpu.memory_space<vmem>>
        %dma_start3A_370 = arith.constant 128 : i32
        %dma_start3A_371 = tpu.memref_slice %arg16[%dma_start3A_370] : memref<1280xi32, #tpu.memory_space<vmem>> -> memref<128xi32, #tpu.memory_space<vmem>>
        %dma_start3A_372 = arith.constant 0 : i32
        %dma_start3A_373 = tpu.memref_slice %arg12[%dma_start3A_372] : memref<200000xf32, #tpu.memory_space<vmem_shared>> -> memref<200000xf32, #tpu.memory_space<vmem_shared>>
        tpu.enqueue_indirect_dma source(%dma_start3A_373 : memref<200000xf32, #tpu.memory_space<vmem_shared>>) target(%dma_start3A_369 : memref<128xf32, #tpu.memory_space<vmem>>) offsets(%dma_start3A_371 : memref<128xi32, #tpu.memory_space<vmem>>) semaphore(%arg34 : memref<!tpu.dma_semaphore, #tpu.memory_space<semaphore_mem>>)
        %dma_start3A_374 = arith.constant 256 : i32
        %dma_start3A_375 = tpu.memref_slice %arg19[%dma_start3A_374] : memref<1280xf32, #tpu.memory_space<vmem>> -> memref<128xf32, #tpu.memory_space<vmem>>
        %dma_start3A_376 = arith.constant 256 : i32
        %dma_start3A_377 = tpu.memref_slice %arg16[%dma_start3A_376] : memref<1280xi32, #tpu.memory_space<vmem>> -> memref<128xi32, #tpu.memory_space<vmem>>
        %dma_start3A_378 = arith.constant 0 : i32
        %dma_start3A_379 = tpu.memref_slice %arg10[%dma_start3A_378] : memref<200000xf32, #tpu.memory_space<vmem_shared>> -> memref<200000xf32, #tpu.memory_space<vmem_shared>>
        tpu.enqueue_indirect_dma source(%dma_start3A_379 : memref<200000xf32, #tpu.memory_space<vmem_shared>>) target(%dma_start3A_375 : memref<128xf32, #tpu.memory_space<vmem>>) offsets(%dma_start3A_377 : memref<128xi32, #tpu.memory_space<vmem>>) semaphore(%arg34 : memref<!tpu.dma_semaphore, #tpu.memory_space<semaphore_mem>>)
        %dma_start3A_380 = arith.constant 256 : i32
        %dma_start3A_381 = tpu.memref_slice %arg20[%dma_start3A_380] : memref<1280xf32, #tpu.memory_space<vmem>> -> memref<128xf32, #tpu.memory_space<vmem>>
        %dma_start3A_382 = arith.constant 256 : i32
        %dma_start3A_383 = tpu.memref_slice %arg16[%dma_start3A_382] : memref<1280xi32, #tpu.memory_space<vmem>> -> memref<128xi32, #tpu.memory_space<vmem>>
        %dma_start3A_384 = arith.constant 0 : i32
        %dma_start3A_385 = tpu.memref_slice %arg11[%dma_start3A_384] : memref<200000xf32, #tpu.memory_space<vmem_shared>> -> memref<200000xf32, #tpu.memory_space<vmem_shared>>
        tpu.enqueue_indirect_dma source(%dma_start3A_385 : memref<200000xf32, #tpu.memory_space<vmem_shared>>) target(%dma_start3A_381 : memref<128xf32, #tpu.memory_space<vmem>>) offsets(%dma_start3A_383 : memref<128xi32, #tpu.memory_space<vmem>>) semaphore(%arg34 : memref<!tpu.dma_semaphore, #tpu.memory_space<semaphore_mem>>)
        %dma_start3A_386 = arith.constant 256 : i32
        %dma_start3A_387 = tpu.memref_slice %arg21[%dma_start3A_386] : memref<1280xf32, #tpu.memory_space<vmem>> -> memref<128xf32, #tpu.memory_space<vmem>>
        %dma_start3A_388 = arith.constant 256 : i32
        %dma_start3A_389 = tpu.memref_slice %arg16[%dma_start3A_388] : memref<1280xi32, #tpu.memory_space<vmem>> -> memref<128xi32, #tpu.memory_space<vmem>>
        %dma_start3A_390 = arith.constant 0 : i32
        %dma_start3A_391 = tpu.memref_slice %arg12[%dma_start3A_390] : memref<200000xf32, #tpu.memory_space<vmem_shared>> -> memref<200000xf32, #tpu.memory_space<vmem_shared>>
        tpu.enqueue_indirect_dma source(%dma_start3A_391 : memref<200000xf32, #tpu.memory_space<vmem_shared>>) target(%dma_start3A_387 : memref<128xf32, #tpu.memory_space<vmem>>) offsets(%dma_start3A_389 : memref<128xi32, #tpu.memory_space<vmem>>) semaphore(%arg34 : memref<!tpu.dma_semaphore, #tpu.memory_space<semaphore_mem>>)
        %dma_start3A_392 = arith.constant 384 : i32
        %dma_start3A_393 = tpu.memref_slice %arg19[%dma_start3A_392] : memref<1280xf32, #tpu.memory_space<vmem>> -> memref<128xf32, #tpu.memory_space<vmem>>
        %dma_start3A_394 = arith.constant 384 : i32
        %dma_start3A_395 = tpu.memref_slice %arg16[%dma_start3A_394] : memref<1280xi32, #tpu.memory_space<vmem>> -> memref<128xi32, #tpu.memory_space<vmem>>
        %dma_start3A_396 = arith.constant 0 : i32
        %dma_start3A_397 = tpu.memref_slice %arg10[%dma_start3A_396] : memref<200000xf32, #tpu.memory_space<vmem_shared>> -> memref<200000xf32, #tpu.memory_space<vmem_shared>>
        tpu.enqueue_indirect_dma source(%dma_start3A_397 : memref<200000xf32, #tpu.memory_space<vmem_shared>>) target(%dma_start3A_393 : memref<128xf32, #tpu.memory_space<vmem>>) offsets(%dma_start3A_395 : memref<128xi32, #tpu.memory_space<vmem>>) semaphore(%arg34 : memref<!tpu.dma_semaphore, #tpu.memory_space<semaphore_mem>>)
        %dma_start3A_398 = arith.constant 384 : i32
        %dma_start3A_399 = tpu.memref_slice %arg20[%dma_start3A_398] : memref<1280xf32, #tpu.memory_space<vmem>> -> memref<128xf32, #tpu.memory_space<vmem>>
        %dma_start3A_400 = arith.constant 384 : i32
        %dma_start3A_401 = tpu.memref_slice %arg16[%dma_start3A_400] : memref<1280xi32, #tpu.memory_space<vmem>> -> memref<128xi32, #tpu.memory_space<vmem>>
        %dma_start3A_402 = arith.constant 0 : i32
        %dma_start3A_403 = tpu.memref_slice %arg11[%dma_start3A_402] : memref<200000xf32, #tpu.memory_space<vmem_shared>> -> memref<200000xf32, #tpu.memory_space<vmem_shared>>
        tpu.enqueue_indirect_dma source(%dma_start3A_403 : memref<200000xf32, #tpu.memory_space<vmem_shared>>) target(%dma_start3A_399 : memref<128xf32, #tpu.memory_space<vmem>>) offsets(%dma_start3A_401 : memref<128xi32, #tpu.memory_space<vmem>>) semaphore(%arg34 : memref<!tpu.dma_semaphore, #tpu.memory_space<semaphore_mem>>)
        %dma_start3A_404 = arith.constant 384 : i32
        %dma_start3A_405 = tpu.memref_slice %arg21[%dma_start3A_404] : memref<1280xf32, #tpu.memory_space<vmem>> -> memref<128xf32, #tpu.memory_space<vmem>>
        %dma_start3A_406 = arith.constant 384 : i32
        %dma_start3A_407 = tpu.memref_slice %arg16[%dma_start3A_406] : memref<1280xi32, #tpu.memory_space<vmem>> -> memref<128xi32, #tpu.memory_space<vmem>>
        %dma_start3A_408 = arith.constant 0 : i32
        %dma_start3A_409 = tpu.memref_slice %arg12[%dma_start3A_408] : memref<200000xf32, #tpu.memory_space<vmem_shared>> -> memref<200000xf32, #tpu.memory_space<vmem_shared>>
        tpu.enqueue_indirect_dma source(%dma_start3A_409 : memref<200000xf32, #tpu.memory_space<vmem_shared>>) target(%dma_start3A_405 : memref<128xf32, #tpu.memory_space<vmem>>) offsets(%dma_start3A_407 : memref<128xi32, #tpu.memory_space<vmem>>) semaphore(%arg34 : memref<!tpu.dma_semaphore, #tpu.memory_space<semaphore_mem>>)
        %dma_start3A_410 = arith.constant 512 : i32
        %dma_start3A_411 = tpu.memref_slice %arg19[%dma_start3A_410] : memref<1280xf32, #tpu.memory_space<vmem>> -> memref<128xf32, #tpu.memory_space<vmem>>
        %dma_start3A_412 = arith.constant 512 : i32
        %dma_start3A_413 = tpu.memref_slice %arg16[%dma_start3A_412] : memref<1280xi32, #tpu.memory_space<vmem>> -> memref<128xi32, #tpu.memory_space<vmem>>
        %dma_start3A_414 = arith.constant 0 : i32
        %dma_start3A_415 = tpu.memref_slice %arg10[%dma_start3A_414] : memref<200000xf32, #tpu.memory_space<vmem_shared>> -> memref<200000xf32, #tpu.memory_space<vmem_shared>>
        tpu.enqueue_indirect_dma source(%dma_start3A_415 : memref<200000xf32, #tpu.memory_space<vmem_shared>>) target(%dma_start3A_411 : memref<128xf32, #tpu.memory_space<vmem>>) offsets(%dma_start3A_413 : memref<128xi32, #tpu.memory_space<vmem>>) semaphore(%arg34 : memref<!tpu.dma_semaphore, #tpu.memory_space<semaphore_mem>>)
        %dma_start3A_416 = arith.constant 512 : i32
        %dma_start3A_417 = tpu.memref_slice %arg20[%dma_start3A_416] : memref<1280xf32, #tpu.memory_space<vmem>> -> memref<128xf32, #tpu.memory_space<vmem>>
        %dma_start3A_418 = arith.constant 512 : i32
        %dma_start3A_419 = tpu.memref_slice %arg16[%dma_start3A_418] : memref<1280xi32, #tpu.memory_space<vmem>> -> memref<128xi32, #tpu.memory_space<vmem>>
        %dma_start3A_420 = arith.constant 0 : i32
        %dma_start3A_421 = tpu.memref_slice %arg11[%dma_start3A_420] : memref<200000xf32, #tpu.memory_space<vmem_shared>> -> memref<200000xf32, #tpu.memory_space<vmem_shared>>
        tpu.enqueue_indirect_dma source(%dma_start3A_421 : memref<200000xf32, #tpu.memory_space<vmem_shared>>) target(%dma_start3A_417 : memref<128xf32, #tpu.memory_space<vmem>>) offsets(%dma_start3A_419 : memref<128xi32, #tpu.memory_space<vmem>>) semaphore(%arg34 : memref<!tpu.dma_semaphore, #tpu.memory_space<semaphore_mem>>)
        %dma_start3A_422 = arith.constant 512 : i32
        %dma_start3A_423 = tpu.memref_slice %arg21[%dma_start3A_422] : memref<1280xf32, #tpu.memory_space<vmem>> -> memref<128xf32, #tpu.memory_space<vmem>>
        %dma_start3A_424 = arith.constant 512 : i32
        %dma_start3A_425 = tpu.memref_slice %arg16[%dma_start3A_424] : memref<1280xi32, #tpu.memory_space<vmem>> -> memref<128xi32, #tpu.memory_space<vmem>>
        %dma_start3A_426 = arith.constant 0 : i32
        %dma_start3A_427 = tpu.memref_slice %arg12[%dma_start3A_426] : memref<200000xf32, #tpu.memory_space<vmem_shared>> -> memref<200000xf32, #tpu.memory_space<vmem_shared>>
        tpu.enqueue_indirect_dma source(%dma_start3A_427 : memref<200000xf32, #tpu.memory_space<vmem_shared>>) target(%dma_start3A_423 : memref<128xf32, #tpu.memory_space<vmem>>) offsets(%dma_start3A_425 : memref<128xi32, #tpu.memory_space<vmem>>) semaphore(%arg34 : memref<!tpu.dma_semaphore, #tpu.memory_space<semaphore_mem>>)
        %dma_start3A_428 = arith.constant 640 : i32
        %dma_start3A_429 = tpu.memref_slice %arg19[%dma_start3A_428] : memref<1280xf32, #tpu.memory_space<vmem>> -> memref<128xf32, #tpu.memory_space<vmem>>
        %dma_start3A_430 = arith.constant 640 : i32
        %dma_start3A_431 = tpu.memref_slice %arg16[%dma_start3A_430] : memref<1280xi32, #tpu.memory_space<vmem>> -> memref<128xi32, #tpu.memory_space<vmem>>
        %dma_start3A_432 = arith.constant 0 : i32
        %dma_start3A_433 = tpu.memref_slice %arg10[%dma_start3A_432] : memref<200000xf32, #tpu.memory_space<vmem_shared>> -> memref<200000xf32, #tpu.memory_space<vmem_shared>>
        tpu.enqueue_indirect_dma source(%dma_start3A_433 : memref<200000xf32, #tpu.memory_space<vmem_shared>>) target(%dma_start3A_429 : memref<128xf32, #tpu.memory_space<vmem>>) offsets(%dma_start3A_431 : memref<128xi32, #tpu.memory_space<vmem>>) semaphore(%arg34 : memref<!tpu.dma_semaphore, #tpu.memory_space<semaphore_mem>>)
        %dma_start3A_434 = arith.constant 640 : i32
        %dma_start3A_435 = tpu.memref_slice %arg20[%dma_start3A_434] : memref<1280xf32, #tpu.memory_space<vmem>> -> memref<128xf32, #tpu.memory_space<vmem>>
        %dma_start3A_436 = arith.constant 640 : i32
        %dma_start3A_437 = tpu.memref_slice %arg16[%dma_start3A_436] : memref<1280xi32, #tpu.memory_space<vmem>> -> memref<128xi32, #tpu.memory_space<vmem>>
        %dma_start3A_438 = arith.constant 0 : i32
        %dma_start3A_439 = tpu.memref_slice %arg11[%dma_start3A_438] : memref<200000xf32, #tpu.memory_space<vmem_shared>> -> memref<200000xf32, #tpu.memory_space<vmem_shared>>
        tpu.enqueue_indirect_dma source(%dma_start3A_439 : memref<200000xf32, #tpu.memory_space<vmem_shared>>) target(%dma_start3A_435 : memref<128xf32, #tpu.memory_space<vmem>>) offsets(%dma_start3A_437 : memref<128xi32, #tpu.memory_space<vmem>>) semaphore(%arg34 : memref<!tpu.dma_semaphore, #tpu.memory_space<semaphore_mem>>)
        %dma_start3A_440 = arith.constant 640 : i32
        %dma_start3A_441 = tpu.memref_slice %arg21[%dma_start3A_440] : memref<1280xf32, #tpu.memory_space<vmem>> -> memref<128xf32, #tpu.memory_space<vmem>>
        %dma_start3A_442 = arith.constant 640 : i32
        %dma_start3A_443 = tpu.memref_slice %arg16[%dma_start3A_442] : memref<1280xi32, #tpu.memory_space<vmem>> -> memref<128xi32, #tpu.memory_space<vmem>>
        %dma_start3A_444 = arith.constant 0 : i32
        %dma_start3A_445 = tpu.memref_slice %arg12[%dma_start3A_444] : memref<200000xf32, #tpu.memory_space<vmem_shared>> -> memref<200000xf32, #tpu.memory_space<vmem_shared>>
        tpu.enqueue_indirect_dma source(%dma_start3A_445 : memref<200000xf32, #tpu.memory_space<vmem_shared>>) target(%dma_start3A_441 : memref<128xf32, #tpu.memory_space<vmem>>) offsets(%dma_start3A_443 : memref<128xi32, #tpu.memory_space<vmem>>) semaphore(%arg34 : memref<!tpu.dma_semaphore, #tpu.memory_space<semaphore_mem>>)
        %dma_start3A_446 = arith.constant 768 : i32
        %dma_start3A_447 = tpu.memref_slice %arg19[%dma_start3A_446] : memref<1280xf32, #tpu.memory_space<vmem>> -> memref<128xf32, #tpu.memory_space<vmem>>
        %dma_start3A_448 = arith.constant 768 : i32
        %dma_start3A_449 = tpu.memref_slice %arg16[%dma_start3A_448] : memref<1280xi32, #tpu.memory_space<vmem>> -> memref<128xi32, #tpu.memory_space<vmem>>
        %dma_start3A_450 = arith.constant 0 : i32
        %dma_start3A_451 = tpu.memref_slice %arg10[%dma_start3A_450] : memref<200000xf32, #tpu.memory_space<vmem_shared>> -> memref<200000xf32, #tpu.memory_space<vmem_shared>>
        tpu.enqueue_indirect_dma source(%dma_start3A_451 : memref<200000xf32, #tpu.memory_space<vmem_shared>>) target(%dma_start3A_447 : memref<128xf32, #tpu.memory_space<vmem>>) offsets(%dma_start3A_449 : memref<128xi32, #tpu.memory_space<vmem>>) semaphore(%arg34 : memref<!tpu.dma_semaphore, #tpu.memory_space<semaphore_mem>>)
        %dma_start3A_452 = arith.constant 768 : i32
        %dma_start3A_453 = tpu.memref_slice %arg20[%dma_start3A_452] : memref<1280xf32, #tpu.memory_space<vmem>> -> memref<128xf32, #tpu.memory_space<vmem>>
        %dma_start3A_454 = arith.constant 768 : i32
        %dma_start3A_455 = tpu.memref_slice %arg16[%dma_start3A_454] : memref<1280xi32, #tpu.memory_space<vmem>> -> memref<128xi32, #tpu.memory_space<vmem>>
        %dma_start3A_456 = arith.constant 0 : i32
        %dma_start3A_457 = tpu.memref_slice %arg11[%dma_start3A_456] : memref<200000xf32, #tpu.memory_space<vmem_shared>> -> memref<200000xf32, #tpu.memory_space<vmem_shared>>
        tpu.enqueue_indirect_dma source(%dma_start3A_457 : memref<200000xf32, #tpu.memory_space<vmem_shared>>) target(%dma_start3A_453 : memref<128xf32, #tpu.memory_space<vmem>>) offsets(%dma_start3A_455 : memref<128xi32, #tpu.memory_space<vmem>>) semaphore(%arg34 : memref<!tpu.dma_semaphore, #tpu.memory_space<semaphore_mem>>)
        %dma_start3A_458 = arith.constant 768 : i32
        %dma_start3A_459 = tpu.memref_slice %arg21[%dma_start3A_458] : memref<1280xf32, #tpu.memory_space<vmem>> -> memref<128xf32, #tpu.memory_space<vmem>>
        %dma_start3A_460 = arith.constant 768 : i32
        %dma_start3A_461 = tpu.memref_slice %arg16[%dma_start3A_460] : memref<1280xi32, #tpu.memory_space<vmem>> -> memref<128xi32, #tpu.memory_space<vmem>>
        %dma_start3A_462 = arith.constant 0 : i32
        %dma_start3A_463 = tpu.memref_slice %arg12[%dma_start3A_462] : memref<200000xf32, #tpu.memory_space<vmem_shared>> -> memref<200000xf32, #tpu.memory_space<vmem_shared>>
        tpu.enqueue_indirect_dma source(%dma_start3A_463 : memref<200000xf32, #tpu.memory_space<vmem_shared>>) target(%dma_start3A_459 : memref<128xf32, #tpu.memory_space<vmem>>) offsets(%dma_start3A_461 : memref<128xi32, #tpu.memory_space<vmem>>) semaphore(%arg34 : memref<!tpu.dma_semaphore, #tpu.memory_space<semaphore_mem>>)
        %dma_start3A_464 = arith.constant 896 : i32
        %dma_start3A_465 = tpu.memref_slice %arg19[%dma_start3A_464] : memref<1280xf32, #tpu.memory_space<vmem>> -> memref<128xf32, #tpu.memory_space<vmem>>
        %dma_start3A_466 = arith.constant 896 : i32
        %dma_start3A_467 = tpu.memref_slice %arg16[%dma_start3A_466] : memref<1280xi32, #tpu.memory_space<vmem>> -> memref<128xi32, #tpu.memory_space<vmem>>
        %dma_start3A_468 = arith.constant 0 : i32
        %dma_start3A_469 = tpu.memref_slice %arg10[%dma_start3A_468] : memref<200000xf32, #tpu.memory_space<vmem_shared>> -> memref<200000xf32, #tpu.memory_space<vmem_shared>>
        tpu.enqueue_indirect_dma source(%dma_start3A_469 : memref<200000xf32, #tpu.memory_space<vmem_shared>>) target(%dma_start3A_465 : memref<128xf32, #tpu.memory_space<vmem>>) offsets(%dma_start3A_467 : memref<128xi32, #tpu.memory_space<vmem>>) semaphore(%arg34 : memref<!tpu.dma_semaphore, #tpu.memory_space<semaphore_mem>>)
        %dma_start3A_470 = arith.constant 896 : i32
        %dma_start3A_471 = tpu.memref_slice %arg20[%dma_start3A_470] : memref<1280xf32, #tpu.memory_space<vmem>> -> memref<128xf32, #tpu.memory_space<vmem>>
        %dma_start3A_472 = arith.constant 896 : i32
        %dma_start3A_473 = tpu.memref_slice %arg16[%dma_start3A_472] : memref<1280xi32, #tpu.memory_space<vmem>> -> memref<128xi32, #tpu.memory_space<vmem>>
        %dma_start3A_474 = arith.constant 0 : i32
        %dma_start3A_475 = tpu.memref_slice %arg11[%dma_start3A_474] : memref<200000xf32, #tpu.memory_space<vmem_shared>> -> memref<200000xf32, #tpu.memory_space<vmem_shared>>
        tpu.enqueue_indirect_dma source(%dma_start3A_475 : memref<200000xf32, #tpu.memory_space<vmem_shared>>) target(%dma_start3A_471 : memref<128xf32, #tpu.memory_space<vmem>>) offsets(%dma_start3A_473 : memref<128xi32, #tpu.memory_space<vmem>>) semaphore(%arg34 : memref<!tpu.dma_semaphore, #tpu.memory_space<semaphore_mem>>)
        %dma_start3A_476 = arith.constant 896 : i32
        %dma_start3A_477 = tpu.memref_slice %arg21[%dma_start3A_476] : memref<1280xf32, #tpu.memory_space<vmem>> -> memref<128xf32, #tpu.memory_space<vmem>>
        %dma_start3A_478 = arith.constant 896 : i32
        %dma_start3A_479 = tpu.memref_slice %arg16[%dma_start3A_478] : memref<1280xi32, #tpu.memory_space<vmem>> -> memref<128xi32, #tpu.memory_space<vmem>>
        %dma_start3A_480 = arith.constant 0 : i32
        %dma_start3A_481 = tpu.memref_slice %arg12[%dma_start3A_480] : memref<200000xf32, #tpu.memory_space<vmem_shared>> -> memref<200000xf32, #tpu.memory_space<vmem_shared>>
        tpu.enqueue_indirect_dma source(%dma_start3A_481 : memref<200000xf32, #tpu.memory_space<vmem_shared>>) target(%dma_start3A_477 : memref<128xf32, #tpu.memory_space<vmem>>) offsets(%dma_start3A_479 : memref<128xi32, #tpu.memory_space<vmem>>) semaphore(%arg34 : memref<!tpu.dma_semaphore, #tpu.memory_space<semaphore_mem>>)
        %dma_start3A_482 = arith.constant 1024 : i32
        %dma_start3A_483 = tpu.memref_slice %arg19[%dma_start3A_482] : memref<1280xf32, #tpu.memory_space<vmem>> -> memref<128xf32, #tpu.memory_space<vmem>>
        %dma_start3A_484 = arith.constant 1024 : i32
        %dma_start3A_485 = tpu.memref_slice %arg16[%dma_start3A_484] : memref<1280xi32, #tpu.memory_space<vmem>> -> memref<128xi32, #tpu.memory_space<vmem>>
        %dma_start3A_486 = arith.constant 0 : i32
        %dma_start3A_487 = tpu.memref_slice %arg10[%dma_start3A_486] : memref<200000xf32, #tpu.memory_space<vmem_shared>> -> memref<200000xf32, #tpu.memory_space<vmem_shared>>
        tpu.enqueue_indirect_dma source(%dma_start3A_487 : memref<200000xf32, #tpu.memory_space<vmem_shared>>) target(%dma_start3A_483 : memref<128xf32, #tpu.memory_space<vmem>>) offsets(%dma_start3A_485 : memref<128xi32, #tpu.memory_space<vmem>>) semaphore(%arg34 : memref<!tpu.dma_semaphore, #tpu.memory_space<semaphore_mem>>)
        %dma_start3A_488 = arith.constant 1024 : i32
        %dma_start3A_489 = tpu.memref_slice %arg20[%dma_start3A_488] : memref<1280xf32, #tpu.memory_space<vmem>> -> memref<128xf32, #tpu.memory_space<vmem>>
        %dma_start3A_490 = arith.constant 1024 : i32
        %dma_start3A_491 = tpu.memref_slice %arg16[%dma_start3A_490] : memref<1280xi32, #tpu.memory_space<vmem>> -> memref<128xi32, #tpu.memory_space<vmem>>
        %dma_start3A_492 = arith.constant 0 : i32
        %dma_start3A_493 = tpu.memref_slice %arg11[%dma_start3A_492] : memref<200000xf32, #tpu.memory_space<vmem_shared>> -> memref<200000xf32, #tpu.memory_space<vmem_shared>>
        tpu.enqueue_indirect_dma source(%dma_start3A_493 : memref<200000xf32, #tpu.memory_space<vmem_shared>>) target(%dma_start3A_489 : memref<128xf32, #tpu.memory_space<vmem>>) offsets(%dma_start3A_491 : memref<128xi32, #tpu.memory_space<vmem>>) semaphore(%arg34 : memref<!tpu.dma_semaphore, #tpu.memory_space<semaphore_mem>>)
        %dma_start3A_494 = arith.constant 1024 : i32
        %dma_start3A_495 = tpu.memref_slice %arg21[%dma_start3A_494] : memref<1280xf32, #tpu.memory_space<vmem>> -> memref<128xf32, #tpu.memory_space<vmem>>
        %dma_start3A_496 = arith.constant 1024 : i32
        %dma_start3A_497 = tpu.memref_slice %arg16[%dma_start3A_496] : memref<1280xi32, #tpu.memory_space<vmem>> -> memref<128xi32, #tpu.memory_space<vmem>>
        %dma_start3A_498 = arith.constant 0 : i32
        %dma_start3A_499 = tpu.memref_slice %arg12[%dma_start3A_498] : memref<200000xf32, #tpu.memory_space<vmem_shared>> -> memref<200000xf32, #tpu.memory_space<vmem_shared>>
        tpu.enqueue_indirect_dma source(%dma_start3A_499 : memref<200000xf32, #tpu.memory_space<vmem_shared>>) target(%dma_start3A_495 : memref<128xf32, #tpu.memory_space<vmem>>) offsets(%dma_start3A_497 : memref<128xi32, #tpu.memory_space<vmem>>) semaphore(%arg34 : memref<!tpu.dma_semaphore, #tpu.memory_space<semaphore_mem>>)
        %dma_start3A_500 = arith.constant 1152 : i32
        %dma_start3A_501 = tpu.memref_slice %arg19[%dma_start3A_500] : memref<1280xf32, #tpu.memory_space<vmem>> -> memref<128xf32, #tpu.memory_space<vmem>>
        %dma_start3A_502 = arith.constant 1152 : i32
        %dma_start3A_503 = tpu.memref_slice %arg16[%dma_start3A_502] : memref<1280xi32, #tpu.memory_space<vmem>> -> memref<128xi32, #tpu.memory_space<vmem>>
        %dma_start3A_504 = arith.constant 0 : i32
        %dma_start3A_505 = tpu.memref_slice %arg10[%dma_start3A_504] : memref<200000xf32, #tpu.memory_space<vmem_shared>> -> memref<200000xf32, #tpu.memory_space<vmem_shared>>
        tpu.enqueue_indirect_dma source(%dma_start3A_505 : memref<200000xf32, #tpu.memory_space<vmem_shared>>) target(%dma_start3A_501 : memref<128xf32, #tpu.memory_space<vmem>>) offsets(%dma_start3A_503 : memref<128xi32, #tpu.memory_space<vmem>>) semaphore(%arg34 : memref<!tpu.dma_semaphore, #tpu.memory_space<semaphore_mem>>)
        %dma_start3A_506 = arith.constant 1152 : i32
        %dma_start3A_507 = tpu.memref_slice %arg20[%dma_start3A_506] : memref<1280xf32, #tpu.memory_space<vmem>> -> memref<128xf32, #tpu.memory_space<vmem>>
        %dma_start3A_508 = arith.constant 1152 : i32
        %dma_start3A_509 = tpu.memref_slice %arg16[%dma_start3A_508] : memref<1280xi32, #tpu.memory_space<vmem>> -> memref<128xi32, #tpu.memory_space<vmem>>
        %dma_start3A_510 = arith.constant 0 : i32
        %dma_start3A_511 = tpu.memref_slice %arg11[%dma_start3A_510] : memref<200000xf32, #tpu.memory_space<vmem_shared>> -> memref<200000xf32, #tpu.memory_space<vmem_shared>>
        tpu.enqueue_indirect_dma source(%dma_start3A_511 : memref<200000xf32, #tpu.memory_space<vmem_shared>>) target(%dma_start3A_507 : memref<128xf32, #tpu.memory_space<vmem>>) offsets(%dma_start3A_509 : memref<128xi32, #tpu.memory_space<vmem>>) semaphore(%arg34 : memref<!tpu.dma_semaphore, #tpu.memory_space<semaphore_mem>>)
        %dma_start3A_512 = arith.constant 1152 : i32
        %dma_start3A_513 = tpu.memref_slice %arg21[%dma_start3A_512] : memref<1280xf32, #tpu.memory_space<vmem>> -> memref<128xf32, #tpu.memory_space<vmem>>
        %dma_start3A_514 = arith.constant 1152 : i32
        %dma_start3A_515 = tpu.memref_slice %arg16[%dma_start3A_514] : memref<1280xi32, #tpu.memory_space<vmem>> -> memref<128xi32, #tpu.memory_space<vmem>>
        %dma_start3A_516 = arith.constant 0 : i32
        %dma_start3A_517 = tpu.memref_slice %arg12[%dma_start3A_516] : memref<200000xf32, #tpu.memory_space<vmem_shared>> -> memref<200000xf32, #tpu.memory_space<vmem_shared>>
        tpu.enqueue_indirect_dma source(%dma_start3A_517 : memref<200000xf32, #tpu.memory_space<vmem_shared>>) target(%dma_start3A_513 : memref<128xf32, #tpu.memory_space<vmem>>) offsets(%dma_start3A_515 : memref<128xi32, #tpu.memory_space<vmem>>) semaphore(%arg34 : memref<!tpu.dma_semaphore, #tpu.memory_space<semaphore_mem>>)
      } else {
      }
      %lt3A_310 = arith.constant 625 : i32
      %lt3A_311 = arith.cmpi slt, %add3A_302, %lt3A_310 : i32
      %convert_element_type3A_312 = arith.extui %lt3A_311 : i1 to i32
      %cond3A_313 = arith.constant 0 : i32
      %cond3A_314 = arith.cmpi ne, %convert_element_type3A_312, %cond3A_313 : i32
      scf.if %cond3A_314 {
        %dma_wait3A_322 = arith.constant 0 : i32
        %dma_wait3A_323 = tpu.memref_slice %arg28[%dma_wait3A_322] : memref<1280xf32, #tpu.memory_space<vmem>> -> memref<128xf32, #tpu.memory_space<vmem>>
        %dma_wait3A_324 = arith.constant 0 : i32
        %dma_wait3A_325 = tpu.memref_slice %arg25[%dma_wait3A_324] : memref<1280xi32, #tpu.memory_space<vmem>> -> memref<128xi32, #tpu.memory_space<vmem>>
        %dma_wait3A_326 = arith.constant 0 : i32
        %dma_wait3A_327 = tpu.memref_slice %arg10[%dma_wait3A_326] : memref<200000xf32, #tpu.memory_space<vmem_shared>> -> memref<200000xf32, #tpu.memory_space<vmem_shared>>
        tpu.wait_indirect_dma semaphore(%arg37 : memref<!tpu.dma_semaphore, #tpu.memory_space<semaphore_mem>>) src(%dma_wait3A_327 : memref<200000xf32, #tpu.memory_space<vmem_shared>>) dst(%dma_wait3A_323 : memref<128xf32, #tpu.memory_space<vmem>>)
        %dma_wait3A_328 = arith.constant 0 : i32
        %dma_wait3A_329 = tpu.memref_slice %arg29[%dma_wait3A_328] : memref<1280xf32, #tpu.memory_space<vmem>> -> memref<128xf32, #tpu.memory_space<vmem>>
        %dma_wait3A_330 = arith.constant 0 : i32
        %dma_wait3A_331 = tpu.memref_slice %arg25[%dma_wait3A_330] : memref<1280xi32, #tpu.memory_space<vmem>> -> memref<128xi32, #tpu.memory_space<vmem>>
        %dma_wait3A_332 = arith.constant 0 : i32
        %dma_wait3A_333 = tpu.memref_slice %arg11[%dma_wait3A_332] : memref<200000xf32, #tpu.memory_space<vmem_shared>> -> memref<200000xf32, #tpu.memory_space<vmem_shared>>
        tpu.wait_indirect_dma semaphore(%arg37 : memref<!tpu.dma_semaphore, #tpu.memory_space<semaphore_mem>>) src(%dma_wait3A_333 : memref<200000xf32, #tpu.memory_space<vmem_shared>>) dst(%dma_wait3A_329 : memref<128xf32, #tpu.memory_space<vmem>>)
        %dma_wait3A_334 = arith.constant 0 : i32
        %dma_wait3A_335 = tpu.memref_slice %arg30[%dma_wait3A_334] : memref<1280xf32, #tpu.memory_space<vmem>> -> memref<128xf32, #tpu.memory_space<vmem>>
        %dma_wait3A_336 = arith.constant 0 : i32
        %dma_wait3A_337 = tpu.memref_slice %arg25[%dma_wait3A_336] : memref<1280xi32, #tpu.memory_space<vmem>> -> memref<128xi32, #tpu.memory_space<vmem>>
        %dma_wait3A_338 = arith.constant 0 : i32
        %dma_wait3A_339 = tpu.memref_slice %arg12[%dma_wait3A_338] : memref<200000xf32, #tpu.memory_space<vmem_shared>> -> memref<200000xf32, #tpu.memory_space<vmem_shared>>
        tpu.wait_indirect_dma semaphore(%arg37 : memref<!tpu.dma_semaphore, #tpu.memory_space<semaphore_mem>>) src(%dma_wait3A_339 : memref<200000xf32, #tpu.memory_space<vmem_shared>>) dst(%dma_wait3A_335 : memref<128xf32, #tpu.memory_space<vmem>>)
        %dma_wait3A_340 = arith.constant 128 : i32
        %dma_wait3A_341 = tpu.memref_slice %arg28[%dma_wait3A_340] : memref<1280xf32, #tpu.memory_space<vmem>> -> memref<128xf32, #tpu.memory_space<vmem>>
        %dma_wait3A_342 = arith.constant 128 : i32
        %dma_wait3A_343 = tpu.memref_slice %arg25[%dma_wait3A_342] : memref<1280xi32, #tpu.memory_space<vmem>> -> memref<128xi32, #tpu.memory_space<vmem>>
        %dma_wait3A_344 = arith.constant 0 : i32
        %dma_wait3A_345 = tpu.memref_slice %arg10[%dma_wait3A_344] : memref<200000xf32, #tpu.memory_space<vmem_shared>> -> memref<200000xf32, #tpu.memory_space<vmem_shared>>
        tpu.wait_indirect_dma semaphore(%arg37 : memref<!tpu.dma_semaphore, #tpu.memory_space<semaphore_mem>>) src(%dma_wait3A_345 : memref<200000xf32, #tpu.memory_space<vmem_shared>>) dst(%dma_wait3A_341 : memref<128xf32, #tpu.memory_space<vmem>>)
        %dma_wait3A_346 = arith.constant 128 : i32
        %dma_wait3A_347 = tpu.memref_slice %arg29[%dma_wait3A_346] : memref<1280xf32, #tpu.memory_space<vmem>> -> memref<128xf32, #tpu.memory_space<vmem>>
        %dma_wait3A_348 = arith.constant 128 : i32
        %dma_wait3A_349 = tpu.memref_slice %arg25[%dma_wait3A_348] : memref<1280xi32, #tpu.memory_space<vmem>> -> memref<128xi32, #tpu.memory_space<vmem>>
        %dma_wait3A_350 = arith.constant 0 : i32
        %dma_wait3A_351 = tpu.memref_slice %arg11[%dma_wait3A_350] : memref<200000xf32, #tpu.memory_space<vmem_shared>> -> memref<200000xf32, #tpu.memory_space<vmem_shared>>
        tpu.wait_indirect_dma semaphore(%arg37 : memref<!tpu.dma_semaphore, #tpu.memory_space<semaphore_mem>>) src(%dma_wait3A_351 : memref<200000xf32, #tpu.memory_space<vmem_shared>>) dst(%dma_wait3A_347 : memref<128xf32, #tpu.memory_space<vmem>>)
        %dma_wait3A_352 = arith.constant 128 : i32
        %dma_wait3A_353 = tpu.memref_slice %arg30[%dma_wait3A_352] : memref<1280xf32, #tpu.memory_space<vmem>> -> memref<128xf32, #tpu.memory_space<vmem>>
        %dma_wait3A_354 = arith.constant 128 : i32
        %dma_wait3A_355 = tpu.memref_slice %arg25[%dma_wait3A_354] : memref<1280xi32, #tpu.memory_space<vmem>> -> memref<128xi32, #tpu.memory_space<vmem>>
        %dma_wait3A_356 = arith.constant 0 : i32
        %dma_wait3A_357 = tpu.memref_slice %arg12[%dma_wait3A_356] : memref<200000xf32, #tpu.memory_space<vmem_shared>> -> memref<200000xf32, #tpu.memory_space<vmem_shared>>
        tpu.wait_indirect_dma semaphore(%arg37 : memref<!tpu.dma_semaphore, #tpu.memory_space<semaphore_mem>>) src(%dma_wait3A_357 : memref<200000xf32, #tpu.memory_space<vmem_shared>>) dst(%dma_wait3A_353 : memref<128xf32, #tpu.memory_space<vmem>>)
        %dma_wait3A_358 = arith.constant 256 : i32
        %dma_wait3A_359 = tpu.memref_slice %arg28[%dma_wait3A_358] : memref<1280xf32, #tpu.memory_space<vmem>> -> memref<128xf32, #tpu.memory_space<vmem>>
        %dma_wait3A_360 = arith.constant 256 : i32
        %dma_wait3A_361 = tpu.memref_slice %arg25[%dma_wait3A_360] : memref<1280xi32, #tpu.memory_space<vmem>> -> memref<128xi32, #tpu.memory_space<vmem>>
        %dma_wait3A_362 = arith.constant 0 : i32
        %dma_wait3A_363 = tpu.memref_slice %arg10[%dma_wait3A_362] : memref<200000xf32, #tpu.memory_space<vmem_shared>> -> memref<200000xf32, #tpu.memory_space<vmem_shared>>
        tpu.wait_indirect_dma semaphore(%arg37 : memref<!tpu.dma_semaphore, #tpu.memory_space<semaphore_mem>>) src(%dma_wait3A_363 : memref<200000xf32, #tpu.memory_space<vmem_shared>>) dst(%dma_wait3A_359 : memref<128xf32, #tpu.memory_space<vmem>>)
        %dma_wait3A_364 = arith.constant 256 : i32
        %dma_wait3A_365 = tpu.memref_slice %arg29[%dma_wait3A_364] : memref<1280xf32, #tpu.memory_space<vmem>> -> memref<128xf32, #tpu.memory_space<vmem>>
        %dma_wait3A_366 = arith.constant 256 : i32
        %dma_wait3A_367 = tpu.memref_slice %arg25[%dma_wait3A_366] : memref<1280xi32, #tpu.memory_space<vmem>> -> memref<128xi32, #tpu.memory_space<vmem>>
        %dma_wait3A_368 = arith.constant 0 : i32
        %dma_wait3A_369 = tpu.memref_slice %arg11[%dma_wait3A_368] : memref<200000xf32, #tpu.memory_space<vmem_shared>> -> memref<200000xf32, #tpu.memory_space<vmem_shared>>
        tpu.wait_indirect_dma semaphore(%arg37 : memref<!tpu.dma_semaphore, #tpu.memory_space<semaphore_mem>>) src(%dma_wait3A_369 : memref<200000xf32, #tpu.memory_space<vmem_shared>>) dst(%dma_wait3A_365 : memref<128xf32, #tpu.memory_space<vmem>>)
        %dma_wait3A_370 = arith.constant 256 : i32
        %dma_wait3A_371 = tpu.memref_slice %arg30[%dma_wait3A_370] : memref<1280xf32, #tpu.memory_space<vmem>> -> memref<128xf32, #tpu.memory_space<vmem>>
        %dma_wait3A_372 = arith.constant 256 : i32
        %dma_wait3A_373 = tpu.memref_slice %arg25[%dma_wait3A_372] : memref<1280xi32, #tpu.memory_space<vmem>> -> memref<128xi32, #tpu.memory_space<vmem>>
        %dma_wait3A_374 = arith.constant 0 : i32
        %dma_wait3A_375 = tpu.memref_slice %arg12[%dma_wait3A_374] : memref<200000xf32, #tpu.memory_space<vmem_shared>> -> memref<200000xf32, #tpu.memory_space<vmem_shared>>
        tpu.wait_indirect_dma semaphore(%arg37 : memref<!tpu.dma_semaphore, #tpu.memory_space<semaphore_mem>>) src(%dma_wait3A_375 : memref<200000xf32, #tpu.memory_space<vmem_shared>>) dst(%dma_wait3A_371 : memref<128xf32, #tpu.memory_space<vmem>>)
        %dma_wait3A_376 = arith.constant 384 : i32
        %dma_wait3A_377 = tpu.memref_slice %arg28[%dma_wait3A_376] : memref<1280xf32, #tpu.memory_space<vmem>> -> memref<128xf32, #tpu.memory_space<vmem>>
        %dma_wait3A_378 = arith.constant 384 : i32
        %dma_wait3A_379 = tpu.memref_slice %arg25[%dma_wait3A_378] : memref<1280xi32, #tpu.memory_space<vmem>> -> memref<128xi32, #tpu.memory_space<vmem>>
        %dma_wait3A_380 = arith.constant 0 : i32
        %dma_wait3A_381 = tpu.memref_slice %arg10[%dma_wait3A_380] : memref<200000xf32, #tpu.memory_space<vmem_shared>> -> memref<200000xf32, #tpu.memory_space<vmem_shared>>
        tpu.wait_indirect_dma semaphore(%arg37 : memref<!tpu.dma_semaphore, #tpu.memory_space<semaphore_mem>>) src(%dma_wait3A_381 : memref<200000xf32, #tpu.memory_space<vmem_shared>>) dst(%dma_wait3A_377 : memref<128xf32, #tpu.memory_space<vmem>>)
        %dma_wait3A_382 = arith.constant 384 : i32
        %dma_wait3A_383 = tpu.memref_slice %arg29[%dma_wait3A_382] : memref<1280xf32, #tpu.memory_space<vmem>> -> memref<128xf32, #tpu.memory_space<vmem>>
        %dma_wait3A_384 = arith.constant 384 : i32
        %dma_wait3A_385 = tpu.memref_slice %arg25[%dma_wait3A_384] : memref<1280xi32, #tpu.memory_space<vmem>> -> memref<128xi32, #tpu.memory_space<vmem>>
        %dma_wait3A_386 = arith.constant 0 : i32
        %dma_wait3A_387 = tpu.memref_slice %arg11[%dma_wait3A_386] : memref<200000xf32, #tpu.memory_space<vmem_shared>> -> memref<200000xf32, #tpu.memory_space<vmem_shared>>
        tpu.wait_indirect_dma semaphore(%arg37 : memref<!tpu.dma_semaphore, #tpu.memory_space<semaphore_mem>>) src(%dma_wait3A_387 : memref<200000xf32, #tpu.memory_space<vmem_shared>>) dst(%dma_wait3A_383 : memref<128xf32, #tpu.memory_space<vmem>>)
        %dma_wait3A_388 = arith.constant 384 : i32
        %dma_wait3A_389 = tpu.memref_slice %arg30[%dma_wait3A_388] : memref<1280xf32, #tpu.memory_space<vmem>> -> memref<128xf32, #tpu.memory_space<vmem>>
        %dma_wait3A_390 = arith.constant 384 : i32
        %dma_wait3A_391 = tpu.memref_slice %arg25[%dma_wait3A_390] : memref<1280xi32, #tpu.memory_space<vmem>> -> memref<128xi32, #tpu.memory_space<vmem>>
        %dma_wait3A_392 = arith.constant 0 : i32
        %dma_wait3A_393 = tpu.memref_slice %arg12[%dma_wait3A_392] : memref<200000xf32, #tpu.memory_space<vmem_shared>> -> memref<200000xf32, #tpu.memory_space<vmem_shared>>
        tpu.wait_indirect_dma semaphore(%arg37 : memref<!tpu.dma_semaphore, #tpu.memory_space<semaphore_mem>>) src(%dma_wait3A_393 : memref<200000xf32, #tpu.memory_space<vmem_shared>>) dst(%dma_wait3A_389 : memref<128xf32, #tpu.memory_space<vmem>>)
        %dma_wait3A_394 = arith.constant 512 : i32
        %dma_wait3A_395 = tpu.memref_slice %arg28[%dma_wait3A_394] : memref<1280xf32, #tpu.memory_space<vmem>> -> memref<128xf32, #tpu.memory_space<vmem>>
        %dma_wait3A_396 = arith.constant 512 : i32
        %dma_wait3A_397 = tpu.memref_slice %arg25[%dma_wait3A_396] : memref<1280xi32, #tpu.memory_space<vmem>> -> memref<128xi32, #tpu.memory_space<vmem>>
        %dma_wait3A_398 = arith.constant 0 : i32
        %dma_wait3A_399 = tpu.memref_slice %arg10[%dma_wait3A_398] : memref<200000xf32, #tpu.memory_space<vmem_shared>> -> memref<200000xf32, #tpu.memory_space<vmem_shared>>
        tpu.wait_indirect_dma semaphore(%arg37 : memref<!tpu.dma_semaphore, #tpu.memory_space<semaphore_mem>>) src(%dma_wait3A_399 : memref<200000xf32, #tpu.memory_space<vmem_shared>>) dst(%dma_wait3A_395 : memref<128xf32, #tpu.memory_space<vmem>>)
        %dma_wait3A_400 = arith.constant 512 : i32
        %dma_wait3A_401 = tpu.memref_slice %arg29[%dma_wait3A_400] : memref<1280xf32, #tpu.memory_space<vmem>> -> memref<128xf32, #tpu.memory_space<vmem>>
        %dma_wait3A_402 = arith.constant 512 : i32
        %dma_wait3A_403 = tpu.memref_slice %arg25[%dma_wait3A_402] : memref<1280xi32, #tpu.memory_space<vmem>> -> memref<128xi32, #tpu.memory_space<vmem>>
        %dma_wait3A_404 = arith.constant 0 : i32
        %dma_wait3A_405 = tpu.memref_slice %arg11[%dma_wait3A_404] : memref<200000xf32, #tpu.memory_space<vmem_shared>> -> memref<200000xf32, #tpu.memory_space<vmem_shared>>
        tpu.wait_indirect_dma semaphore(%arg37 : memref<!tpu.dma_semaphore, #tpu.memory_space<semaphore_mem>>) src(%dma_wait3A_405 : memref<200000xf32, #tpu.memory_space<vmem_shared>>) dst(%dma_wait3A_401 : memref<128xf32, #tpu.memory_space<vmem>>)
        %dma_wait3A_406 = arith.constant 512 : i32
        %dma_wait3A_407 = tpu.memref_slice %arg30[%dma_wait3A_406] : memref<1280xf32, #tpu.memory_space<vmem>> -> memref<128xf32, #tpu.memory_space<vmem>>
        %dma_wait3A_408 = arith.constant 512 : i32
        %dma_wait3A_409 = tpu.memref_slice %arg25[%dma_wait3A_408] : memref<1280xi32, #tpu.memory_space<vmem>> -> memref<128xi32, #tpu.memory_space<vmem>>
        %dma_wait3A_410 = arith.constant 0 : i32
        %dma_wait3A_411 = tpu.memref_slice %arg12[%dma_wait3A_410] : memref<200000xf32, #tpu.memory_space<vmem_shared>> -> memref<200000xf32, #tpu.memory_space<vmem_shared>>
        tpu.wait_indirect_dma semaphore(%arg37 : memref<!tpu.dma_semaphore, #tpu.memory_space<semaphore_mem>>) src(%dma_wait3A_411 : memref<200000xf32, #tpu.memory_space<vmem_shared>>) dst(%dma_wait3A_407 : memref<128xf32, #tpu.memory_space<vmem>>)
        %dma_wait3A_412 = arith.constant 640 : i32
        %dma_wait3A_413 = tpu.memref_slice %arg28[%dma_wait3A_412] : memref<1280xf32, #tpu.memory_space<vmem>> -> memref<128xf32, #tpu.memory_space<vmem>>
        %dma_wait3A_414 = arith.constant 640 : i32
        %dma_wait3A_415 = tpu.memref_slice %arg25[%dma_wait3A_414] : memref<1280xi32, #tpu.memory_space<vmem>> -> memref<128xi32, #tpu.memory_space<vmem>>
        %dma_wait3A_416 = arith.constant 0 : i32
        %dma_wait3A_417 = tpu.memref_slice %arg10[%dma_wait3A_416] : memref<200000xf32, #tpu.memory_space<vmem_shared>> -> memref<200000xf32, #tpu.memory_space<vmem_shared>>
        tpu.wait_indirect_dma semaphore(%arg37 : memref<!tpu.dma_semaphore, #tpu.memory_space<semaphore_mem>>) src(%dma_wait3A_417 : memref<200000xf32, #tpu.memory_space<vmem_shared>>) dst(%dma_wait3A_413 : memref<128xf32, #tpu.memory_space<vmem>>)
        %dma_wait3A_418 = arith.constant 640 : i32
        %dma_wait3A_419 = tpu.memref_slice %arg29[%dma_wait3A_418] : memref<1280xf32, #tpu.memory_space<vmem>> -> memref<128xf32, #tpu.memory_space<vmem>>
        %dma_wait3A_420 = arith.constant 640 : i32
        %dma_wait3A_421 = tpu.memref_slice %arg25[%dma_wait3A_420] : memref<1280xi32, #tpu.memory_space<vmem>> -> memref<128xi32, #tpu.memory_space<vmem>>
        %dma_wait3A_422 = arith.constant 0 : i32
        %dma_wait3A_423 = tpu.memref_slice %arg11[%dma_wait3A_422] : memref<200000xf32, #tpu.memory_space<vmem_shared>> -> memref<200000xf32, #tpu.memory_space<vmem_shared>>
        tpu.wait_indirect_dma semaphore(%arg37 : memref<!tpu.dma_semaphore, #tpu.memory_space<semaphore_mem>>) src(%dma_wait3A_423 : memref<200000xf32, #tpu.memory_space<vmem_shared>>) dst(%dma_wait3A_419 : memref<128xf32, #tpu.memory_space<vmem>>)
        %dma_wait3A_424 = arith.constant 640 : i32
        %dma_wait3A_425 = tpu.memref_slice %arg30[%dma_wait3A_424] : memref<1280xf32, #tpu.memory_space<vmem>> -> memref<128xf32, #tpu.memory_space<vmem>>
        %dma_wait3A_426 = arith.constant 640 : i32
        %dma_wait3A_427 = tpu.memref_slice %arg25[%dma_wait3A_426] : memref<1280xi32, #tpu.memory_space<vmem>> -> memref<128xi32, #tpu.memory_space<vmem>>
        %dma_wait3A_428 = arith.constant 0 : i32
        %dma_wait3A_429 = tpu.memref_slice %arg12[%dma_wait3A_428] : memref<200000xf32, #tpu.memory_space<vmem_shared>> -> memref<200000xf32, #tpu.memory_space<vmem_shared>>
        tpu.wait_indirect_dma semaphore(%arg37 : memref<!tpu.dma_semaphore, #tpu.memory_space<semaphore_mem>>) src(%dma_wait3A_429 : memref<200000xf32, #tpu.memory_space<vmem_shared>>) dst(%dma_wait3A_425 : memref<128xf32, #tpu.memory_space<vmem>>)
        %dma_wait3A_430 = arith.constant 768 : i32
        %dma_wait3A_431 = tpu.memref_slice %arg28[%dma_wait3A_430] : memref<1280xf32, #tpu.memory_space<vmem>> -> memref<128xf32, #tpu.memory_space<vmem>>
        %dma_wait3A_432 = arith.constant 768 : i32
        %dma_wait3A_433 = tpu.memref_slice %arg25[%dma_wait3A_432] : memref<1280xi32, #tpu.memory_space<vmem>> -> memref<128xi32, #tpu.memory_space<vmem>>
        %dma_wait3A_434 = arith.constant 0 : i32
        %dma_wait3A_435 = tpu.memref_slice %arg10[%dma_wait3A_434] : memref<200000xf32, #tpu.memory_space<vmem_shared>> -> memref<200000xf32, #tpu.memory_space<vmem_shared>>
        tpu.wait_indirect_dma semaphore(%arg37 : memref<!tpu.dma_semaphore, #tpu.memory_space<semaphore_mem>>) src(%dma_wait3A_435 : memref<200000xf32, #tpu.memory_space<vmem_shared>>) dst(%dma_wait3A_431 : memref<128xf32, #tpu.memory_space<vmem>>)
        %dma_wait3A_436 = arith.constant 768 : i32
        %dma_wait3A_437 = tpu.memref_slice %arg29[%dma_wait3A_436] : memref<1280xf32, #tpu.memory_space<vmem>> -> memref<128xf32, #tpu.memory_space<vmem>>
        %dma_wait3A_438 = arith.constant 768 : i32
        %dma_wait3A_439 = tpu.memref_slice %arg25[%dma_wait3A_438] : memref<1280xi32, #tpu.memory_space<vmem>> -> memref<128xi32, #tpu.memory_space<vmem>>
        %dma_wait3A_440 = arith.constant 0 : i32
        %dma_wait3A_441 = tpu.memref_slice %arg11[%dma_wait3A_440] : memref<200000xf32, #tpu.memory_space<vmem_shared>> -> memref<200000xf32, #tpu.memory_space<vmem_shared>>
        tpu.wait_indirect_dma semaphore(%arg37 : memref<!tpu.dma_semaphore, #tpu.memory_space<semaphore_mem>>) src(%dma_wait3A_441 : memref<200000xf32, #tpu.memory_space<vmem_shared>>) dst(%dma_wait3A_437 : memref<128xf32, #tpu.memory_space<vmem>>)
        %dma_wait3A_442 = arith.constant 768 : i32
        %dma_wait3A_443 = tpu.memref_slice %arg30[%dma_wait3A_442] : memref<1280xf32, #tpu.memory_space<vmem>> -> memref<128xf32, #tpu.memory_space<vmem>>
        %dma_wait3A_444 = arith.constant 768 : i32
        %dma_wait3A_445 = tpu.memref_slice %arg25[%dma_wait3A_444] : memref<1280xi32, #tpu.memory_space<vmem>> -> memref<128xi32, #tpu.memory_space<vmem>>
        %dma_wait3A_446 = arith.constant 0 : i32
        %dma_wait3A_447 = tpu.memref_slice %arg12[%dma_wait3A_446] : memref<200000xf32, #tpu.memory_space<vmem_shared>> -> memref<200000xf32, #tpu.memory_space<vmem_shared>>
        tpu.wait_indirect_dma semaphore(%arg37 : memref<!tpu.dma_semaphore, #tpu.memory_space<semaphore_mem>>) src(%dma_wait3A_447 : memref<200000xf32, #tpu.memory_space<vmem_shared>>) dst(%dma_wait3A_443 : memref<128xf32, #tpu.memory_space<vmem>>)
        %dma_wait3A_448 = arith.constant 896 : i32
        %dma_wait3A_449 = tpu.memref_slice %arg28[%dma_wait3A_448] : memref<1280xf32, #tpu.memory_space<vmem>> -> memref<128xf32, #tpu.memory_space<vmem>>
        %dma_wait3A_450 = arith.constant 896 : i32
        %dma_wait3A_451 = tpu.memref_slice %arg25[%dma_wait3A_450] : memref<1280xi32, #tpu.memory_space<vmem>> -> memref<128xi32, #tpu.memory_space<vmem>>
        %dma_wait3A_452 = arith.constant 0 : i32
        %dma_wait3A_453 = tpu.memref_slice %arg10[%dma_wait3A_452] : memref<200000xf32, #tpu.memory_space<vmem_shared>> -> memref<200000xf32, #tpu.memory_space<vmem_shared>>
        tpu.wait_indirect_dma semaphore(%arg37 : memref<!tpu.dma_semaphore, #tpu.memory_space<semaphore_mem>>) src(%dma_wait3A_453 : memref<200000xf32, #tpu.memory_space<vmem_shared>>) dst(%dma_wait3A_449 : memref<128xf32, #tpu.memory_space<vmem>>)
        %dma_wait3A_454 = arith.constant 896 : i32
        %dma_wait3A_455 = tpu.memref_slice %arg29[%dma_wait3A_454] : memref<1280xf32, #tpu.memory_space<vmem>> -> memref<128xf32, #tpu.memory_space<vmem>>
        %dma_wait3A_456 = arith.constant 896 : i32
        %dma_wait3A_457 = tpu.memref_slice %arg25[%dma_wait3A_456] : memref<1280xi32, #tpu.memory_space<vmem>> -> memref<128xi32, #tpu.memory_space<vmem>>
        %dma_wait3A_458 = arith.constant 0 : i32
        %dma_wait3A_459 = tpu.memref_slice %arg11[%dma_wait3A_458] : memref<200000xf32, #tpu.memory_space<vmem_shared>> -> memref<200000xf32, #tpu.memory_space<vmem_shared>>
        tpu.wait_indirect_dma semaphore(%arg37 : memref<!tpu.dma_semaphore, #tpu.memory_space<semaphore_mem>>) src(%dma_wait3A_459 : memref<200000xf32, #tpu.memory_space<vmem_shared>>) dst(%dma_wait3A_455 : memref<128xf32, #tpu.memory_space<vmem>>)
        %dma_wait3A_460 = arith.constant 896 : i32
        %dma_wait3A_461 = tpu.memref_slice %arg30[%dma_wait3A_460] : memref<1280xf32, #tpu.memory_space<vmem>> -> memref<128xf32, #tpu.memory_space<vmem>>
        %dma_wait3A_462 = arith.constant 896 : i32
        %dma_wait3A_463 = tpu.memref_slice %arg25[%dma_wait3A_462] : memref<1280xi32, #tpu.memory_space<vmem>> -> memref<128xi32, #tpu.memory_space<vmem>>
        %dma_wait3A_464 = arith.constant 0 : i32
        %dma_wait3A_465 = tpu.memref_slice %arg12[%dma_wait3A_464] : memref<200000xf32, #tpu.memory_space<vmem_shared>> -> memref<200000xf32, #tpu.memory_space<vmem_shared>>
        tpu.wait_indirect_dma semaphore(%arg37 : memref<!tpu.dma_semaphore, #tpu.memory_space<semaphore_mem>>) src(%dma_wait3A_465 : memref<200000xf32, #tpu.memory_space<vmem_shared>>) dst(%dma_wait3A_461 : memref<128xf32, #tpu.memory_space<vmem>>)
        %dma_wait3A_466 = arith.constant 1024 : i32
        %dma_wait3A_467 = tpu.memref_slice %arg28[%dma_wait3A_466] : memref<1280xf32, #tpu.memory_space<vmem>> -> memref<128xf32, #tpu.memory_space<vmem>>
        %dma_wait3A_468 = arith.constant 1024 : i32
        %dma_wait3A_469 = tpu.memref_slice %arg25[%dma_wait3A_468] : memref<1280xi32, #tpu.memory_space<vmem>> -> memref<128xi32, #tpu.memory_space<vmem>>
        %dma_wait3A_470 = arith.constant 0 : i32
        %dma_wait3A_471 = tpu.memref_slice %arg10[%dma_wait3A_470] : memref<200000xf32, #tpu.memory_space<vmem_shared>> -> memref<200000xf32, #tpu.memory_space<vmem_shared>>
        tpu.wait_indirect_dma semaphore(%arg37 : memref<!tpu.dma_semaphore, #tpu.memory_space<semaphore_mem>>) src(%dma_wait3A_471 : memref<200000xf32, #tpu.memory_space<vmem_shared>>) dst(%dma_wait3A_467 : memref<128xf32, #tpu.memory_space<vmem>>)
        %dma_wait3A_472 = arith.constant 1024 : i32
        %dma_wait3A_473 = tpu.memref_slice %arg29[%dma_wait3A_472] : memref<1280xf32, #tpu.memory_space<vmem>> -> memref<128xf32, #tpu.memory_space<vmem>>
        %dma_wait3A_474 = arith.constant 1024 : i32
        %dma_wait3A_475 = tpu.memref_slice %arg25[%dma_wait3A_474] : memref<1280xi32, #tpu.memory_space<vmem>> -> memref<128xi32, #tpu.memory_space<vmem>>
        %dma_wait3A_476 = arith.constant 0 : i32
        %dma_wait3A_477 = tpu.memref_slice %arg11[%dma_wait3A_476] : memref<200000xf32, #tpu.memory_space<vmem_shared>> -> memref<200000xf32, #tpu.memory_space<vmem_shared>>
        tpu.wait_indirect_dma semaphore(%arg37 : memref<!tpu.dma_semaphore, #tpu.memory_space<semaphore_mem>>) src(%dma_wait3A_477 : memref<200000xf32, #tpu.memory_space<vmem_shared>>) dst(%dma_wait3A_473 : memref<128xf32, #tpu.memory_space<vmem>>)
        %dma_wait3A_478 = arith.constant 1024 : i32
        %dma_wait3A_479 = tpu.memref_slice %arg30[%dma_wait3A_478] : memref<1280xf32, #tpu.memory_space<vmem>> -> memref<128xf32, #tpu.memory_space<vmem>>
        %dma_wait3A_480 = arith.constant 1024 : i32
        %dma_wait3A_481 = tpu.memref_slice %arg25[%dma_wait3A_480] : memref<1280xi32, #tpu.memory_space<vmem>> -> memref<128xi32, #tpu.memory_space<vmem>>
        %dma_wait3A_482 = arith.constant 0 : i32
        %dma_wait3A_483 = tpu.memref_slice %arg12[%dma_wait3A_482] : memref<200000xf32, #tpu.memory_space<vmem_shared>> -> memref<200000xf32, #tpu.memory_space<vmem_shared>>
        tpu.wait_indirect_dma semaphore(%arg37 : memref<!tpu.dma_semaphore, #tpu.memory_space<semaphore_mem>>) src(%dma_wait3A_483 : memref<200000xf32, #tpu.memory_space<vmem_shared>>) dst(%dma_wait3A_479 : memref<128xf32, #tpu.memory_space<vmem>>)
        %dma_wait3A_484 = arith.constant 1152 : i32
        %dma_wait3A_485 = tpu.memref_slice %arg28[%dma_wait3A_484] : memref<1280xf32, #tpu.memory_space<vmem>> -> memref<128xf32, #tpu.memory_space<vmem>>
        %dma_wait3A_486 = arith.constant 1152 : i32
        %dma_wait3A_487 = tpu.memref_slice %arg25[%dma_wait3A_486] : memref<1280xi32, #tpu.memory_space<vmem>> -> memref<128xi32, #tpu.memory_space<vmem>>
        %dma_wait3A_488 = arith.constant 0 : i32
        %dma_wait3A_489 = tpu.memref_slice %arg10[%dma_wait3A_488] : memref<200000xf32, #tpu.memory_space<vmem_shared>> -> memref<200000xf32, #tpu.memory_space<vmem_shared>>
        tpu.wait_indirect_dma semaphore(%arg37 : memref<!tpu.dma_semaphore, #tpu.memory_space<semaphore_mem>>) src(%dma_wait3A_489 : memref<200000xf32, #tpu.memory_space<vmem_shared>>) dst(%dma_wait3A_485 : memref<128xf32, #tpu.memory_space<vmem>>)
        %dma_wait3A_490 = arith.constant 1152 : i32
        %dma_wait3A_491 = tpu.memref_slice %arg29[%dma_wait3A_490] : memref<1280xf32, #tpu.memory_space<vmem>> -> memref<128xf32, #tpu.memory_space<vmem>>
        %dma_wait3A_492 = arith.constant 1152 : i32
        %dma_wait3A_493 = tpu.memref_slice %arg25[%dma_wait3A_492] : memref<1280xi32, #tpu.memory_space<vmem>> -> memref<128xi32, #tpu.memory_space<vmem>>
        %dma_wait3A_494 = arith.constant 0 : i32
        %dma_wait3A_495 = tpu.memref_slice %arg11[%dma_wait3A_494] : memref<200000xf32, #tpu.memory_space<vmem_shared>> -> memref<200000xf32, #tpu.memory_space<vmem_shared>>
        tpu.wait_indirect_dma semaphore(%arg37 : memref<!tpu.dma_semaphore, #tpu.memory_space<semaphore_mem>>) src(%dma_wait3A_495 : memref<200000xf32, #tpu.memory_space<vmem_shared>>) dst(%dma_wait3A_491 : memref<128xf32, #tpu.memory_space<vmem>>)
        %dma_wait3A_496 = arith.constant 1152 : i32
        %dma_wait3A_497 = tpu.memref_slice %arg30[%dma_wait3A_496] : memref<1280xf32, #tpu.memory_space<vmem>> -> memref<128xf32, #tpu.memory_space<vmem>>
        %dma_wait3A_498 = arith.constant 1152 : i32
        %dma_wait3A_499 = tpu.memref_slice %arg25[%dma_wait3A_498] : memref<1280xi32, #tpu.memory_space<vmem>> -> memref<128xi32, #tpu.memory_space<vmem>>
        %dma_wait3A_500 = arith.constant 0 : i32
        %dma_wait3A_501 = tpu.memref_slice %arg12[%dma_wait3A_500] : memref<200000xf32, #tpu.memory_space<vmem_shared>> -> memref<200000xf32, #tpu.memory_space<vmem_shared>>
        tpu.wait_indirect_dma semaphore(%arg37 : memref<!tpu.dma_semaphore, #tpu.memory_space<semaphore_mem>>) src(%dma_wait3A_501 : memref<200000xf32, #tpu.memory_space<vmem_shared>>) dst(%dma_wait3A_497 : memref<128xf32, #tpu.memory_space<vmem>>)
        %ge3A = arith.constant 64 : i32
        %ge3A_502 = arith.cmpi sge, %add3A_302, %ge3A : i32
        %convert_element_type3A_503 = arith.extui %ge3A_502 : i1 to i32
        %cond3A_504 = arith.constant 0 : i32
        %cond3A_505 = arith.cmpi ne, %convert_element_type3A_503, %cond3A_504 : i32
        scf.if %cond3A_505 {
          %dma_wait3A_517 = arith.constant 0 : i32
          %dma_wait3A_518 = tpu.memref_slice %arg9[%dma_wait3A_517] : memref<1600000xf32, #tpu.memory_space<hbm>> -> memref<1280xf32, #tpu.memory_space<hbm>>
          %dma_wait3A_519 = arith.constant 0 : i32
          %dma_wait3A_520 = tpu.memref_slice %arg9[%dma_wait3A_519] : memref<1600000xf32, #tpu.memory_space<hbm>> -> memref<1280xf32, #tpu.memory_space<hbm>>
          tpu.wait_dma2 semaphore(%arg38 : memref<!tpu.dma_semaphore, #tpu.memory_space<semaphore_mem>>) src(%arg31 : memref<1280xf32, #tpu.memory_space<vmem>>) dst(%dma_wait3A_520 : memref<1280xf32, #tpu.memory_space<hbm>>)
          %dma_wait3A_521 = arith.constant 0 : i32
          %dma_wait3A_522 = tpu.memref_slice %arg9[%dma_wait3A_521] : memref<1600000xf32, #tpu.memory_space<hbm>> -> memref<1280xf32, #tpu.memory_space<hbm>>
          %dma_wait3A_523 = arith.constant 0 : i32
          %dma_wait3A_524 = tpu.memref_slice %arg9[%dma_wait3A_523] : memref<1600000xf32, #tpu.memory_space<hbm>> -> memref<1280xf32, #tpu.memory_space<hbm>>
          tpu.wait_dma2 semaphore(%arg38 : memref<!tpu.dma_semaphore, #tpu.memory_space<semaphore_mem>>) src(%arg32 : memref<1280xf32, #tpu.memory_space<vmem>>) dst(%dma_wait3A_524 : memref<1280xf32, #tpu.memory_space<hbm>>)
        } else {
        }
        %parallel_loop3A_506 = arith.constant 0 : i32
        %parallel_loop3A_507 = arith.constant 80 : i32
        %parallel_loop3A_508 = arith.constant 1 : i32
        scf.for %parallel_loop3A_517 = %parallel_loop3A_506 to %parallel_loop3A_507 step %parallel_loop3A_508  : i32 {
          %parallel_loop3A_518 = arith.constant 16 : i32
          %parallel_loop3A_519 = arith.muli %parallel_loop3A_517, %parallel_loop3A_518 : i32
          %parallel_loop3A_520 = arith.index_cast %parallel_loop3A_519 : i32 to index
          %parallel_loop3A_521 = tpu.vector_load %arg24[%parallel_loop3A_520] {strides = array<i32>} : memref<1280xi32, #tpu.memory_space<vmem>>, vector<16xi32>,
          %parallel_loop3A_522 = arith.addi %parallel_loop3A_521, %broadcast_in_dim3A_9 : vector<16xi32>
          %parallel_loop3A_523 = tpu.vector_load_idx %arg13[%parallel_loop3A_522] : memref<10000xf32, #tpu.memory_space<vmem>>[vector<16xi32>], vector<16xf32>,
          %parallel_loop3A_524 = arith.addi %parallel_loop3A_521, %broadcast_in_dim3A_11 : vector<16xi32>
          %parallel_loop3A_525 = tpu.vector_load_idx %arg13[%parallel_loop3A_524] : memref<10000xf32, #tpu.memory_space<vmem>>[vector<16xi32>], vector<16xf32>,
          %parallel_loop3A_526 = arith.addi %parallel_loop3A_521, %broadcast_in_dim3A_13 : vector<16xi32>
          %parallel_loop3A_527 = tpu.vector_load_idx %arg13[%parallel_loop3A_526] : memref<10000xf32, #tpu.memory_space<vmem>>[vector<16xi32>], vector<16xf32>,
          %parallel_loop3A_528 = arith.addi %parallel_loop3A_521, %broadcast_in_dim3A_15 : vector<16xi32>
          %parallel_loop3A_529 = tpu.vector_load_idx %arg13[%parallel_loop3A_528] : memref<10000xf32, #tpu.memory_space<vmem>>[vector<16xi32>], vector<16xf32>,
          %parallel_loop3A_530 = arith.addi %parallel_loop3A_521, %broadcast_in_dim3A_17 : vector<16xi32>
          %parallel_loop3A_531 = tpu.vector_load_idx %arg13[%parallel_loop3A_530] : memref<10000xf32, #tpu.memory_space<vmem>>[vector<16xi32>], vector<16xf32>,
          %parallel_loop3A_532 = arith.addi %parallel_loop3A_521, %broadcast_in_dim3A_19 : vector<16xi32>
          %parallel_loop3A_533 = tpu.vector_load_idx %arg13[%parallel_loop3A_532] : memref<10000xf32, #tpu.memory_space<vmem>>[vector<16xi32>], vector<16xf32>,
          %parallel_loop3A_534 = arith.addi %parallel_loop3A_521, %broadcast_in_dim3A_21 : vector<16xi32>
          %parallel_loop3A_535 = tpu.vector_load_idx %arg13[%parallel_loop3A_534] : memref<10000xf32, #tpu.memory_space<vmem>>[vector<16xi32>], vector<16xf32>,
          %parallel_loop3A_536 = arith.addi %parallel_loop3A_521, %broadcast_in_dim3A_23 : vector<16xi32>
          %parallel_loop3A_537 = tpu.vector_load_idx %arg13[%parallel_loop3A_536] : memref<10000xf32, #tpu.memory_space<vmem>>[vector<16xi32>], vector<16xf32>,
          %parallel_loop3A_538 = arith.addi %parallel_loop3A_521, %broadcast_in_dim3A_25 : vector<16xi32>
          %parallel_loop3A_539 = tpu.vector_load_idx %arg13[%parallel_loop3A_538] : memref<10000xf32, #tpu.memory_space<vmem>>[vector<16xi32>], vector<16xf32>,
          %parallel_loop3A_540 = arith.addi %parallel_loop3A_521, %broadcast_in_dim3A_27 : vector<16xi32>
          %parallel_loop3A_541 = tpu.vector_load_idx %arg13[%parallel_loop3A_540] : memref<10000xf32, #tpu.memory_space<vmem>>[vector<16xi32>], vector<16xf32>,
          %parallel_loop3A_542 = arith.index_cast %parallel_loop3A_519 : i32 to index
          %parallel_loop3A_543 = tpu.vector_load %arg28[%parallel_loop3A_542] {strides = array<i32>} : memref<1280xf32, #tpu.memory_space<vmem>>, vector<16xf32>,
          %parallel_loop3A_544 = arith.index_cast %parallel_loop3A_519 : i32 to index
          %parallel_loop3A_545 = tpu.vector_load %arg29[%parallel_loop3A_544] {strides = array<i32>} : memref<1280xf32, #tpu.memory_space<vmem>>, vector<16xf32>,
          %parallel_loop3A_546 = arith.index_cast %parallel_loop3A_519 : i32 to index
          %parallel_loop3A_547 = tpu.vector_load %arg30[%parallel_loop3A_546] {strides = array<i32>} : memref<1280xf32, #tpu.memory_space<vmem>>, vector<16xf32>,
          %parallel_loop3A_548 = tpu.vector_load_idx %arg14[%parallel_loop3A_521] : memref<1008xf32, #tpu.memory_space<vmem>>[vector<16xi32>], vector<16xf32>,
          %parallel_loop3A_549 = arith.mulf %parallel_loop3A_527, %parallel_loop3A_547 : vector<16xf32>
          %parallel_loop3A_550 = arith.mulf %parallel_loop3A_529, %parallel_loop3A_545 : vector<16xf32>
          %parallel_loop3A_551 = arith.subf %parallel_loop3A_549, %parallel_loop3A_550 : vector<16xf32>
          %parallel_loop3A_552 = arith.mulf %parallel_loop3A_523, %parallel_loop3A_543 : vector<16xf32>
          %parallel_loop3A_553 = arith.addf %parallel_loop3A_551, %parallel_loop3A_552 : vector<16xf32>
          %parallel_loop3A_554 = arith.mulf %parallel_loop3A_529, %parallel_loop3A_543 : vector<16xf32>
          %parallel_loop3A_555 = arith.mulf %parallel_loop3A_525, %parallel_loop3A_547 : vector<16xf32>
          %parallel_loop3A_556 = arith.subf %parallel_loop3A_554, %parallel_loop3A_555 : vector<16xf32>
          %parallel_loop3A_557 = arith.mulf %parallel_loop3A_523, %parallel_loop3A_545 : vector<16xf32>
          %parallel_loop3A_558 = arith.addf %parallel_loop3A_556, %parallel_loop3A_557 : vector<16xf32>
          %parallel_loop3A_559 = arith.mulf %parallel_loop3A_525, %parallel_loop3A_545 : vector<16xf32>
          %parallel_loop3A_560 = arith.mulf %parallel_loop3A_527, %parallel_loop3A_543 : vector<16xf32>
          %parallel_loop3A_561 = arith.subf %parallel_loop3A_559, %parallel_loop3A_560 : vector<16xf32>
          %parallel_loop3A_562 = arith.mulf %parallel_loop3A_523, %parallel_loop3A_547 : vector<16xf32>
          %parallel_loop3A_563 = arith.addf %parallel_loop3A_561, %parallel_loop3A_562 : vector<16xf32>
          %parallel_loop3A_564 = arith.mulf %parallel_loop3A_527, %parallel_loop3A_563 : vector<16xf32>
          %parallel_loop3A_565 = arith.mulf %parallel_loop3A_529, %parallel_loop3A_558 : vector<16xf32>
          %parallel_loop3A_566 = arith.subf %parallel_loop3A_564, %parallel_loop3A_565 : vector<16xf32>
          %parallel_loop3A_567 = arith.mulf %parallel_loop3A_548, %parallel_loop3A_566 : vector<16xf32>
          %parallel_loop3A_568 = arith.addf %parallel_loop3A_543, %parallel_loop3A_567 : vector<16xf32>
          %parallel_loop3A_569 = arith.addf %parallel_loop3A_568, %parallel_loop3A_531 : vector<16xf32>
          %parallel_loop3A_570 = arith.mulf %parallel_loop3A_529, %parallel_loop3A_553 : vector<16xf32>
          %parallel_loop3A_571 = arith.mulf %parallel_loop3A_525, %parallel_loop3A_563 : vector<16xf32>
          %parallel_loop3A_572 = arith.subf %parallel_loop3A_570, %parallel_loop3A_571 : vector<16xf32>
          %parallel_loop3A_573 = arith.mulf %parallel_loop3A_548, %parallel_loop3A_572 : vector<16xf32>
          %parallel_loop3A_574 = arith.addf %parallel_loop3A_545, %parallel_loop3A_573 : vector<16xf32>
          %parallel_loop3A_575 = arith.addf %parallel_loop3A_574, %parallel_loop3A_533 : vector<16xf32>
          %parallel_loop3A_576 = arith.mulf %parallel_loop3A_525, %parallel_loop3A_558 : vector<16xf32>
          %parallel_loop3A_577 = arith.mulf %parallel_loop3A_527, %parallel_loop3A_553 : vector<16xf32>
          %parallel_loop3A_578 = arith.subf %parallel_loop3A_576, %parallel_loop3A_577 : vector<16xf32>
          %parallel_loop3A_579 = arith.mulf %parallel_loop3A_548, %parallel_loop3A_578 : vector<16xf32>
          %parallel_loop3A_580 = arith.addf %parallel_loop3A_547, %parallel_loop3A_579 : vector<16xf32>
          %parallel_loop3A_581 = arith.addf %parallel_loop3A_580, %parallel_loop3A_535 : vector<16xf32>
          %parallel_loop3A_582 = arith.constant -1.000000e+00 : f32
          %parallel_loop3A_583 = vector.broadcast %parallel_loop3A_582 : f32 to vector<16xf32>
          %parallel_loop3A_584 = arith.divf %parallel_loop3A_583, %parallel_loop3A_581 : vector<16xf32>
          %parallel_loop3A_585 = arith.mulf %parallel_loop3A_569, %parallel_loop3A_584 : vector<16xf32>
          %parallel_loop3A_586 = arith.mulf %parallel_loop3A_575, %parallel_loop3A_584 : vector<16xf32>
          %parallel_loop3A_587 = arith.mulf %parallel_loop3A_585, %parallel_loop3A_585 : vector<16xf32>
          %parallel_loop3A_588 = arith.mulf %parallel_loop3A_586, %parallel_loop3A_586 : vector<16xf32>
          %parallel_loop3A_589 = arith.addf %parallel_loop3A_587, %parallel_loop3A_588 : vector<16xf32>
          %parallel_loop3A_590 = arith.mulf %parallel_loop3A_539, %parallel_loop3A_589 : vector<16xf32>
          %parallel_loop3A_591 = arith.constant 1.000000e+00 : f32
          %parallel_loop3A_592 = vector.broadcast %parallel_loop3A_591 : f32 to vector<16xf32>
          %parallel_loop3A_593 = arith.addf %parallel_loop3A_592, %parallel_loop3A_590 : vector<16xf32>
          %parallel_loop3A_594 = arith.mulf %parallel_loop3A_541, %parallel_loop3A_589 : vector<16xf32>
          %parallel_loop3A_595 = arith.mulf %parallel_loop3A_594, %parallel_loop3A_589 : vector<16xf32>
          %parallel_loop3A_596 = arith.addf %parallel_loop3A_593, %parallel_loop3A_595 : vector<16xf32>
          %parallel_loop3A_597 = arith.mulf %parallel_loop3A_537, %parallel_loop3A_596 : vector<16xf32>
          %parallel_loop3A_598 = arith.mulf %parallel_loop3A_585, %parallel_loop3A_597 : vector<16xf32>
          %parallel_loop3A_599 = arith.index_cast %parallel_loop3A_519 : i32 to index
          %parallel_loop3A_600 = tpu.vector_load %arg26[%parallel_loop3A_599] {strides = array<i32>} : memref<1280xf32, #tpu.memory_space<vmem>>, vector<16xf32>,
          %parallel_loop3A_601 = arith.subf %parallel_loop3A_598, %parallel_loop3A_600 : vector<16xf32>
          %parallel_loop3A_602 = arith.index_cast %parallel_loop3A_519 : i32 to index
          %parallel_loop3A_603 = tpu.vector_load %arg31[%parallel_loop3A_602] {strides = array<i32>} : memref<1280xf32, #tpu.memory_space<vmem>>, vector<16xf32>,
          tpu.vector_store %arg31[%parallel_loop3A_602], %parallel_loop3A_601 {strides = array<i32>} : memref<1280xf32, #tpu.memory_space<vmem>>, vector<16xf32>,
          %parallel_loop3A_604 = arith.mulf %parallel_loop3A_586, %parallel_loop3A_597 : vector<16xf32>
          %parallel_loop3A_605 = arith.index_cast %parallel_loop3A_519 : i32 to index
          %parallel_loop3A_606 = tpu.vector_load %arg27[%parallel_loop3A_605] {strides = array<i32>} : memref<1280xf32, #tpu.memory_space<vmem>>, vector<16xf32>,
          %parallel_loop3A_607 = arith.subf %parallel_loop3A_604, %parallel_loop3A_606 : vector<16xf32>
          %parallel_loop3A_608 = arith.index_cast %parallel_loop3A_519 : i32 to index
          %parallel_loop3A_609 = tpu.vector_load %arg32[%parallel_loop3A_608] {strides = array<i32>} : memref<1280xf32, #tpu.memory_space<vmem>>, vector<16xf32>,
          tpu.vector_store %arg32[%parallel_loop3A_608], %parallel_loop3A_607 {strides = array<i32>} : memref<1280xf32, #tpu.memory_space<vmem>>, vector<16xf32>,
        } {sc.loop_unroll_factor = 1 : i64, sc.parallel_access}
        %mul3A_509 = arith.constant 1280 : i32
        %mul3A_510 = arith.muli %add3A_302, %mul3A_509 : i32
        %dma_start3A_511 = tpu.memref_slice %arg9[%mul3A_510] : memref<1600000xf32, #tpu.memory_space<hbm>> -> memref<1280xf32, #tpu.memory_space<hbm>>
        %dma_start3A_512 = tpu.memref_slice %arg9[%mul3A_510] : memref<1600000xf32, #tpu.memory_space<hbm>> -> memref<1280xf32, #tpu.memory_space<hbm>>
        tpu.enqueue_dma source(%arg31 : memref<1280xf32, #tpu.memory_space<vmem>>) target(%dma_start3A_512 : memref<1280xf32, #tpu.memory_space<hbm>>) target_semaphore(%arg38 : memref<!tpu.dma_semaphore, #tpu.memory_space<semaphore_mem>>)
        %add3A_513 = arith.constant 800000 : i32
        %add3A_514 = arith.addi %add3A_513, %mul3A_510 : i32
        %dma_start3A_515 = tpu.memref_slice %arg9[%add3A_514] : memref<1600000xf32, #tpu.memory_space<hbm>> -> memref<1280xf32, #tpu.memory_space<hbm>>
        %dma_start3A_516 = tpu.memref_slice %arg9[%add3A_514] : memref<1600000xf32, #tpu.memory_space<hbm>> -> memref<1280xf32, #tpu.memory_space<hbm>>
        tpu.enqueue_dma source(%arg32 : memref<1280xf32, #tpu.memory_space<vmem>>) target(%dma_start3A_516 : memref<1280xf32, #tpu.memory_space<hbm>>) target_semaphore(%arg38 : memref<!tpu.dma_semaphore, #tpu.memory_space<semaphore_mem>>)
      } else {
      }
      %add3A_315 = arith.constant 64 : i32
      %add3A_316 = arith.addi %add3A_302, %add3A_315 : i32
      %lt3A_317 = arith.constant 625 : i32
      %lt3A_318 = arith.cmpi slt, %add3A_316, %lt3A_317 : i32
      %convert_element_type3A_319 = arith.extui %lt3A_318 : i1 to i32
      %cond3A_320 = arith.constant 0 : i32
      %cond3A_321 = arith.cmpi ne, %convert_element_type3A_319, %cond3A_320 : i32
      scf.if %cond3A_321 {
        %add3A_322 = arith.constant 64 : i32
        %add3A_323 = arith.addi %add3A_302, %add3A_322 : i32
        %mul3A_324 = arith.constant 1280 : i32
        %mul3A_325 = arith.muli %add3A_323, %mul3A_324 : i32
        %dma_start3A_326 = tpu.memref_slice %arg3[%mul3A_325] : memref<800000xi32, #tpu.memory_space<hbm>> -> memref<1280xi32, #tpu.memory_space<hbm>>
        %dma_start3A_327 = tpu.memref_slice %arg3[%mul3A_325] : memref<800000xi32, #tpu.memory_space<hbm>> -> memref<1280xi32, #tpu.memory_space<hbm>>
        tpu.enqueue_dma source(%dma_start3A_327 : memref<1280xi32, #tpu.memory_space<hbm>>) target(%arg24 : memref<1280xi32, #tpu.memory_space<vmem>>) target_semaphore(%arg36 : memref<!tpu.dma_semaphore, #tpu.memory_space<semaphore_mem>>)
        %dma_start3A_328 = tpu.memref_slice %arg4[%mul3A_325] : memref<800000xi32, #tpu.memory_space<hbm>> -> memref<1280xi32, #tpu.memory_space<hbm>>
        %dma_start3A_329 = tpu.memref_slice %arg4[%mul3A_325] : memref<800000xi32, #tpu.memory_space<hbm>> -> memref<1280xi32, #tpu.memory_space<hbm>>
        tpu.enqueue_dma source(%dma_start3A_329 : memref<1280xi32, #tpu.memory_space<hbm>>) target(%arg25 : memref<1280xi32, #tpu.memory_space<vmem>>) target_semaphore(%arg36 : memref<!tpu.dma_semaphore, #tpu.memory_space<semaphore_mem>>)
        %dma_start3A_330 = tpu.memref_slice %arg2[%mul3A_325] : memref<1600000xf32, #tpu.memory_space<hbm>> -> memref<1280xf32, #tpu.memory_space<hbm>>
        %dma_start3A_331 = tpu.memref_slice %arg2[%mul3A_325] : memref<1600000xf32, #tpu.memory_space<hbm>> -> memref<1280xf32, #tpu.memory_space<hbm>>
        tpu.enqueue_dma source(%dma_start3A_331 : memref<1280xf32, #tpu.memory_space<hbm>>) target(%arg26 : memref<1280xf32, #tpu.memory_space<vmem>>) target_semaphore(%arg36 : memref<!tpu.dma_semaphore, #tpu.memory_space<semaphore_mem>>)
        %add3A_332 = arith.constant 800000 : i32
        %add3A_333 = arith.addi %add3A_332, %mul3A_325 : i32
        %dma_start3A_334 = tpu.memref_slice %arg2[%add3A_333] : memref<1600000xf32, #tpu.memory_space<hbm>> -> memref<1280xf32, #tpu.memory_space<hbm>>
        %dma_start3A_335 = tpu.memref_slice %arg2[%add3A_333] : memref<1600000xf32, #tpu.memory_space<hbm>> -> memref<1280xf32, #tpu.memory_space<hbm>>
        tpu.enqueue_dma source(%dma_start3A_335 : memref<1280xf32, #tpu.memory_space<hbm>>) target(%arg27 : memref<1280xf32, #tpu.memory_space<vmem>>) target_semaphore(%arg36 : memref<!tpu.dma_semaphore, #tpu.memory_space<semaphore_mem>>)
      } else {
      }
    }
    %scan3A_252 = arith.constant 10 : i32
    %dma_wait3A_253 = arith.constant 0 : i32
    %dma_wait3A_254 = tpu.memref_slice %arg9[%dma_wait3A_253] : memref<1600000xf32, #tpu.memory_space<hbm>> -> memref<1280xf32, #tpu.memory_space<hbm>>
    %dma_wait3A_255 = arith.constant 0 : i32
    %dma_wait3A_256 = tpu.memref_slice %arg9[%dma_wait3A_255] : memref<1600000xf32, #tpu.memory_space<hbm>> -> memref<1280xf32, #tpu.memory_space<hbm>>
    tpu.wait_dma2 semaphore(%arg35 : memref<!tpu.dma_semaphore, #tpu.memory_space<semaphore_mem>>) src(%arg22 : memref<1280xf32, #tpu.memory_space<vmem>>) dst(%dma_wait3A_256 : memref<1280xf32, #tpu.memory_space<hbm>>)
    %dma_wait3A_257 = arith.constant 0 : i32
    %dma_wait3A_258 = tpu.memref_slice %arg9[%dma_wait3A_257] : memref<1600000xf32, #tpu.memory_space<hbm>> -> memref<1280xf32, #tpu.memory_space<hbm>>
    %dma_wait3A_259 = arith.constant 0 : i32
    %dma_wait3A_260 = tpu.memref_slice %arg9[%dma_wait3A_259] : memref<1600000xf32, #tpu.memory_space<hbm>> -> memref<1280xf32, #tpu.memory_space<hbm>>
    tpu.wait_dma2 semaphore(%arg35 : memref<!tpu.dma_semaphore, #tpu.memory_space<semaphore_mem>>) src(%arg23 : memref<1280xf32, #tpu.memory_space<vmem>>) dst(%dma_wait3A_260 : memref<1280xf32, #tpu.memory_space<hbm>>)
    %dma_wait3A_261 = arith.constant 0 : i32
    %dma_wait3A_262 = tpu.memref_slice %arg9[%dma_wait3A_261] : memref<1600000xf32, #tpu.memory_space<hbm>> -> memref<1280xf32, #tpu.memory_space<hbm>>
    %dma_wait3A_263 = arith.constant 0 : i32
    %dma_wait3A_264 = tpu.memref_slice %arg9[%dma_wait3A_263] : memref<1600000xf32, #tpu.memory_space<hbm>> -> memref<1280xf32, #tpu.memory_space<hbm>>
    tpu.wait_dma2 semaphore(%arg38 : memref<!tpu.dma_semaphore, #tpu.memory_space<semaphore_mem>>) src(%arg31 : memref<1280xf32, #tpu.memory_space<vmem>>) dst(%dma_wait3A_264 : memref<1280xf32, #tpu.memory_space<hbm>>)
    %dma_wait3A_265 = arith.constant 0 : i32
    %dma_wait3A_266 = tpu.memref_slice %arg9[%dma_wait3A_265] : memref<1600000xf32, #tpu.memory_space<hbm>> -> memref<1280xf32, #tpu.memory_space<hbm>>
    %dma_wait3A_267 = arith.constant 0 : i32
    %dma_wait3A_268 = tpu.memref_slice %arg9[%dma_wait3A_267] : memref<1600000xf32, #tpu.memory_space<hbm>> -> memref<1280xf32, #tpu.memory_space<hbm>>
    tpu.wait_dma2 semaphore(%arg38 : memref<!tpu.dma_semaphore, #tpu.memory_space<semaphore_mem>>) src(%arg32 : memref<1280xf32, #tpu.memory_space<vmem>>) dst(%dma_wait3A_268 : memref<1280xf32, #tpu.memory_space<hbm>>)
    return
  }
}

</mosaic_0001>

<sc_bundles>
// kernel: kernel.3.cloned.1.call-start
scs
__scs_entry_jumppad:
0x0: {  	(pc) =	sbr.rel $0x88, $3  }
0x1: {  	(tag) =	ssettag $0x0;
	lr =	simm.s32 $0x1  }
0x2: {  	[smem:$0x3F9C] =	sst lr;
	_ =	strace $0xD0000000  }
0x3: {  	_ = 	snop  }
0x4: {  	_ = 	snop  }
0x5: {  	_ = 	snop  }
0x6: {  	_ = 	snop  }
0x7: {  	_ = 	snop  }
__scs_overlays_trampoline_lowered:
0x8: {  	[smem:$0x3FAB] =	sst s0  }
0x9: {  	[smem:$0x3FAC] =	sst s1  }
0xa: {  	[smem:$0x3FAD] =	sst s2  }
0xb: {  	[smem:$0x3FAE] =	sst s3  }
0xc: {  	[smem:$0x3FAF] =	sst s4  }
0xd: {  	[smem:$0x3FB0] =	sst s5  }
0xe: {  	[smem:$0x3FB1] =	sst s6  }
0xf: {  	[smem:$0x3FB2] =	sst s7  }
0x10: {  	[smem:$0x3FB3] =	sst s8  }
0x11: {  	[smem:$0x3FB4] =	sst s9;
	s0 =	simm.s32 @!p0 $0x0  }
0x12: {  	s1 =	sld [smem:$0x3F9A];
	s0 =	simm.s32 @p0 $0x1  }
0x13: {  	[smem:$0x3FB5] =	sst s0;
	s0 =	simm.s32 @!p1 $0x0  }
0x14: {  	s2 =	sld [smem:$0x3F99];
	s0 =	simm.s32 @p1 $0x1  }
0x15: {  	[smem:$0x3FB6] =	sst s0;
	s0 =	simm.s32 @!p2 $0x0  }
0x16: {  	s3 =	sld [smem:$0x3FDB];
	s0 =	simm.s32 @p2 $0x1  }
0x17: {  	s4 =	simm.s32 $0x1BF5;
	[smem:$0x3FB8] =	sst s0  }
0x18: {  	s0 =	sld [smem:$0x3F9B];
	_ =	swait.ge [sflag:s4], $0x0  }
0x19: {  	s7 =	sld [smem:$0x3F9C]  }
0x1a: {  	s8 =	sadd.s32 $0xFFFFE003, lr  }
0x1b: {  	s9 =	sadd.s32 $0xFFFFFEF7, lr;
	s5 =	simm.s32 $0xFFFFFFFF;
	p2 =	slt.u32 s8, $0xFFFFF086  }
0x1c: {  	p1 =	slt.u32 s9, $0xF7A;
	s5 =	simm.s32 @!p2 $0x0  }
0x1d: {  	s5 =	simm.s32 @p1 $0x1;
	p0 =	seq.s32 s7, s2  }
0x1e: {  	s7 =	smul.u32 @!p0 $0xF7A, s2;
	p2 =	seq.s32 @!p0 s5, $0x0  }
0x1f: {  	s9 =	smul.u32 $0xF7A, s1;
	s8 =	simm.s32 @!p0 $0x1BF5;
	p2 =	por !p2, p0  }
0x20: {  	[sflag:s8] =	ssyncset.s32 @!p0 $0xFFFFF086;
	s6 =	sadd.s32 @!p0 s3, s7;
	s7 =	simm.s32 @!p0 $0x108  }
0x21: {  	s3 =	sadd.s32 s3, s9;
	s6 =	sadd.s32 @!p0 $0x88, s6;
	s7 =	simm.s32 @p2 $0x1082  }
0x22: {  	[simem:s7], [sflag:s8] =	dma.local @!p0 [hbm:s6], $0xF7A  }
0x23: {  	s9 =	sor.u32 $0xD0000000, s2;
	s6 =	simm.s32 $0x108;
	_ =	swait.ge @!p0 [sflag:s8], $0x0  }
0x24: {  	s3 =	sadd.s32 $0x88, s3;
	s6 =	simm.s32 @!p1 $0x1082;
	[sflag:s4] =	ssyncset.s32 $0xFFFFF086  }
0x25: {  	[simem:s6], [sflag:s4] =	dma.local [hbm:s3], $0xF7A  }
0x26: {  	[smem:$0x3F9C] =	sst s1;
	(tag) =	ssettag s2;
	_ =	strace s9  }
0x27: {  	s1 =	sld [smem:$0x3FAC]  }
0x28: {  	s2 =	sld [smem:$0x3FAD]  }
0x29: {  	s4 =	sld [smem:$0x3FAF]  }
0x2a: {  	p0 =	seq.s32 s5, $0x0;
	s5 =	sld [smem:$0x3FB0]  }
0x2b: {  	s6 =	sld [smem:$0x3FB1]  }
0x2c: {  	s7 =	sld [smem:$0x3FB2]  }
0x2d: {  	s3 =	simm.s32 $0x108;
	s8 =	sld [smem:$0x3FB3]  }
0x2e: {  	s3 =	simm.s32 @!p0 $0x1082;
	s9 =	sld [smem:$0x3FB4]  }
0x2f: {  	lr =	sadd.s32 s0, s3;
	s0 =	sld [smem:$0x3FAB]  }
0x30: {  	s3 =	sld [smem:$0x3FAE]  }
0x31: {  	[smem:$0x3FB7] =	sst s10  }
0x32: {  	s10 =	sld [smem:$0x3FB5];
	_ =	sdelay $0x3  }
0x33: {  	p0 =	seq.s32 s10, $0x1;
	s10 =	sld [smem:$0x3FB7];
	_ =	sdelay $0x3  }
0x34: {  	[smem:$0x3FB7] =	sst s10  }
0x35: {  	s10 =	sld [smem:$0x3FB6];
	_ =	sdelay $0x3  }
0x36: {  	p1 =	seq.s32 s10, $0x1;
	s10 =	sld [smem:$0x3FB7];
	_ =	sdelay $0x3  }
0x37: {  	[smem:$0x3FB7] =	sst s10  }
0x38: {  	s10 =	sld [smem:$0x3FB8]  }
0x39: {  	_ = 	snop;
	(pc) =	sbr.ind lr, $3  }
0x3a: {  	_ = 	snop  }
0x3b: {  	_ = 	snop  }
0x3c: {  	p2 =	seq.s32 s10, $0x1;
	s10 =	sld [smem:$0x3FB7]  }
0x3d: {  	_ =	shalt  }
0x3e: {  	_ =	shalt  }
0x3f: {  	_ =	shalt  }
0x40: {  	_ =	shalt  }
0x41: {  	_ =	shalt  }
0x42: {  	_ =	shalt  }
0x43: {  	_ =	shalt  }
0x44: {  	_ =	shalt  }
0x45: {  	_ =	shalt  }
0x46: {  	_ =	shalt  }
0x47: {  	_ =	shalt  }
0x48: {  	_ =	shalt  }
0x49: {  	_ =	shalt  }
0x4a: {  	_ =	shalt  }
0x4b: {  	_ =	shalt  }
0x4c: {  	_ =	shalt  }
0x4d: {  	_ =	shalt  }
0x4e: {  	_ =	shalt  }
0x4f: {  	_ =	shalt  }
0x50: {  	_ =	shalt  }
0x51: {  	_ =	shalt  }
0x52: {  	_ =	shalt  }
0x53: {  	_ =	shalt  }
0x54: {  	_ =	shalt  }
0x55: {  	_ =	shalt  }
0x56: {  	_ =	shalt  }
0x57: {  	_ =	shalt  }
0x58: {  	_ =	shalt  }
0x59: {  	_ =	shalt  }
0x5a: {  	_ =	shalt  }
0x5b: {  	_ =	shalt  }
0x5c: {  	_ =	shalt  }
0x5d: {  	_ =	shalt  }
0x5e: {  	_ =	shalt  }
0x5f: {  	_ =	shalt  }
0x60: {  	_ =	shalt  }
0x61: {  	_ =	shalt  }
0x62: {  	_ =	shalt  }
0x63: {  	_ =	shalt  }
0x64: {  	_ =	shalt  }
0x65: {  	_ =	shalt  }
0x66: {  	_ =	shalt  }
0x67: {  	_ =	shalt  }
0x68: {  	_ =	shalt  }
0x69: {  	_ =	shalt  }
0x6a: {  	_ =	shalt  }
0x6b: {  	_ =	shalt  }
0x6c: {  	_ =	shalt  }
0x6d: {  	_ =	shalt  }
0x6e: {  	_ =	shalt  }
0x6f: {  	_ =	shalt  }
0x70: {  	_ =	shalt  }
0x71: {  	_ =	shalt  }
0x72: {  	_ =	shalt  }
0x73: {  	_ =	shalt  }
0x74: {  	_ =	shalt  }
0x75: {  	_ =	shalt  }
0x76: {  	_ =	shalt  }
0x77: {  	_ =	shalt  }
0x78: {  	_ =	shalt  }
0x79: {  	_ =	shalt  }
0x7a: {  	_ =	shalt  }
0x7b: {  	_ =	shalt  }
0x7c: {  	_ =	shalt  }
0x7d: {  	_ =	shalt  }
0x7e: {  	_ =	shalt  }
0x7f: {  	_ =	shalt  }
0x80: {  	_ =	shalt  }
0x81: {  	_ =	shalt  }
0x82: {  	_ =	shalt  }
0x83: {  	_ =	shalt  }
0x84: {  	_ =	shalt  }
0x85: {  	_ =	shalt  }
0x86: {  	_ =	shalt  }
0x87: {  	_ =	shalt  }
.Lfunc_end0:
.L_simem_size_0:
called_computation_lowered:
.L_overlay_start_0:
0x88: {  	s2 =	sld [smem:$0x3FD9]  }
0x89: {  	s3 =	sld [smem:$0x3FFE];
	_ =	sdelay $0x1  }
0x8a: {  	s1 =	srdreg.scid  }
0x8b: {  	s0 =	sand.u32 $0x1, s1  }
0x8c: {  	s17 =	sshll.u32 s0, $0xA;
	s2 =	sadd.s32 s3, s2  }
0x8d: {  	s2 =	sadd.s32 s2, s17  }
0x8e: {  	[smem:$0x3FC3] =	sst s2  }
0x8f: {  	_ = 	snop  }
0x90: {  	s2 =	sld [smem:$0x3FC8]  }
0x91: {  	s18 =	sld [smem:$0x3FC7]  }
0x92: {  	s4 =	sld [smem:$0x3FD0];
	(tm) =	ssettm $0x1  }
0x93: {  	s5 =	sld [smem:$0x3FFB];
	_ =	sdelay $0x3  }
0x94: {  	_ =	strace s5  }
0x95: {  	s5 =	sld [smem:$0x3FFC];
	_ =	sdelay $0x3  }
0x96: {  	_ =	strace s5  }
0x97: {  	s5 =	sld [smem:$0x3FFD];
	_ =	sdelay $0x3  }
0x98: {  	_ =	strace s5  }
0x99: {  	_ =	strace $0x8FFFFFFF  }
0x9a: {  	s19 =	sld [smem:$0x3FDB];
	_ =	sdelay $0x1  }
0x9b: {  	s6 =	simm.s32 $_scs_section_size  }
0x9c: {  	s7 =	simm.s32 $_size__tile_overlayer_lowered;
	s8 =	simm.s32 $_tile_overlayer_lowered  }
0x9d: {  	s22 =	simm.s32 $0x1BFF;
	s21 =	sshll.u32 s8, $0x1;
	s5 =	sadd.s32 s6, s19  }
0x9e: {  	s9 =	simm.s32 $0x0;
	s20 =	sshll.u32 s7, $0x1;
	s7 =	sadd.s32 s21, s5  }
0x9f: {  	[timem:s9], [sflag:s22] =	dma.local [hbm:s7], s20  }
0xa0: {  	_ =	swait.ge [sflag:s22], s20  }
0xa1: {  	s6 =	ssub.s32 $0x0, s20;
	[sflag:s22] =	ssyncset.done $0x0  }
0xa2: {  	[sflag:s22] =	ssyncadd.s32 s6;
	_ =	sdelay $0x1  }
0xa3: {  	s23 =	simm.s32 $0x1B8B  }
0xa4: {  	_ =	swait.ge [sflag:s23], $0x1  }
0xa5: {  	[sflag:s23] =	ssyncset.done $0x0  }
0xa6: {  	s25 =	simm.s32 $0x1B8E;
	s24 =	sld [smem:$0x3FFE];
	[sflag:s23] =	ssyncadd.s32 $0xFFFFFFFF  }
0xa7: {  	s26 =	simm.s32 $execute0_lowered;
	[smem:$0x3FD2] =	sst s25  }
0xa8: {  	s7 =	sshll.u32 s26, $0x1;
	_ =	strace $0x80000046;
	[dreg:$0x1] =	wrdreg $0xFFFFFFFF  }
0xa9: {  	s28 =	simm.s32 $_size_execute0_lowered;
	s5 =	sadd.s32 s5, s7;
	[dreg:$0x0] =	wrdreg $0x0  }
0xaa: {  	s7 =	sshll.u32 s28, $0x1;
	[dreg:$0x2] =	wrdreg s5  }
0xab: {  	[dreg:$0x3] =	wrdreg s7  }
0xac: {  	[dreg:$0x4] =	wrdreg $0xC0  }
0xad: {  	_ =	task [dreg:s9], $0x5FFFF  }
0xae: {  	[dreg:$0x1] =	wrdreg $0xFFFFFFFF  }
0xaf: {  	[dreg:$0x0] =	wrdreg $0x60  }
0xb0: {  	[dreg:$0x2] =	wrdreg s24  }
0xb1: {  	[dreg:$0x3] =	wrdreg s2  }
0xb2: {  	[dreg:$0x4] =	wrdreg s18  }
0xb3: {  	[dreg:$0x5] =	wrdreg s4  }
0xb4: {  	[dreg:$0x6] =	wrdreg $0x0  }
0xb5: {  	[dreg:$0x7] =	wrdreg $0x30D80  }
0xb6: {  	[dreg:$0x8] =	wrdreg $0x61B00  }
0xb7: {  	[dreg:$0x9] =	wrdreg $0x9  }
0xb8: {  	_ =	task.clear_ibuf [dreg:s9], $0xAFFFF;
	_ =	strace $0x90000046  }
0xb9: {  	s29 =	simm.s32 $0x9;
	_ =	strace $0x80000048  }
0xba: {  	_ =	swait.ge [sflag:s29], $0x1  }
0xbb: {  	[sflag:s29] =	ssyncadd.s32 $0xFFFFFFFF  }
0xbc: {  	_ =	strace $0x90000048  }
0xbd: {  	_ =	sfence  }
0xbe: {  	s30 =	sld [smem:$0x0];
	_ =	sdelay $0x2  }
0xbf: {  	s31 =	sshll.u32 s1, $0xD;
	s1 =	sshrl.u32 s1, $0x2  }
0xc0: {  	s3 =	sand.u32 $0x4000, s31;
	s1 =	sadd.s32 s1, s30  }
0xc1: {  	s0 =	sor.u32 s3, s0;
	s1 =	sshll.u32 s1, $0x11  }
0xc2: {  	s0 =	sor.u32 s1, s0  }
0xc3: {  	s0 =	sadd.s32 $0x8F2B, s0  }
0xc4: {  	[sflag:s0] =	ssyncadd.remote.s32 $0x1  }
0xc5: {  	_ =	sfence.sel $0xFFFF  }
0xc6: {  	[dreg:$0x0] =	wrdreg $0xFFFFFFFF;
	(pc) =	sbr.abs _section_cstart, $3  }
0xc7: {  	[dreg:$0x1] =	wrdreg $0xFFFFFFFF  }
0xc8: {  	_ =	task.clear_ibuf [dreg:s9], $0x2FFFF;
	_ =	strace $0x9FFFFFFF  }
0xc9: {  	(tm) =	ssettm $0x7FFFFFFF  }
tec
execute0_lowered:
.L_overlay_start_1:
0x0: {  	(tag) =	ssettag $0x1  }
0x1: {  	s16 =	rddreg [dreg:$0x0]  }
0x2: {  	s2 =	rddreg [dreg:$0x1]  }
0x3: {  	s3 =	rddreg [dreg:$0x2]  }
0x4: {  	s0 =	rddreg [dreg:$0x3]  }
0x5: {  	s4 =	rddreg [dreg:$0x4]  }
0x6: {  	s5 =	rddreg [dreg:$0x5]  }
0x7: {  	s7 =	rddreg [dreg:$0x6];
	s8 =	simm.s32 $0x0  }
0x8: {  	s17 =	stileid.u32;
	s6 =	srdreg.scid;
	s28 =	simm.s32 $0xC408  }
0x9: {  	s30 =	simm.s32 $0xC608;
	[smem:$0x7FF] =	sst s8;
	s1 =	smul.u32 $0x30D8, s17  }
0xa: {  	s6 =	sand.u32 $0x1, s6;
	s9 =	sadd.s32 $0xCA00, s16;
	s14 =	sshll.u32 s17, $0x1  }
0xb: {  	p0 =	seq.s32 s17, $0xF;
	s29 =	sadd.s32 $0x3D800, s16;
	s24 =	sadd.s32 $0xC395, s16  }
0xc: {  	s25 =	sadd.s32 $0x6195, s16;
	_ =	strace $0x80000047;
	[dreg:$0x19] =	wrdreg s24  }
0xd: {  	s10 =	ssub.s32 $0x2, s6;
	[dreg:$0x1a] =	wrdreg s25;
	s11 =	sshrl.u32 s1, $0x3  }
0xe: {  	s24 =	simm.s32 $0x5;
	s13 =	sshrl.u32 s10, $0x1;
	s12 =	sadd.s32 s11, s16  }
0xf: {  	s13 =	ssub.s32 s10, s13;
	s10 =	sor.u32 s6, s14;
	s6 =	sadd.s32 s1, s4  }
0x10: {  	s14 =	sadd.s32 s1, s5;
	s1 =	sadd.s32 s1, s7;
	s11 =	sadd.s32 s0, s11  }
0x11: {  	s0 =	sadd.s32 $0x5B95, s0;
	s16 =	simm.s32 $0xC508;
	[dreg:$0xa] =	wrdreg s11  }
0x12: {  	s26 =	sadd.s32 $0x6800, s12;
	s15 =	smul.u32 $0x500, s10;
	[dreg:$0xb] =	wrdreg s0  }
0x13: {  	s12 =	sadd.s32 $0x600, s12;
	s11 =	sadd.s32 $0x2DCA8, s4;
	[dreg:$0x8] =	wrdreg s26  }
0x14: {  	s23 =	smax.u32 s13, $0x1;
	s13 =	simm.s32 $0x1;
	[dreg:$0x9] =	wrdreg s12  }
0x15: {  	[dreg:$0x12] =	wrdreg s23;
	s0 =	sshrl.u32 @p0 s11, $0x3;
	s31 =	sshrl.u32 s15, $0x3  }
0x16: {  	s11 =	sadd.s32 $0x2DCA8, s7;
	[dreg:$0x13] =	wrdreg s0;
	s15 =	sadd.s32 s2, s31  }
0x17: {  	s0 =	sadd.s32 $0x2DCA8, s5;
	s18 =	sadd.s32 s3, s31;
	[dreg:$0xc] =	wrdreg s15  }
0x18: {  	s19 =	sadd.s32 $0x1400, s31;
	s0 =	sshrl.u32 @p0 s0, $0x3;
	[dreg:$0xd] =	wrdreg s18  }
0x19: {  	s12 =	simm.s32 $0xC288;
	s20 =	sadd.s32 s2, s19;
	[dreg:$0x14] =	wrdreg s0  }
0x1a: {  	s15 =	sadd.s32 s9, s31;
	s21 =	sadd.s32 s3, s19;
	[dreg:$0xf] =	wrdreg s20  }
0x1b: {  	s22 =	sadd.s32 s9, s19;
	s0 =	sshrl.u32 @p0 s11, $0x3;
	[dreg:$0x10] =	wrdreg s21  }
0x1c: {  	s11 =	simm.s32 $0xC688;
	s18 =	simm.s32 $0x2;
	[dreg:$0x11] =	wrdreg s22  }
0x1d: {  	s19 =	simm.s32 $0x0;
	[dreg:$0x15] =	wrdreg s0;
	s0 =	sshrl.u32 @!p0 s6, $0x3  }
0x1e: {  	s26 =	sadd.s32 $0x186A0, s15;
	[dreg:$0xe] =	wrdreg s15;
	s31 =	sadd.s32 $0x19AA0, s15  }
.Ltmp0:
0x1f: {  	s6 =	simm.s32 $0xC488;
	[dreg:$0x16] =	wrdreg s0;
	(pc) =	sbr.rel .LBB2_1-.Ltmp0, $4  }
0x20: {  	s22 =	simm.s32 $0xC588;
	s21 =	simm.s32 $0xC708;
	[dreg:$0x1b] =	wrdreg s26  }
0x21: {  	s20 =	simm.s32 $0xB998;
	s0 =	sshrl.u32 @!p0 s14, $0x3;
	[dreg:$0x1c] =	wrdreg s31  }
0x22: {  	s14 =	simm.s32 $0x80;
	[dreg:$0x17] =	wrdreg s0;
	s0 =	sshrl.u32 @!p0 s1, $0x3  }
0x23: {  	s1 =	simm.s32 $0x4;
	[dreg:$0x18] =	wrdreg s0;
	s0 =	simm.s32 $0x9288  }
.LBB2_15:
0x24: {  	s15 =	simm.s32 $0x3  }
0x25: {  	_ =	swait.ge [sflag:s15], $0x500  }
0x26: {  	[sflag:s15] =	ssyncset.done $0x0  }
0x27: {  	[sflag:s15] =	ssyncadd.s32 $0xFFFFFB00  }
0x28: {  	_ =	swait.ge [sflag:s15], $0x500  }
0x29: {  	[sflag:s15] =	ssyncset.done $0x0  }
0x2a: {  	s17 =	simm.s32 $0x6;
	[sflag:s15] =	ssyncadd.s32 $0xFFFFFB00  }
0x2b: {  	_ =	swait.ge [sflag:s17], $0x500  }
0x2c: {  	[sflag:s17] =	ssyncset.done $0x0  }
0x2d: {  	[sflag:s17] =	ssyncadd.s32 $0xFFFFFB00  }
0x2e: {  	_ =	swait.ge [sflag:s17], $0x500  }
0x2f: {  	s19 =	rddreg [dreg:$0x1d]  }
0x30: {  	s31 =	rddreg [dreg:$0x12];
	s19 =	sadd.s32 $0x1, s19  }
0x31: {  	p1 =	sne.s32 s19, s31  }
.Ltmp1:
0x32: {  	_ = 	snop;
	(pc) =	sbr.rel @!p1 .LBB2_16-.Ltmp1, $3  }
0x33: {  	_ =	sdelay $0x1  }
0x34: {  	[sflag:s17] =	ssyncset.done $0x0  }
0x35: {  	[sflag:s17] =	ssyncadd.s32 $0xFFFFFB00  }
.LBB2_1:
0x36: {  	[dreg:$0x1d] =	wrdreg s19  }
0x37: {  	s15 =	rddreg [dreg:$0x0];
	s31 =	simm.s32 $0x7  }
0x38: {  	[tilespmem:s0], [sflag:$0x7] =	stream.linear.gather [hbm4b:s15+s8], $0x2710, $0x38;
	[tilespmem:$0x11788] =	vst v63  }
0x39: {  	_ =	swait.ge [sflag:s31], $0x2710  }
0x3a: {  	[sflag:s31] =	ssyncset.done $0x0;
	s17 =	rddreg [dreg:$0x13]  }
0x3b: {  	s15 =	simm.s32 @p0 $0x1FC7;
	s19 =	rddreg [dreg:$0x19];
	[sflag:s31] =	ssyncadd.s32 $0xFFFFD8F0  }
0x3c: {  	[spmem:s17], [sflag:s15] =	dma.local @p0 [hbm:s19], $0x613  }
0x3d: {  	s17 =	simm.s32 @p0 $0x7  }
0x3e: {  	_ =	swait.ge @p0 [sflag:s17], $0x613  }
0x3f: {  	[sflag:s17] =	ssyncset.done @p0 $0x0;
	s19 =	rddreg [dreg:$0x14]  }
0x40: {  	s23 =	rddreg [dreg:$0x1a];
	[sflag:s17] =	ssyncadd.s32 @p0 $0xFFFFF9ED  }
0x41: {  	[spmem:s19], [sflag:s15] =	dma.local @p0 [hbm:s23], $0x613  }
0x42: {  	_ =	swait.ge @p0 [sflag:s17], $0x613  }
0x43: {  	[sflag:s17] =	ssyncset.done @p0 $0x0;
	s19 =	rddreg [dreg:$0xb]  }
0x44: {  	s23 =	rddreg [dreg:$0x15];
	[sflag:s17] =	ssyncadd.s32 @p0 $0xFFFFF9ED  }
0x45: {  	[spmem:s23], [sflag:s15] =	dma.local @p0 [hbm:s19], $0x613  }
0x46: {  	s15 =	stileid.u32;
	_ =	swait.ge @p0 [sflag:s17], $0x613  }
0x47: {  	s15 =	sshll.u32 @!p0 s15, $0x6;
	[sflag:s17] =	ssyncset.done @p0 $0x0;
	s19 =	rddreg [dreg:$0x16]  }
0x48: {  	s15 =	sor.u32 @!p0 $0x1C07, s15;
	[sflag:s17] =	ssyncadd.s32 @p0 $0xFFFFF9ED;
	s17 =	rddreg [dreg:$0x8]  }
0x49: {  	[spmem:s19], [sflag:s15] =	dma.local @!p0 [hbm:s17], $0x61B  }
0x4a: {  	s17 =	simm.s32 @!p0 $0x7  }
0x4b: {  	_ =	swait.ge @!p0 [sflag:s17], $0x61B  }
0x4c: {  	[sflag:s17] =	ssyncset.done @!p0 $0x0;
	s19 =	rddreg [dreg:$0x9]  }
0x4d: {  	s23 =	rddreg [dreg:$0x17];
	[sflag:s17] =	ssyncadd.s32 @!p0 $0xFFFFF9E5  }
0x4e: {  	[spmem:s23], [sflag:s15] =	dma.local @!p0 [hbm:s19], $0x61B  }
0x4f: {  	_ =	swait.ge @!p0 [sflag:s17], $0x61B  }
0x50: {  	[sflag:s17] =	ssyncset.done @!p0 $0x0;
	s19 =	rddreg [dreg:$0xa]  }
0x51: {  	s23 =	rddreg [dreg:$0x18];
	[sflag:s17] =	ssyncadd.s32 @!p0 $0xFFFFF9E5  }
0x52: {  	[spmem:s23], [sflag:s15] =	dma.local @!p0 [hbm:s19], $0x61B  }
0x53: {  	_ =	swait.ge @!p0 [sflag:s17], $0x61B  }
0x54: {  	[sflag:s17] =	ssyncset.done @!p0 $0x0  }
0x55: {  	[sflag:s17] =	ssyncadd.s32 @!p0 $0xFFFFF9E5  }
0x56: {  	s15 =	simm.s32 $0x0;
	[bflag:$0x0] =	sbarrier.arrive $0xFFFF  }
0x57: {  	v0 =	vld [tilespmem:s15+$0x9288]  }
0x58: {  	v1 =	vld [tilespmem:s15+$0x9670];
	_ =	sdelay $0x1  }
0x59: {  	v2 =	vld [tilespmem:s15+$0x9A58]  }
0x5a: {  	s17 =	simm.s32 $0x10;
	v3 =	vld [tilespmem:s15+$0x9E40]  }
0x5b: {  	v4 =	vld [tilespmem:s17+$0x9288]  }
0x5c: {  	v5 =	vld [tilespmem:s17+$0x9670];
	v0 =	vmul.f32 v0, v0;
	v1 =	vmul.f32 v1, v1;
	_ =	sdelay $0x1  }
0x5d: {  	v6 =	vld [tilespmem:s17+$0x9A58];
	v0 =	vadd.f32 v1, v0;
	v1 =	vmul.f32 v2, v2;
	_ =	sdelay $0x1  }
0x5e: {  	v7 =	vld [tilespmem:s17+$0x9E40];
	v0 =	vadd.f32 v1, v0;
	v1 =	vmul.f32 v3, v3  }
0x5f: {  	s19 =	simm.s32 $0x20;
	v4 =	vmul.f32 v4, v4;
	v5 =	vmul.f32 v5, v5  }
0x60: {  	v8 =	vld [tilespmem:s19+$0x9288];
	v1 =	vadd.f32 v1, v0  }
0x61: {  	v9 =	vld [tilespmem:s19+$0x9670];
	v4 =	vadd.f32 v5, v4;
	v5 =	vmul.f32 v6, v6  }
0x62: {  	(erf) = vrcp.f32 v1  }
0x63: {  	v2 =	vld [tilespmem:s19+$0x9A58];
	v3 =	vmul.f32 v7, v7;
	v4 =	vadd.f32 v5, v4;
	_ =	sdelay $0x1  }
0x64: {  	s23 =	simm.s32 $0x30;
	v6 =	vld [tilespmem:s19+$0x9E40];
	v3 =	vadd.f32 v3, v4  }
0x65: {  	v5 =	vmul.f32 v8, v8;
	v7 =	vmul.f32 v9, v9;
	v0 =	vld [tilespmem:s23+$0x9288]  }
0x66: {  	v1 =	vld [tilespmem:s23+$0x9670];
	(erf) = vrcp.f32 v3  }
0x67: {  	v4 =	vadd.f32 v7, v5;
	v5 =	vmul.f32 v2, v2  }
0x68: {  	v2 =	vld [tilespmem:s23+$0x9A58]  }
0x69: {  	s25 =	simm.s32 $0x100;
	v3 =	vadd.f32 v5, v4;
	v4 =	vmul.f32 v6, v6  }
.LBB2_2:
0x6a: {  	s26 =	sshra.s32 s25, $0x2;
	v5 =	vld [tilespmem:s23+$0x9E40];
	v6 =	vmul.f32 v0, v0;
	v7 =	vpop (erf);
	p1 =	sne.s32 s25, $0xF80  }
.Ltmp2:
0x6b: {  	s25 =	sadd.s32 $0x40, s25;
	v0 =	vld [tilespmem:s26+$0x9288];
	v8 =	vmul.f32 v1, v1;
	v3 =	vadd.f32 v4, v3;
	v4 =	vadd.f32 v7, v7;
	(pc) =	sbr.rel @p1 .LBB2_2-.Ltmp2, $4  }
0x6c: {  	v1 =	vld [tilespmem:s26+$0x9670]  }
0x6d: {  	v6 =	vadd.f32 v8, v6;
	v7 =	vmul.f32 v2, v2;
	(erf) = vrcp.f32 v3;
	[tilespmem:s15+$0xB998] =	vst v4;
	s15 =	smov.u32 s17;
	s17 =	smov.u32 s19;
	s19 =	smov.u32 s23  }
0x6e: {  	s23 =	smov.u32 s26;
	v2 =	vld [tilespmem:s26+$0x9A58]  }
0x6f: {  	v3 =	vadd.f32 v7, v6;
	v4 =	vmul.f32 v5, v5  }
0x70: {  	v5 =	vld [tilespmem:s23+$0x9E40]  }
0x71: {  	v0 =	vmul.f32 v0, v0;
	v1 =	vmul.f32 v1, v1;
	_ =	sdelay $0x1  }
0x72: {  	v0 =	vadd.f32 v1, v0;
	v56 =	vmul.f32 v2, v2;
	_ =	sdelay $0x1  }
0x73: {  	v0 =	vadd.f32 v56, v0;
	v57 =	vmul.f32 v5, v5  }
0x74: {  	v58 =	vadd.f32 v4, v3  }
0x75: {  	v0 =	vadd.f32 v57, v0  }
0x76: {  	(erf) = vrcp.f32 v58  }
0x77: {  	(erf) = vrcp.f32 v0;
	_ =	sdelay $0x4  }
0x78: {  	v59 =	vpop (erf)  }
0x79: {  	v60 =	vpop (erf)  }
0x7a: {  	v1 =	vadd.f32 v60, v60  }
0x7b: {  	v0 =	vadd.f32 v59, v59;
	v2 =	vpop (erf)  }
0x7c: {  	[tilespmem:s17+$0xB998] =	vst v1;
	v61 =	vadd.f32 v2, v2;
	v62 =	vpop (erf)  }
0x7d: {  	[tilespmem:s15+$0xB998] =	vst v0;
	v63 =	vadd.f32 v62, v62  }
0x7e: {  	[tilespmem:s19+$0xB998] =	vst v61  }
0x7f: {  	[tilespmem:s23+$0xB998] =	vst v63  }
0x80: {  	s25 =	simm.s32 $0x0;
	s19 =	simm.s32 $0xBD88;
	s15 =	rddreg [dreg:$0xc]  }
0x81: {  	[tilespmem:s19], [sflag:$0x1] =	stream.linear.gather [hbm4b:s15+s25], $0x500, $0x38;
	[tilespmem:$0x11788] =	vst v63  }
0x82: {  	s23 =	rddreg [dreg:$0xd]  }
0x83: {  	[tilespmem:s12], [sflag:$0x1] =	stream.linear.gather [hbm4b:s23+s25], $0x500, $0x38;
	[tilespmem:$0x11788] =	vst v63  }
0x84: {  	s31 =	simm.s32 $0xC788;
	s26 =	rddreg [dreg:$0xe]  }
0x85: {  	[tilespmem:s31], [sflag:$0x1] =	stream.linear.gather [hbm4b:s26+s25], $0x500, $0x38;
	[tilespmem:$0x11788] =	vst v63  }
0x86: {  	s19 =	rddreg [dreg:$0x1b];
	s23 =	simm.s32 $0xCC88  }
0x87: {  	[tilespmem:s23], [sflag:$0x1] =	stream.linear.gather [hbm4b:s19+s25], $0x500, $0x38;
	[tilespmem:$0x11788] =	vst v63  }
0x88: {  	_ =	swait.ge [sflag:s13], $0x500  }
0x89: {  	[sflag:s13] =	ssyncset.done $0x0  }
0x8a: {  	[sflag:s13] =	ssyncadd.s32 $0xFFFFFB00  }
0x8b: {  	_ =	swait.ge [sflag:s13], $0x500  }
0x8c: {  	[sflag:s13] =	ssyncset.done $0x0  }
0x8d: {  	[sflag:s13] =	ssyncadd.s32 $0xFFFFFB00  }
0x8e: {  	_ =	swait.ge [sflag:s13], $0x500  }
0x8f: {  	[sflag:s13] =	ssyncset.done $0x0  }
0x90: {  	[sflag:s13] =	ssyncadd.s32 $0xFFFFFB00  }
0x91: {  	_ =	swait.ge [sflag:s13], $0x500  }
0x92: {  	[sflag:s13] =	ssyncset.done $0x0  }
0x93: {  	s26 =	simm.s32 $0xD188;
	[sflag:s13] =	ssyncadd.s32 $0xFFFFFB00  }
0x94: {  	[tilespmem:s26], [sflag:$0x2] =	stream.indirect.gather [spmem:s4], $0x1, s12, s14, $0xb8;
	[tilespmem:$0x11788] =	vst v63  }
0x95: {  	s31 =	simm.s32 $0xD688  }
0x96: {  	[tilespmem:s31], [sflag:$0x2] =	stream.indirect.gather [spmem:s5], $0x1, s12, s14, $0xb8;
	[tilespmem:$0x11788] =	vst v63  }
0x97: {  	s17 =	simm.s32 $0xDB88  }
0x98: {  	[tilespmem:s17], [sflag:$0x2] =	stream.indirect.gather [spmem:s7], $0x1, s12, s14, $0xb8;
	[tilespmem:$0x11788] =	vst v63  }
0x99: {  	s19 =	simm.s32 $0xC308;
	s23 =	simm.s32 $0xD208  }
0x9a: {  	[tilespmem:s23], [sflag:$0x2] =	stream.indirect.gather [spmem:s4], $0x1, s19, s14, $0xb8;
	[tilespmem:$0x11788] =	vst v63  }
0x9b: {  	s26 =	simm.s32 $0xD708  }
0x9c: {  	[tilespmem:s26], [sflag:$0x2] =	stream.indirect.gather [spmem:s5], $0x1, s19, s14, $0xb8;
	[tilespmem:$0x11788] =	vst v63  }
0x9d: {  	s31 =	simm.s32 $0xDC08  }
0x9e: {  	[tilespmem:s31], [sflag:$0x2] =	stream.indirect.gather [spmem:s7], $0x1, s19, s14, $0xb8;
	[tilespmem:$0x11788] =	vst v63  }
0x9f: {  	s23 =	simm.s32 $0xD288;
	s19 =	simm.s32 $0xC388  }
0xa0: {  	[tilespmem:s23], [sflag:$0x2] =	stream.indirect.gather [spmem:s4], $0x1, s19, s14, $0xb8;
	[tilespmem:$0x11788] =	vst v63  }
0xa1: {  	s26 =	simm.s32 $0xD788  }
0xa2: {  	[tilespmem:s26], [sflag:$0x2] =	stream.indirect.gather [spmem:s5], $0x1, s19, s14, $0xb8;
	[tilespmem:$0x11788] =	vst v63  }
0xa3: {  	s31 =	simm.s32 $0xDC88  }
0xa4: {  	[tilespmem:s31], [sflag:$0x2] =	stream.indirect.gather [spmem:s7], $0x1, s19, s14, $0xb8;
	[tilespmem:$0x11788] =	vst v63  }
0xa5: {  	s17 =	simm.s32 $0xD308  }
0xa6: {  	[tilespmem:s17], [sflag:$0x2] =	stream.indirect.gather [spmem:s4], $0x1, s28, s14, $0xb8;
	[tilespmem:$0x11788] =	vst v63  }
0xa7: {  	s19 =	simm.s32 $0xD808  }
0xa8: {  	[tilespmem:s19], [sflag:$0x2] =	stream.indirect.gather [spmem:s5], $0x1, s28, s14, $0xb8;
	[tilespmem:$0x11788] =	vst v63  }
0xa9: {  	s23 =	simm.s32 $0xDD08  }
0xaa: {  	[tilespmem:s23], [sflag:$0x2] =	stream.indirect.gather [spmem:s7], $0x1, s28, s14, $0xb8;
	[tilespmem:$0x11788] =	vst v63  }
0xab: {  	s26 =	simm.s32 $0xD388  }
0xac: {  	[tilespmem:s26], [sflag:$0x2] =	stream.indirect.gather [spmem:s4], $0x1, s6, s14, $0xb8;
	[tilespmem:$0x11788] =	vst v63  }
0xad: {  	s31 =	simm.s32 $0xD888  }
0xae: {  	[tilespmem:s31], [sflag:$0x2] =	stream.indirect.gather [spmem:s5], $0x1, s6, s14, $0xb8;
	[tilespmem:$0x11788] =	vst v63  }
0xaf: {  	s17 =	simm.s32 $0xDD88  }
0xb0: {  	[tilespmem:s17], [sflag:$0x2] =	stream.indirect.gather [spmem:s7], $0x1, s6, s14, $0xb8;
	[tilespmem:$0x11788] =	vst v63  }
0xb1: {  	s19 =	simm.s32 $0xD408  }
0xb2: {  	[tilespmem:s19], [sflag:$0x2] =	stream.indirect.gather [spmem:s4], $0x1, s16, s14, $0xb8;
	[tilespmem:$0x11788] =	vst v63  }
0xb3: {  	s23 =	simm.s32 $0xD908  }
0xb4: {  	[tilespmem:s23], [sflag:$0x2] =	stream.indirect.gather [spmem:s5], $0x1, s16, s14, $0xb8;
	[tilespmem:$0x11788] =	vst v63  }
0xb5: {  	s26 =	simm.s32 $0xDE08  }
0xb6: {  	[tilespmem:s26], [sflag:$0x2] =	stream.indirect.gather [spmem:s7], $0x1, s16, s14, $0xb8;
	[tilespmem:$0x11788] =	vst v63  }
0xb7: {  	s31 =	simm.s32 $0xD488  }
0xb8: {  	[tilespmem:s31], [sflag:$0x2] =	stream.indirect.gather [spmem:s4], $0x1, s22, s14, $0xb8;
	[tilespmem:$0x11788] =	vst v63  }
0xb9: {  	s17 =	simm.s32 $0xD988  }
0xba: {  	[tilespmem:s17], [sflag:$0x2] =	stream.indirect.gather [spmem:s5], $0x1, s22, s14, $0xb8;
	[tilespmem:$0x11788] =	vst v63  }
0xbb: {  	s19 =	simm.s32 $0xDE88  }
0xbc: {  	[tilespmem:s19], [sflag:$0x2] =	stream.indirect.gather [spmem:s7], $0x1, s22, s14, $0xb8;
	[tilespmem:$0x11788] =	vst v63  }
0xbd: {  	s23 =	simm.s32 $0xD508  }
0xbe: {  	[tilespmem:s23], [sflag:$0x2] =	stream.indirect.gather [spmem:s4], $0x1, s30, s14, $0xb8;
	[tilespmem:$0x11788] =	vst v63  }
0xbf: {  	s26 =	simm.s32 $0xDA08  }
0xc0: {  	[tilespmem:s26], [sflag:$0x2] =	stream.indirect.gather [spmem:s5], $0x1, s30, s14, $0xb8;
	[tilespmem:$0x11788] =	vst v63  }
0xc1: {  	s31 =	simm.s32 $0xDF08  }
0xc2: {  	[tilespmem:s31], [sflag:$0x2] =	stream.indirect.gather [spmem:s7], $0x1, s30, s14, $0xb8;
	[tilespmem:$0x11788] =	vst v63  }
0xc3: {  	s17 =	simm.s32 $0xD588  }
0xc4: {  	[tilespmem:s17], [sflag:$0x2] =	stream.indirect.gather [spmem:s4], $0x1, s11, s14, $0xb8;
	[tilespmem:$0x11788] =	vst v63  }
0xc5: {  	s19 =	simm.s32 $0xDA88  }
0xc6: {  	[tilespmem:s19], [sflag:$0x2] =	stream.indirect.gather [spmem:s5], $0x1, s11, s14, $0xb8;
	[tilespmem:$0x11788] =	vst v63  }
0xc7: {  	s23 =	simm.s32 $0xDF88  }
0xc8: {  	[tilespmem:s23], [sflag:$0x2] =	stream.indirect.gather [spmem:s7], $0x1, s11, s14, $0xb8;
	[tilespmem:$0x11788] =	vst v63  }
0xc9: {  	s26 =	simm.s32 $0xD608  }
0xca: {  	[tilespmem:s26], [sflag:$0x2] =	stream.indirect.gather [spmem:s4], $0x1, s21, s14, $0xb8;
	[tilespmem:$0x11788] =	vst v63  }
0xcb: {  	s31 =	simm.s32 $0xDB08  }
0xcc: {  	[tilespmem:s31], [sflag:$0x2] =	stream.indirect.gather [spmem:s5], $0x1, s21, s14, $0xb8;
	[tilespmem:$0x11788] =	vst v63  }
0xcd: {  	s17 =	simm.s32 $0xE008  }
0xce: {  	[tilespmem:s17], [sflag:$0x2] =	stream.indirect.gather [spmem:s7], $0x1, s21, s14, $0xb8;
	[tilespmem:$0x11788] =	vst v63  }
0xcf: {  	s19 =	rddreg [dreg:$0xf];
	s23 =	simm.s32 $0xEA88  }
0xd0: {  	[tilespmem:s23], [sflag:$0x4] =	stream.linear.gather [hbm4b:s19+s25], $0x500, $0x38;
	[tilespmem:$0x11788] =	vst v63  }
0xd1: {  	s26 =	rddreg [dreg:$0x10];
	s31 =	simm.s32 $0xEF88  }
0xd2: {  	[tilespmem:s31], [sflag:$0x4] =	stream.linear.gather [hbm4b:s26+s25], $0x500, $0x38;
	[tilespmem:$0x11788] =	vst v63  }
.Ltmp3:
0xd3: {  	_ = 	snop;
	(pc) =	sbr.rel .LBB2_4-.Ltmp3, $4  }
0xd4: {  	s19 =	rddreg [dreg:$0x11];
	s23 =	simm.s32 $0xF488  }
0xd5: {  	[tilespmem:s23], [sflag:$0x4] =	stream.linear.gather [hbm4b:s19+s25], $0x500, $0x38;
	[tilespmem:$0x11788] =	vst v63  }
0xd6: {  	s26 =	rddreg [dreg:$0x1c];
	s31 =	simm.s32 $0xF988  }
0xd7: {  	[tilespmem:s31], [sflag:$0x4] =	stream.linear.gather [hbm4b:s26+s25], $0x500, $0x38;
	[tilespmem:$0x11788] =	vst v63  }
.LBB2_14:
0xd8: {  	s25 =	sadd.s32 $0x1, s25  }
0xd9: {  	p1 =	sne.s32 s25, $0xA  }
.Ltmp4:
0xda: {  	_ = 	snop;
	(pc) =	sbr.rel @!p1 .LBB2_15-.Ltmp4, $1  }
0xdb: {  	_ =	sdelay $0x3  }
.LBB2_4:
0xdc: {  	s15 =	sshll.u32 s25, $0x6  }
0xdd: {  	s31 =	sor.u32 s10, s15  }
0xde: {  	p1 =	sgt.u32 s31, $0x250  }
.Ltmp5:
0xdf: {  	_ = 	snop;
	(pc) =	sbr.rel @p1 .LBB2_6-.Ltmp5, $1  }
0xe0: {  	_ =	sdelay $0x3  }
0xe1: {  	_ =	swait.ge [sflag:s1], $0x500  }
0xe2: {  	[sflag:s1] =	ssyncset.done $0x0  }
0xe3: {  	[sflag:s1] =	ssyncadd.s32 $0xFFFFFB00  }
0xe4: {  	_ =	swait.ge [sflag:s1], $0x500  }
0xe5: {  	[sflag:s1] =	ssyncset.done $0x0  }
0xe6: {  	[sflag:s1] =	ssyncadd.s32 $0xFFFFFB00  }
0xe7: {  	_ =	swait.ge [sflag:s1], $0x500  }
0xe8: {  	[sflag:s1] =	ssyncset.done $0x0  }
0xe9: {  	[sflag:s1] =	ssyncadd.s32 $0xFFFFFB00  }
0xea: {  	_ =	swait.ge [sflag:s1], $0x500  }
0xeb: {  	[sflag:s1] =	ssyncset.done $0x0  }
0xec: {  	s15 =	simm.s32 $0xEF88;
	s17 =	simm.s32 $0xFE88;
	[sflag:s1] =	ssyncadd.s32 $0xFFFFFB00  }
0xed: {  	[tilespmem:s17], [sflag:$0x5] =	stream.indirect.gather [spmem:s4], $0x1, s15, s14, $0xb8;
	[tilespmem:$0x11788] =	vst v63  }
0xee: {  	s23 =	simm.s32 $0x10388  }
0xef: {  	[tilespmem:s23], [sflag:$0x5] =	stream.indirect.gather [spmem:s5], $0x1, s15, s14, $0xb8;
	[tilespmem:$0x11788] =	vst v63  }
0xf0: {  	s26 =	simm.s32 $0x10888  }
0xf1: {  	[tilespmem:s26], [sflag:$0x5] =	stream.indirect.gather [spmem:s7], $0x1, s15, s14, $0xb8;
	[tilespmem:$0x11788] =	vst v63  }
0xf2: {  	s19 =	simm.s32 $0xFF08;
	s15 =	simm.s32 $0xF008  }
0xf3: {  	[tilespmem:s19], [sflag:$0x5] =	stream.indirect.gather [spmem:s4], $0x1, s15, s14, $0xb8;
	[tilespmem:$0x11788] =	vst v63  }
0xf4: {  	s23 =	simm.s32 $0x10408  }
0xf5: {  	[tilespmem:s23], [sflag:$0x5] =	stream.indirect.gather [spmem:s5], $0x1, s15, s14, $0xb8;
	[tilespmem:$0x11788] =	vst v63  }
0xf6: {  	s26 =	simm.s32 $0x10908  }
0xf7: {  	[tilespmem:s26], [sflag:$0x5] =	stream.indirect.gather [spmem:s7], $0x1, s15, s14, $0xb8;
	[tilespmem:$0x11788] =	vst v63  }
0xf8: {  	s19 =	simm.s32 $0xFF88;
	s15 =	simm.s32 $0xF088  }
0xf9: {  	[tilespmem:s19], [sflag:$0x5] =	stream.indirect.gather [spmem:s4], $0x1, s15, s14, $0xb8;
	[tilespmem:$0x11788] =	vst v63  }
0xfa: {  	s23 =	simm.s32 $0x10488  }
0xfb: {  	[tilespmem:s23], [sflag:$0x5] =	stream.indirect.gather [spmem:s5], $0x1, s15, s14, $0xb8;
	[tilespmem:$0x11788] =	vst v63  }
0xfc: {  	s26 =	simm.s32 $0x10988  }
0xfd: {  	[tilespmem:s26], [sflag:$0x5] =	stream.indirect.gather [spmem:s7], $0x1, s15, s14, $0xb8;
	[tilespmem:$0x11788] =	vst v63  }
0xfe: {  	s19 =	simm.s32 $0x10008;
	s15 =	simm.s32 $0xF108  }
0xff: {  	[tilespmem:s19], [sflag:$0x5] =	stream.indirect.gather [spmem:s4], $0x1, s15, s14, $0xb8;
	[tilespmem:$0x11788] =	vst v63  }
0x100: {  	s23 =	simm.s32 $0x10508  }
0x101: {  	[tilespmem:s23], [sflag:$0x5] =	stream.indirect.gather [spmem:s5], $0x1, s15, s14, $0xb8;
	[tilespmem:$0x11788] =	vst v63  }
0x102: {  	s26 =	simm.s32 $0x10A08  }
0x103: {  	[tilespmem:s26], [sflag:$0x5] =	stream.indirect.gather [spmem:s7], $0x1, s15, s14, $0xb8;
	[tilespmem:$0x11788] =	vst v63  }
0x104: {  	s19 =	simm.s32 $0x10088;
	s15 =	simm.s32 $0xF188  }
0x105: {  	[tilespmem:s19], [sflag:$0x5] =	stream.indirect.gather [spmem:s4], $0x1, s15, s14, $0xb8;
	[tilespmem:$0x11788] =	vst v63  }
0x106: {  	s23 =	simm.s32 $0x10588  }
0x107: {  	[tilespmem:s23], [sflag:$0x5] =	stream.indirect.gather [spmem:s5], $0x1, s15, s14, $0xb8;
	[tilespmem:$0x11788] =	vst v63  }
0x108: {  	s26 =	simm.s32 $0x10A88  }
0x109: {  	[tilespmem:s26], [sflag:$0x5] =	stream.indirect.gather [spmem:s7], $0x1, s15, s14, $0xb8;
	[tilespmem:$0x11788] =	vst v63  }
0x10a: {  	s19 =	simm.s32 $0x10108;
	s15 =	simm.s32 $0xF208  }
0x10b: {  	[tilespmem:s19], [sflag:$0x5] =	stream.indirect.gather [spmem:s4], $0x1, s15, s14, $0xb8;
	[tilespmem:$0x11788] =	vst v63  }
0x10c: {  	s23 =	simm.s32 $0x10608  }
0x10d: {  	[tilespmem:s23], [sflag:$0x5] =	stream.indirect.gather [spmem:s5], $0x1, s15, s14, $0xb8;
	[tilespmem:$0x11788] =	vst v63  }
0x10e: {  	s26 =	simm.s32 $0x10B08  }
0x10f: {  	[tilespmem:s26], [sflag:$0x5] =	stream.indirect.gather [spmem:s7], $0x1, s15, s14, $0xb8;
	[tilespmem:$0x11788] =	vst v63  }
0x110: {  	s19 =	simm.s32 $0x10188;
	s15 =	simm.s32 $0xF288  }
0x111: {  	[tilespmem:s19], [sflag:$0x5] =	stream.indirect.gather [spmem:s4], $0x1, s15, s14, $0xb8;
	[tilespmem:$0x11788] =	vst v63  }
0x112: {  	s23 =	simm.s32 $0x10688  }
0x113: {  	[tilespmem:s23], [sflag:$0x5] =	stream.indirect.gather [spmem:s5], $0x1, s15, s14, $0xb8;
	[tilespmem:$0x11788] =	vst v63  }
0x114: {  	s26 =	simm.s32 $0x10B88  }
0x115: {  	[tilespmem:s26], [sflag:$0x5] =	stream.indirect.gather [spmem:s7], $0x1, s15, s14, $0xb8;
	[tilespmem:$0x11788] =	vst v63  }
0x116: {  	s19 =	simm.s32 $0x10208;
	s15 =	simm.s32 $0xF308  }
0x117: {  	[tilespmem:s19], [sflag:$0x5] =	stream.indirect.gather [spmem:s4], $0x1, s15, s14, $0xb8;
	[tilespmem:$0x11788] =	vst v63  }
0x118: {  	s23 =	simm.s32 $0x10708  }
0x119: {  	[tilespmem:s23], [sflag:$0x5] =	stream.indirect.gather [spmem:s5], $0x1, s15, s14, $0xb8;
	[tilespmem:$0x11788] =	vst v63  }
0x11a: {  	s26 =	simm.s32 $0x10C08  }
0x11b: {  	[tilespmem:s26], [sflag:$0x5] =	stream.indirect.gather [spmem:s7], $0x1, s15, s14, $0xb8;
	[tilespmem:$0x11788] =	vst v63  }
0x11c: {  	s19 =	simm.s32 $0x10288;
	s15 =	simm.s32 $0xF388  }
0x11d: {  	[tilespmem:s19], [sflag:$0x5] =	stream.indirect.gather [spmem:s4], $0x1, s15, s14, $0xb8;
	[tilespmem:$0x11788] =	vst v63  }
0x11e: {  	s23 =	simm.s32 $0x10788  }
0x11f: {  	[tilespmem:s23], [sflag:$0x5] =	stream.indirect.gather [spmem:s5], $0x1, s15, s14, $0xb8;
	[tilespmem:$0x11788] =	vst v63  }
0x120: {  	s26 =	simm.s32 $0x10C88  }
0x121: {  	[tilespmem:s26], [sflag:$0x5] =	stream.indirect.gather [spmem:s7], $0x1, s15, s14, $0xb8;
	[tilespmem:$0x11788] =	vst v63  }
0x122: {  	s19 =	simm.s32 $0x10308;
	s15 =	simm.s32 $0xF408  }
0x123: {  	[tilespmem:s19], [sflag:$0x5] =	stream.indirect.gather [spmem:s4], $0x1, s15, s14, $0xb8;
	[tilespmem:$0x11788] =	vst v63  }
0x124: {  	s23 =	simm.s32 $0x10808  }
0x125: {  	[tilespmem:s23], [sflag:$0x5] =	stream.indirect.gather [spmem:s5], $0x1, s15, s14, $0xb8;
	[tilespmem:$0x11788] =	vst v63  }
0x126: {  	s26 =	simm.s32 $0x10D08  }
0x127: {  	[tilespmem:s26], [sflag:$0x5] =	stream.indirect.gather [spmem:s7], $0x1, s15, s14, $0xb8;
	[tilespmem:$0x11788] =	vst v63  }
.LBB2_6:
0x128: {  	_ =	swait.ge [sflag:s18], $0x80  }
0x129: {  	[sflag:s18] =	ssyncset.done $0x0  }
0x12a: {  	[sflag:s18] =	ssyncadd.s32 $0xFFFFFF80  }
0x12b: {  	_ =	swait.ge [sflag:s18], $0x80  }
0x12c: {  	[sflag:s18] =	ssyncset.done $0x0  }
0x12d: {  	[sflag:s18] =	ssyncadd.s32 $0xFFFFFF80  }
0x12e: {  	_ =	swait.ge [sflag:s18], $0x80  }
0x12f: {  	[sflag:s18] =	ssyncset.done $0x0  }
0x130: {  	[sflag:s18] =	ssyncadd.s32 $0xFFFFFF80  }
0x131: {  	_ =	swait.ge [sflag:s18], $0x80  }
0x132: {  	[sflag:s18] =	ssyncset.done $0x0  }
0x133: {  	[sflag:s18] =	ssyncadd.s32 $0xFFFFFF80  }
0x134: {  	_ =	swait.ge [sflag:s18], $0x80  }
0x135: {  	[sflag:s18] =	ssyncset.done $0x0  }
0x136: {  	[sflag:s18] =	ssyncadd.s32 $0xFFFFFF80  }
0x137: {  	_ =	swait.ge [sflag:s18], $0x80  }
0x138: {  	[sflag:s18] =	ssyncset.done $0x0  }
0x139: {  	[sflag:s18] =	ssyncadd.s32 $0xFFFFFF80  }
0x13a: {  	_ =	swait.ge [sflag:s18], $0x80  }
0x13b: {  	[sflag:s18] =	ssyncset.done $0x0  }
0x13c: {  	[sflag:s18] =	ssyncadd.s32 $0xFFFFFF80  }
0x13d: {  	_ =	swait.ge [sflag:s18], $0x80  }
0x13e: {  	[sflag:s18] =	ssyncset.done $0x0  }
0x13f: {  	[sflag:s18] =	ssyncadd.s32 $0xFFFFFF80  }
0x140: {  	_ =	swait.ge [sflag:s18], $0x80  }
0x141: {  	[sflag:s18] =	ssyncset.done $0x0  }
0x142: {  	[sflag:s18] =	ssyncadd.s32 $0xFFFFFF80  }
0x143: {  	_ =	swait.ge [sflag:s18], $0x80  }
0x144: {  	[sflag:s18] =	ssyncset.done $0x0  }
0x145: {  	[sflag:s18] =	ssyncadd.s32 $0xFFFFFF80  }
0x146: {  	_ =	swait.ge [sflag:s18], $0x80  }
0x147: {  	[sflag:s18] =	ssyncset.done $0x0  }
0x148: {  	[sflag:s18] =	ssyncadd.s32 $0xFFFFFF80  }
0x149: {  	_ =	swait.ge [sflag:s18], $0x80  }
0x14a: {  	[sflag:s18] =	ssyncset.done $0x0  }
0x14b: {  	[sflag:s18] =	ssyncadd.s32 $0xFFFFFF80  }
0x14c: {  	_ =	swait.ge [sflag:s18], $0x80  }
0x14d: {  	[sflag:s18] =	ssyncset.done $0x0  }
0x14e: {  	[sflag:s18] =	ssyncadd.s32 $0xFFFFFF80  }
0x14f: {  	_ =	swait.ge [sflag:s18], $0x80  }
0x150: {  	[sflag:s18] =	ssyncset.done $0x0  }
0x151: {  	[sflag:s18] =	ssyncadd.s32 $0xFFFFFF80  }
0x152: {  	_ =	swait.ge [sflag:s18], $0x80  }
0x153: {  	[sflag:s18] =	ssyncset.done $0x0  }
0x154: {  	[sflag:s18] =	ssyncadd.s32 $0xFFFFFF80  }
0x155: {  	_ =	swait.ge [sflag:s18], $0x80  }
0x156: {  	[sflag:s18] =	ssyncset.done $0x0  }
0x157: {  	[sflag:s18] =	ssyncadd.s32 $0xFFFFFF80  }
0x158: {  	_ =	swait.ge [sflag:s18], $0x80  }
0x159: {  	[sflag:s18] =	ssyncset.done $0x0  }
0x15a: {  	[sflag:s18] =	ssyncadd.s32 $0xFFFFFF80  }
0x15b: {  	_ =	swait.ge [sflag:s18], $0x80  }
0x15c: {  	[sflag:s18] =	ssyncset.done $0x0  }
0x15d: {  	[sflag:s18] =	ssyncadd.s32 $0xFFFFFF80  }
0x15e: {  	_ =	swait.ge [sflag:s18], $0x80  }
0x15f: {  	[sflag:s18] =	ssyncset.done $0x0  }
0x160: {  	[sflag:s18] =	ssyncadd.s32 $0xFFFFFF80  }
0x161: {  	_ =	swait.ge [sflag:s18], $0x80  }
0x162: {  	[sflag:s18] =	ssyncset.done $0x0  }
0x163: {  	[sflag:s18] =	ssyncadd.s32 $0xFFFFFF80  }
0x164: {  	_ =	swait.ge [sflag:s18], $0x80  }
0x165: {  	[sflag:s18] =	ssyncset.done $0x0  }
0x166: {  	[sflag:s18] =	ssyncadd.s32 $0xFFFFFF80  }
0x167: {  	_ =	swait.ge [sflag:s18], $0x80  }
0x168: {  	[sflag:s18] =	ssyncset.done $0x0  }
0x169: {  	[sflag:s18] =	ssyncadd.s32 $0xFFFFFF80  }
0x16a: {  	_ =	swait.ge [sflag:s18], $0x80  }
0x16b: {  	[sflag:s18] =	ssyncset.done $0x0  }
0x16c: {  	[sflag:s18] =	ssyncadd.s32 $0xFFFFFF80  }
0x16d: {  	_ =	swait.ge [sflag:s18], $0x80  }
0x16e: {  	[sflag:s18] =	ssyncset.done $0x0  }
0x16f: {  	[sflag:s18] =	ssyncadd.s32 $0xFFFFFF80  }
0x170: {  	_ =	swait.ge [sflag:s18], $0x80  }
0x171: {  	[sflag:s18] =	ssyncset.done $0x0  }
0x172: {  	[sflag:s18] =	ssyncadd.s32 $0xFFFFFF80  }
0x173: {  	_ =	swait.ge [sflag:s18], $0x80  }
0x174: {  	[sflag:s18] =	ssyncset.done $0x0  }
0x175: {  	[sflag:s18] =	ssyncadd.s32 $0xFFFFFF80  }
0x176: {  	_ =	swait.ge [sflag:s18], $0x80  }
0x177: {  	[sflag:s18] =	ssyncset.done $0x0  }
0x178: {  	[sflag:s18] =	ssyncadd.s32 $0xFFFFFF80  }
0x179: {  	_ =	swait.ge [sflag:s18], $0x80  }
0x17a: {  	[sflag:s18] =	ssyncset.done $0x0  }
0x17b: {  	[sflag:s18] =	ssyncadd.s32 $0xFFFFFF80  }
0x17c: {  	_ =	swait.ge [sflag:s18], $0x80  }
0x17d: {  	[sflag:s18] =	ssyncset.done $0x0  }
0x17e: {  	[sflag:s18] =	ssyncadd.s32 $0xFFFFFF80  }
0x17f: {  	_ =	swait.ge [sflag:s18], $0x80  }
0x180: {  	p1 =	seq.s32 s25, $0x0;
	[sflag:s18] =	ssyncset.done $0x0  }
0x181: {  	s15 =	simm.s32 @!p1 $0x3;
	[sflag:s18] =	ssyncadd.s32 $0xFFFFFF80  }
0x182: {  	_ =	swait.ge @!p1 [sflag:s15], $0x500  }
0x183: {  	[sflag:s15] =	ssyncset.done @!p1 $0x0  }
0x184: {  	[sflag:s15] =	ssyncadd.s32 @!p1 $0xFFFFFB00  }
0x185: {  	_ =	swait.ge @!p1 [sflag:s15], $0x500  }
0x186: {  	[sflag:s15] =	ssyncset.done @!p1 $0x0  }
0x187: {  	s26 =	simm.s32 $0x0;
	[sflag:s15] =	ssyncadd.s32 @!p1 $0xFFFFFB00  }
0x188: {  	v4 =	vld [tilespmem:s26+$0xBD88];
	_ =	sdelay $0x4  }
0x189: {  	v0 =	vadd.s32 $0x7D0, v4  }
0x18a: {  	v1 =	vadd.s32 $0xBB8, v4  }
0x18b: {  	v2 =	vld [tilespmem:s26+$0xD188];
	v3 =	vadd.s32 $0x3E8, v4  }
0x18c: {  	v5 =	vld [tilespmem:s26+$0xD688]  }
0x18d: {  	v6 =	vld [tilespmem:s26+$0xDB88]  }
0x18e: {  	v7 =	vld.idx.msk [tilespmem:v0+s0+$0x0], $0xffff  }
0x18f: {  	v1 =	vld.idx.msk [tilespmem:v1+s0+$0x0], $0xffff  }
0x190: {  	v3 =	vld.idx.msk [tilespmem:v3+s0+$0x0], $0xffff  }
0x191: {  	v8 =	vld.idx.msk [tilespmem:v4+s0+$0x0], $0xffff;
	_ =	sdelay $0x2  }
0x192: {  	v9 =	vmul.f32 v6, v7;
	v10 =	vmul.f32 v5, v1  }
0x193: {  	v11 =	vmul.f32 v2, v1;
	v12 =	vmul.f32 v6, v3  }
0x194: {  	v13 =	vmul.f32 v2, v8  }
0x195: {  	s17 =	simm.s32 $0x10;
	v9 =	vsub.f32 v9, v10;
	v10 =	vsub.f32 v11, v12;
	v11 =	vmul.f32 v5, v8  }
0x196: {  	v0 =	vld [tilespmem:s17+$0xBD88]  }
0x197: {  	v12 =	vadd.s32 $0x1770, v4;
	v9 =	vadd.f32 v9, v13;
	v10 =	vadd.f32 v10, v11  }
0x198: {  	v11 =	vld.idx.msk [tilespmem:v4+s20+$0x0], $0xffff  }
0x199: {  	v13 =	vmul.f32 v10, v3;
	v14 =	vmul.f32 v9, v7  }
0x19a: {  	v16 =	vmul.f32 v5, v3;
	v17 =	vmul.f32 v2, v7  }
0x19b: {  	v15 =	vadd.s32 $0x7D0, v0;
	v13 =	vsub.f32 v13, v14  }
0x19c: {  	v16 =	vsub.f32 v16, v17;
	v8 =	vmul.f32 v6, v8;
	v12 =	vld.idx.msk [tilespmem:v12+s0+$0x0], $0xffff;
	v14 =	vadd.s32 $0xBB8, v0  }
0x19d: {  	v18 =	vld [tilespmem:s17+$0xD188];
	v20 =	vadd.s32 $0x3E8, v0;
	v13 =	vmul.f32 v13, v11  }
0x19e: {  	v24 =	vld [tilespmem:s17+$0xD688];
	v8 =	vadd.f32 v8, v16  }
0x19f: {  	v17 =	vld [tilespmem:s17+$0xDB88];
	v6 =	vadd.f32 v13, v6  }
0x1a0: {  	v15 =	vld.idx.msk [tilespmem:v15+s0+$0x0], $0xffff;
	v7 =	vmul.f32 v8, v7  }
0x1a1: {  	v10 =	vmul.f32 v10, v1;
	v13 =	vadd.s32 $0xFA0, v4;
	v21 =	vld.idx.msk [tilespmem:v14+s0+$0x0], $0xffff;
	v6 =	vadd.f32 v6, v12  }
0x1a2: {  	v22 =	vld.idx.msk [tilespmem:v20+s0+$0x0], $0xffff;
	v12 =	vadd.s32 $0x1388, v4  }
0x1a3: {  	v19 =	vld.idx.msk [tilespmem:v0+s0+$0x0], $0xffff;
	v7 =	vsub.f32 v7, v10;
	(erf) = vrcp.f32 v6  }
0x1a4: {  	s15 =	simm.s32 $0x20;
	v1 =	vmul.f32 v9, v1;
	v6 =	vmul.f32 v8, v3  }
0x1a5: {  	v16 =	vadd.s32 $0x1F40, v4;
	v7 =	vmul.f32 v7, v11;
	v3 =	vld [tilespmem:s15+$0xBD88]  }
0x1a6: {  	v9 =	vmul.f32 v17, v15;
	v13 =	vld.idx.msk [tilespmem:v13+s0+$0x0], $0xffff;
	v14 =	vmul.f32 v24, v21;
	v1 =	vsub.f32 v1, v6  }
0x1a7: {  	v2 =	vadd.f32 v7, v2;
	v6 =	vmul.f32 v18, v21;
	v10 =	vld.idx.msk [tilespmem:v12+s0+$0x0], $0xffff;
	v12 =	vmul.f32 v17, v22  }
0x1a8: {  	v7 =	vadd.s32 $0x1770, v0;
	v8 =	vmul.f32 v18, v19;
	v11 =	vmul.f32 v1, v11  }
0x1a9: {  	v9 =	vsub.f32 v9, v14;
	v14 =	vmul.f32 v24, v19;
	v12 =	vsub.f32 v6, v12  }
0x1aa: {  	v25 =	vld.idx.msk [tilespmem:v0+s20+$0x0], $0xffff;
	v20 =	vadd.s32 $0x2328, v4;
	v5 =	vadd.f32 v11, v5  }
0x1ab: {  	v26 =	vld.idx.msk [tilespmem:v16+s0+$0x0], $0xffff;
	v9 =	vadd.f32 v9, v8;
	v23 =	vadd.f32 v12, v14  }
0x1ac: {  	v16 =	vld [tilespmem:s15+$0xDB88];
	v27 =	vadd.s32 $0xBB8, v3;
	v2 =	vadd.f32 v2, v13;
	v5 =	vadd.f32 v5, v10;
	v8 =	vpop (erf)  }
0x1ad: {  	v7 =	vld.idx.msk [tilespmem:v7+s0+$0x0], $0xffff;
	v13 =	vmul.f32 v9, v15;
	v10 =	vmul.f32 v23, v22;
	v8 =	vxor.u32 $0x80000000, v8  }
0x1ae: {  	v1 =	vld [tilespmem:s26+$0xC788];
	v12 =	vadd.s32 $0x7D0, v3;
	v2 =	vmul.f32 v8, v2;
	v28 =	vmul.f32 v8, v5  }
0x1af: {  	v14 =	vmul.f32 v24, v22;
	v5 =	vld.idx.msk [tilespmem:v20+s0+$0x0], $0xffff;
	v20 =	vmul.f32 v18, v15;
	v10 =	vsub.f32 v10, v13  }
0x1b0: {  	v4 =	vadd.s32 $0x1B58, v4;
	v6 =	vld [tilespmem:s15+$0xD188];
	v13 =	vmul.f32 v2, v2;
	v29 =	vmul.f32 v28, v28  }
0x1b1: {  	v31 =	vadd.s32 $0xFA0, v0;
	v30 =	vadd.s32 $0x3E8, v3;
	v11 =	vld.idx.msk [tilespmem:v3+s0+$0x0], $0xffff;
	v10 =	vmul.f32 v10, v25  }
0x1b2: {  	v19 =	vmul.f32 v17, v19;
	v8 =	vld [tilespmem:s15+$0xD688];
	v20 =	vsub.f32 v14, v20;
	v29 =	vadd.f32 v29, v13  }
0x1b3: {  	v9 =	vmul.f32 v9, v21;
	v14 =	vld.idx.msk [tilespmem:v12+s0+$0x0], $0xffff;
	v10 =	vadd.f32 v10, v17  }
0x1b4: {  	v12 =	vld.idx.msk [tilespmem:v27+s0+$0x0], $0xffff;
	v19 =	vadd.f32 v19, v20;
	v17 =	vmul.f32 v29, v26;
	v5 =	vmul.f32 v29, v5  }
0x1b5: {  	v23 =	vmul.f32 v23, v21;
	v27 =	vadd.s32 $0x1388, v0;
	v26 =	vld.idx.msk [tilespmem:v4+s0+$0x0], $0xffff;
	v4 =	vadd.f32 v10, v7  }
0x1b6: {  	v13 =	vld.idx.msk [tilespmem:v30+s0+$0x0], $0xffff;
	v7 =	vmul.f32 v19, v15;
	v10 =	vadd.f32 $1.000000000e+00, v17;
	v15 =	vmul.f32 v5, v29  }
0x1b7: {  	s19 =	simm.s32 $0x30;
	v19 =	vmul.f32 v19, v22;
	v22 =	vld.idx.msk [tilespmem:v31+s0+$0x0], $0xffff;
	(erf) = vrcp.f32 v4  }
0x1b8: {  	v20 =	vmul.f32 v6, v11;
	v30 =	vmul.f32 v16, v14;
	v10 =	vadd.f32 v15, v10;
	v15 =	vld [tilespmem:s19+$0xBD88]  }
0x1b9: {  	v32 =	vmul.f32 v8, v12;
	v17 =	vadd.s32 $0x1F40, v0;
	v29 =	vld [tilespmem:s26+$0xCC88];
	v7 =	vsub.f32 v7, v23  }
0x1ba: {  	v21 =	vld.idx.msk [tilespmem:v27+s0+$0x0], $0xffff;
	v23 =	vmul.f32 v6, v12;
	v33 =	vsub.f32 v9, v19;
	v9 =	vmul.f32 v10, v26  }
0x1bb: {  	v5 =	vld [tilespmem:s17+$0xC788];
	v19 =	vadd.s32 $0x2328, v0;
	v31 =	vmul.f32 v7, v25;
	v10 =	vmul.f32 v16, v13  }
0x1bc: {  	v4 =	vld [tilespmem:s15+$0xC788];
	v26 =	vsub.f32 v30, v32;
	v30 =	vmul.f32 v33, v25;
	v63 =	vmul.f32 v9, v28  }
0x1bd: {  	v7 =	vld [tilespmem:s19+$0xC788];
	v25 =	vadd.f32 v31, v18;
	v27 =	vsub.f32 v23, v10;
	v28 =	vmul.f32 v8, v11  }
0x1be: {  	s23 =	simm.s32 $0x100;
	v10 =	vld [tilespmem:s19+$0xD188];
	v23 =	vadd.s32 $0x1770, v3;
	v24 =	vadd.f32 v30, v24;
	v18 =	vsub.f32 v63, v29  }
.LBB2_7:
0x1bf: {  	p2 =	sne.s32 s23, $0x13C0;
	v29 =	vld.idx.msk [tilespmem:v3+s20+$0x0], $0xffff;
	v26 =	vadd.f32 v26, v20;
	v27 =	vadd.f32 v27, v28;
	v20 =	vadd.s32 $0x1B58, v0;
	v0 =	vmovc v3  }
0x1c0: {  	v30 =	vadd.s32 $0x7D0, v15;
	v22 =	vadd.f32 v25, v22;
	v28 =	vld.idx.msk [tilespmem:v15+s0+$0x0], $0xffff;
	v21 =	vadd.f32 v24, v21;
	v3 =	vpop (erf);
	[tilespmem:s26+$0xE588] =	vst v18  }
0x1c1: {  	v18 =	vmul.f32 v27, v13;
	v24 =	vmul.f32 v26, v14;
	v17 =	vld.idx.msk [tilespmem:v17+s0+$0x0], $0xffff;
	v25 =	vxor.u32 $0x80000000, v3;
	v3 =	vmovc v15  }
0x1c2: {  	v15 =	vadd.s32 $0xBB8, v3;
	v19 =	vld.idx.msk [tilespmem:v19+s0+$0x0], $0xffff;
	v22 =	vmul.f32 v25, v22;
	v25 =	vmul.f32 v25, v21  }
0x1c3: {  	v31 =	vmul.f32 v6, v14;
	v21 =	vld.idx.msk [tilespmem:v23+s0+$0x0], $0xffff;
	v23 =	vmul.f32 v8, v13;
	v18 =	vsub.f32 v18, v24  }
0x1c4: {  	v24 =	vadd.s32 $0x3E8, v3;
	v32 =	vld [tilespmem:s19+$0xD688];
	v33 =	vmul.f32 v22, v22;
	v34 =	vmul.f32 v25, v25  }
0x1c5: {  	v9 =	vmul.f32 v9, v2;
	v2 =	vmov v22;
	v35 =	vld [tilespmem:s19+$0xDB88];
	v18 =	vmul.f32 v18, v29  }
0x1c6: {  	v23 =	vsub.f32 v23, v31;
	v22 =	vld.idx.msk [tilespmem:v30+s0+$0x0], $0xffff;
	v30 =	vmul.f32 v16, v11;
	v31 =	vadd.f32 v34, v33  }
0x1c7: {  	v36 =	vsub.f32 v9, v1;
	v34 =	vadd.s32 $0xFA0, v0;
	v11 =	vmovc v28;
	v33 =	vld.idx.msk [tilespmem:v15+s0+$0x0], $0xffff;
	v15 =	vadd.f32 v18, v16  }
0x1c8: {  	v9 =	vadd.f32 v30, v23;
	v18 =	vld.idx.msk [tilespmem:v20+s0+$0x0], $0xffff;
	v28 =	vmul.f32 v31, v17;
	v17 =	vmul.f32 v31, v19  }
0x1c9: {  	v20 =	vmul.f32 v10, v11;
	v19 =	vadd.s32 $0x1388, v0;
	v23 =	vld.idx.msk [tilespmem:v24+s0+$0x0], $0xffff;
	v15 =	vadd.f32 v15, v21;
	[tilespmem:s26+$0xE088] =	vst v36;
	s26 =	smov.u32 s17;
	s17 =	smov.u32 s15;
	s15 =	smov.u32 s19  }
0x1ca: {  	v1 =	vmovc v5;
	v21 =	vmul.f32 v9, v14;
	v28 =	vadd.f32 $1.000000000e+00, v28;
	v24 =	vmul.f32 v17, v31;
	v16 =	vmovc v35  }
0x1cb: {  	v27 =	vmul.f32 v27, v12;
	v5 =	vmovc v4;
	v4 =	vmovc v7;
	s19 =	sshra.s32 s23, $0x2;
	v17 =	vadd.s32 $0x1F40, v0;
	(erf) = vrcp.f32 v15;
	v30 =	vld [tilespmem:s26+$0xCC88]  }
0x1cc: {  	v7 =	vmul.f32 v26, v12;
	v9 =	vmul.f32 v9, v13;
	v14 =	vmovc v22;
	v15 =	vld [tilespmem:s19+$0xBD88];
	v35 =	vadd.f32 v24, v28  }
0x1cd: {  	v24 =	vmul.f32 v16, v14;
	v26 =	vmul.f32 v32, v33;
	v22 =	vld.idx.msk [tilespmem:v34+s0+$0x0], $0xffff;
	v34 =	vsub.f32 v21, v27  }
.Ltmp6:
0x1ce: {  	v28 =	vsub.f32 v7, v9;
	v27 =	vmul.f32 v10, v33;
	v21 =	vld.idx.msk [tilespmem:v19+s0+$0x0], $0xffff;
	v9 =	vmul.f32 v35, v18;
	(pc) =	sbr.rel @p2 .LBB2_7-.Ltmp6, $4  }
0x1cf: {  	v12 =	vmovc v33;
	v18 =	vmul.f32 v16, v23;
	v19 =	vadd.s32 $0x2328, v0;
	v13 =	vmovc v23;
	v7 =	vld [tilespmem:s19+$0xC788];
	v31 =	vmul.f32 v34, v29  }
0x1d0: {  	v26 =	vsub.f32 v24, v26;
	v24 =	vmul.f32 v28, v29;
	v29 =	vmul.f32 v9, v25  }
0x1d1: {  	v28 =	vmul.f32 v32, v11;
	v27 =	vsub.f32 v27, v18;
	v25 =	vadd.f32 v31, v6;
	v6 =	vmovc v10  }
0x1d2: {  	s23 =	sadd.s32 $0x40, s23;
	v23 =	vadd.s32 $0x1770, v3;
	v24 =	vadd.f32 v24, v8;
	v8 =	vmovc v32;
	v10 =	vld [tilespmem:s19+$0xD188];
	v18 =	vsub.f32 v29, v30  }
0x1d3: {  	v29 =	vadd.s32 $0x7D0, v15  }
0x1d4: {  	v30 =	vadd.s32 $0xBB8, v15  }
0x1d5: {  	v31 =	vadd.s32 $0x3E8, v15  }
0x1d6: {  	v32 =	vld [tilespmem:s19+$0xD688]  }
0x1d7: {  	v33 =	vld [tilespmem:s19+$0xDB88]  }
0x1d8: {  	v29 =	vld.idx.msk [tilespmem:v29+s0+$0x0], $0xffff  }
0x1d9: {  	v30 =	vld.idx.msk [tilespmem:v30+s0+$0x0], $0xffff  }
0x1da: {  	v31 =	vld.idx.msk [tilespmem:v31+s0+$0x0], $0xffff  }
0x1db: {  	v27 =	vadd.f32 v27, v28;
	v49 =	vld.idx.msk [tilespmem:v15+s0+$0x0], $0xffff  }
0x1dc: {  	v54 =	vmul.f32 v8, v13  }
0x1dd: {  	v40 =	vmul.f32 v6, v14;
	v34 =	vmul.f32 v27, v13  }
0x1de: {  	v20 =	vadd.f32 v26, v20;
	v50 =	vmul.f32 v33, v29;
	v35 =	vmul.f32 v32, v30  }
0x1df: {  	v36 =	vld.idx.msk [tilespmem:v3+s20+$0x0], $0xffff;
	v37 =	vmul.f32 v10, v30;
	v38 =	vmul.f32 v33, v31  }
0x1e0: {  	v22 =	vadd.f32 v25, v22;
	v51 =	vmul.f32 v20, v14;
	v39 =	vmul.f32 v10, v49  }
0x1e1: {  	v53 =	vmul.f32 v32, v49;
	v26 =	vsub.f32 v50, v35;
	v52 =	vsub.f32 v37, v38  }
0x1e2: {  	v55 =	vadd.s32 $0x1770, v15;
	v11 =	vmul.f32 v16, v11;
	v25 =	vsub.f32 v34, v51  }
0x1e3: {  	v23 =	vld.idx.msk [tilespmem:v23+s0+$0x0], $0xffff;
	v43 =	vadd.s32 $0xFA0, v3;
	v26 =	vadd.f32 v26, v39;
	v35 =	vadd.f32 v52, v53  }
0x1e4: {  	v45 =	vadd.s32 $0x1388, v3;
	v48 =	vadd.s32 $0xFA0, v15;
	v25 =	vmul.f32 v25, v36;
	v38 =	vld.idx.msk [tilespmem:v15+s20+$0x0], $0xffff  }
0x1e5: {  	v56 =	vsub.f32 v54, v40;
	v58 =	vmul.f32 v35, v31;
	v59 =	vmul.f32 v26, v29  }
0x1e6: {  	v27 =	vmul.f32 v27, v12;
	v46 =	vmul.f32 v20, v12;
	v60 =	vadd.f32 v25, v16  }
0x1e7: {  	v11 =	vadd.f32 v11, v56;
	v28 =	vmul.f32 v33, v49;
	v62 =	vsub.f32 v58, v59  }
0x1e8: {  	v40 =	vld.idx.msk [tilespmem:v55+s0+$0x0], $0xffff;
	v61 =	vmul.f32 v32, v31;
	v63 =	vmul.f32 v10, v29;
	v16 =	vadd.f32 v60, v23  }
0x1e9: {  	v21 =	vadd.f32 v24, v21;
	v41 =	vmul.f32 v11, v14;
	v42 =	vmul.f32 v62, v38  }
0x1ea: {  	v57 =	vpop (erf);
	v11 =	vmul.f32 v11, v13;
	v25 =	vsub.f32 v61, v63;
	(erf) = vrcp.f32 v16  }
0x1eb: {  	v24 =	vxor.u32 $0x80000000, v57;
	v14 =	vsub.f32 v41, v27;
	v44 =	vadd.f32 v42, v33  }
0x1ec: {  	v22 =	vmul.f32 v24, v22;
	v11 =	vsub.f32 v46, v11;
	v47 =	vadd.f32 v28, v25  }
0x1ed: {  	v21 =	vmul.f32 v24, v21;
	v14 =	vmul.f32 v14, v36;
	v50 =	vld.idx.msk [tilespmem:v43+s0+$0x0], $0xffff;
	v16 =	vadd.f32 v44, v40  }
0x1ee: {  	v49 =	vadd.s32 $0x1388, v15;
	v11 =	vmul.f32 v11, v36;
	v52 =	vld.idx.msk [tilespmem:v45+s0+$0x0], $0xffff;
	v25 =	vmul.f32 v47, v29  }
0x1ef: {  	v51 =	vmul.f32 v35, v30;
	(erf) = vrcp.f32 v16  }
0x1f0: {  	v57 =	vadd.s32 $0x1F40, v3;
	v53 =	vmul.f32 v26, v30;
	v20 =	vmul.f32 v47, v31  }
0x1f1: {  	v55 =	vadd.f32 v14, v6;
	v58 =	vadd.s32 $0x2328, v3;
	v59 =	vadd.f32 v11, v8  }
0x1f2: {  	v54 =	vmul.f32 v22, v22;
	v13 =	vld.idx.msk [tilespmem:v48+s0+$0x0], $0xffff;
	v12 =	vsub.f32 v25, v51;
	v20 =	vsub.f32 v53, v20  }
0x1f3: {  	v56 =	vmul.f32 v21, v21;
	v60 =	vld.idx.msk [tilespmem:v49+s0+$0x0], $0xffff;
	v6 =	vadd.f32 v55, v50;
	v8 =	vadd.f32 v59, v52;
	v61 =	vpop (erf)  }
0x1f4: {  	v12 =	vmul.f32 v12, v38;
	v20 =	vmul.f32 v20, v38;
	v62 =	vxor.u32 $0x80000000, v61  }
0x1f5: {  	v63 =	vadd.s32 $0x1F40, v15;
	v35 =	vld.idx.msk [tilespmem:v57+s0+$0x0], $0xffff;
	v6 =	vmul.f32 v62, v6;
	v8 =	vmul.f32 v62, v8  }
0x1f6: {  	v30 =	vadd.s32 $0x2328, v15;
	v31 =	vadd.f32 v12, v10;
	v32 =	vadd.f32 v20, v32;
	v33 =	vld.idx.msk [tilespmem:v58+s0+$0x0], $0xffff  }
0x1f7: {  	v17 =	vld.idx.msk [tilespmem:v17+s0+$0x0], $0xffff;
	v36 =	vmul.f32 v6, v6;
	v37 =	vmul.f32 v8, v8  }
0x1f8: {  	v19 =	vld.idx.msk [tilespmem:v19+s0+$0x0], $0xffff;
	v38 =	vadd.s32 $0x1B58, v3;
	v10 =	vadd.f32 v31, v13;
	v11 =	vadd.f32 v32, v60;
	v34 =	vpop (erf)  }
0x1f9: {  	v0 =	vadd.s32 $0x1B58, v0;
	v41 =	vadd.f32 v37, v36;
	v12 =	vxor.u32 $0x80000000, v34  }
0x1fa: {  	v14 =	vadd.f32 v56, v54;
	v23 =	vld.idx.msk [tilespmem:v63+s0+$0x0], $0xffff;
	v10 =	vmul.f32 v12, v10;
	v11 =	vmul.f32 v12, v11  }
0x1fb: {  	v43 =	vadd.s32 $0x1B58, v15;
	v42 =	vld.idx.msk [tilespmem:v30+s0+$0x0], $0xffff;
	v16 =	vmul.f32 v41, v33;
	v13 =	vmul.f32 v41, v35  }
0x1fc: {  	v44 =	vmul.f32 v10, v10;
	v45 =	vmul.f32 v11, v11  }
0x1fd: {  	v39 =	vmul.f32 v14, v17;
	v40 =	vmul.f32 v14, v19;
	v3 =	vld.idx.msk [tilespmem:v38+s0+$0x0], $0xffff  }
0x1fe: {  	v0 =	vld.idx.msk [tilespmem:v0+s0+$0x0], $0xffff;
	v47 =	vmul.f32 v16, v41;
	v13 =	vadd.f32 $1.000000000e+00, v13;
	v46 =	vadd.f32 v45, v44  }
0x1ff: {  	v14 =	vmul.f32 v40, v14;
	v12 =	vadd.f32 $1.000000000e+00, v39  }
0x200: {  	v50 =	vld.idx.msk [tilespmem:v43+s0+$0x0], $0xffff;
	v13 =	vadd.f32 v47, v13;
	v49 =	vmul.f32 v46, v23;
	v20 =	vmul.f32 v46, v42  }
0x201: {  	v53 =	vld [tilespmem:s15+$0xCC88];
	v12 =	vadd.f32 v14, v12  }
0x202: {  	v48 =	vld [tilespmem:s17+$0xCC88];
	v3 =	vmul.f32 v13, v3;
	v51 =	vadd.f32 $1.000000000e+00, v49;
	v52 =	vmul.f32 v20, v46  }
0x203: {  	v2 =	vmul.f32 v9, v2;
	v0 =	vmul.f32 v12, v0  }
0x204: {  	v8 =	vmul.f32 v3, v8;
	v55 =	vadd.f32 v52, v51  }
0x205: {  	v1 =	vsub.f32 v2, v1;
	v56 =	vld [tilespmem:s19+$0xCC88];
	v54 =	vmul.f32 v0, v21  }
0x206: {  	[tilespmem:s26+$0xE588] =	vst v18;
	v59 =	vsub.f32 v8, v53;
	v0 =	vmul.f32 v0, v22;
	v12 =	vmul.f32 v55, v50  }
0x207: {  	[tilespmem:s26+$0xE088] =	vst v1;
	v58 =	vmul.f32 v3, v6;
	v57 =	vsub.f32 v54, v48  }
0x208: {  	[tilespmem:s15+$0xE588] =	vst v59;
	v0 =	vsub.f32 v0, v5;
	v60 =	vmul.f32 v12, v11  }
0x209: {  	v61 =	vsub.f32 v58, v4;
	[tilespmem:s17+$0xE588] =	vst v57;
	v62 =	vmul.f32 v12, v10  }
0x20a: {  	[tilespmem:s17+$0xE088] =	vst v0;
	s17 =	smul.u32 $0x500, s31;
	v2 =	vsub.f32 v60, v56  }
0x20b: {  	[tilespmem:s15+$0xE088] =	vst v61;
	v63 =	vsub.f32 v62, v7  }
0x20c: {  	s26 =	sshrl.u32 s17, $0x3;
	[tilespmem:s19+$0xE588] =	vst v2  }
0x20d: {  	s23 =	simm.s32 $0xE088;
	s15 =	sadd.s32 s29, s26;
	[tilespmem:s19+$0xE088] =	vst v63  }
0x20e: {  	[hbm4b:s15+s8] =	stream.linear.scatter [tilespmem:s23], [sflag:$0x3], $0x500, $0x38;
	[tilespmem:$0x11788] =	vst v63  }
0x20f: {  	p2 =	sgt.u32 s31, $0x230;
	s26 =	simm.s32 $0xE588;
	s15 =	sadd.s32 $0x186A0, s15  }
0x210: {  	[hbm4b:s15+s8] =	stream.linear.scatter [tilespmem:s26], [sflag:$0x3], $0x500, $0x38;
	[tilespmem:$0x11788] =	vst v63  }
0x211: {  	s15 =	sshrl.u32 @!p2 s17, $0x3  }
0x212: {  	s17 =	sadd.s32 @!p2 $0x2800, s15  }
0x213: {  	s23 =	simm.s32 @!p2 $0x0;
	s26 =	simm.s32 @!p2 $0xBD88;
	s19 =	sadd.s32 @!p2 s2, s17  }
0x214: {  	[tilespmem:s26], [sflag:$0x1] =	stream.linear.gather @!p2 [hbm4b:s19+s23], $0x500, $0x38;
	[tilespmem:$0x11788] =	vst v63  }
0x215: {  	s19 =	sadd.s32 @!p2 s3, s17;
	s26 =	simm.s32 @!p2 $0xC288  }
0x216: {  	[tilespmem:s26], [sflag:$0x1] =	stream.linear.gather @!p2 [hbm4b:s19+s23], $0x500, $0x38;
	[tilespmem:$0x11788] =	vst v63  }
0x217: {  	s15 =	sadd.s32 @!p2 s9, s15;
	s17 =	sadd.s32 @!p2 s9, s17;
	s19 =	simm.s32 @!p2 $0xC788  }
0x218: {  	[tilespmem:s19], [sflag:$0x1] =	stream.linear.gather @!p2 [hbm4b:s17+s23], $0x500, $0x38;
	[tilespmem:$0x11788] =	vst v63  }
0x219: {  	s31 =	sor.u32 $0x20, s31;
	s15 =	sadd.s32 @!p2 $0x1AEA0, s15;
	s17 =	simm.s32 @!p2 $0xCC88  }
0x21a: {  	[tilespmem:s17], [sflag:$0x1] =	stream.linear.gather @!p2 [hbm4b:s15+s23], $0x500, $0x38;
	[tilespmem:$0x11788] =	vst v63  }
0x21b: {  	p2 =	sgt.u32 s31, $0x250  }
.Ltmp7:
0x21c: {  	_ = 	snop;
	(pc) =	sbr.rel @p2 .LBB2_10-.Ltmp7, $1  }
0x21d: {  	_ =	sdelay $0x3  }
0x21e: {  	_ =	swait.ge [sflag:s13], $0x500  }
0x21f: {  	[sflag:s13] =	ssyncset.done $0x0  }
0x220: {  	[sflag:s13] =	ssyncadd.s32 $0xFFFFFB00  }
0x221: {  	_ =	swait.ge [sflag:s13], $0x500  }
0x222: {  	[sflag:s13] =	ssyncset.done $0x0  }
0x223: {  	[sflag:s13] =	ssyncadd.s32 $0xFFFFFB00  }
0x224: {  	_ =	swait.ge [sflag:s13], $0x500  }
0x225: {  	[sflag:s13] =	ssyncset.done $0x0  }
0x226: {  	[sflag:s13] =	ssyncadd.s32 $0xFFFFFB00  }
0x227: {  	_ =	swait.ge [sflag:s13], $0x500  }
0x228: {  	[sflag:s13] =	ssyncset.done $0x0  }
0x229: {  	s15 =	simm.s32 $0xD188;
	[sflag:s13] =	ssyncadd.s32 $0xFFFFFB00  }
0x22a: {  	[tilespmem:s15], [sflag:$0x2] =	stream.indirect.gather [spmem:s4], $0x1, s12, s14, $0xb8;
	[tilespmem:$0x11788] =	vst v63  }
0x22b: {  	s19 =	simm.s32 $0xD688  }
0x22c: {  	[tilespmem:s19], [sflag:$0x2] =	stream.indirect.gather [spmem:s5], $0x1, s12, s14, $0xb8;
	[tilespmem:$0x11788] =	vst v63  }
0x22d: {  	s23 =	simm.s32 $0xDB88  }
0x22e: {  	[tilespmem:s23], [sflag:$0x2] =	stream.indirect.gather [spmem:s7], $0x1, s12, s14, $0xb8;
	[tilespmem:$0x11788] =	vst v63  }
0x22f: {  	s26 =	simm.s32 $0xC308;
	s17 =	simm.s32 $0xD208  }
0x230: {  	[tilespmem:s17], [sflag:$0x2] =	stream.indirect.gather [spmem:s4], $0x1, s26, s14, $0xb8;
	[tilespmem:$0x11788] =	vst v63  }
0x231: {  	s19 =	simm.s32 $0xD708  }
0x232: {  	[tilespmem:s19], [sflag:$0x2] =	stream.indirect.gather [spmem:s5], $0x1, s26, s14, $0xb8;
	[tilespmem:$0x11788] =	vst v63  }
0x233: {  	s23 =	simm.s32 $0xDC08  }
0x234: {  	[tilespmem:s23], [sflag:$0x2] =	stream.indirect.gather [spmem:s7], $0x1, s26, s14, $0xb8;
	[tilespmem:$0x11788] =	vst v63  }
0x235: {  	s15 =	simm.s32 $0xC388;
	s26 =	simm.s32 $0xD288  }
0x236: {  	[tilespmem:s26], [sflag:$0x2] =	stream.indirect.gather [spmem:s4], $0x1, s15, s14, $0xb8;
	[tilespmem:$0x11788] =	vst v63  }
0x237: {  	s19 =	simm.s32 $0xD788  }
0x238: {  	[tilespmem:s19], [sflag:$0x2] =	stream.indirect.gather [spmem:s5], $0x1, s15, s14, $0xb8;
	[tilespmem:$0x11788] =	vst v63  }
0x239: {  	s23 =	simm.s32 $0xDC88  }
0x23a: {  	[tilespmem:s23], [sflag:$0x2] =	stream.indirect.gather [spmem:s7], $0x1, s15, s14, $0xb8;
	[tilespmem:$0x11788] =	vst v63  }
0x23b: {  	s26 =	simm.s32 $0xD308  }
0x23c: {  	[tilespmem:s26], [sflag:$0x2] =	stream.indirect.gather [spmem:s4], $0x1, s28, s14, $0xb8;
	[tilespmem:$0x11788] =	vst v63  }
0x23d: {  	s17 =	simm.s32 $0xD808  }
0x23e: {  	[tilespmem:s17], [sflag:$0x2] =	stream.indirect.gather [spmem:s5], $0x1, s28, s14, $0xb8;
	[tilespmem:$0x11788] =	vst v63  }
0x23f: {  	s19 =	simm.s32 $0xDD08  }
0x240: {  	[tilespmem:s19], [sflag:$0x2] =	stream.indirect.gather [spmem:s7], $0x1, s28, s14, $0xb8;
	[tilespmem:$0x11788] =	vst v63  }
0x241: {  	s23 =	simm.s32 $0xD388  }
0x242: {  	[tilespmem:s23], [sflag:$0x2] =	stream.indirect.gather [spmem:s4], $0x1, s6, s14, $0xb8;
	[tilespmem:$0x11788] =	vst v63  }
0x243: {  	s26 =	simm.s32 $0xD888  }
0x244: {  	[tilespmem:s26], [sflag:$0x2] =	stream.indirect.gather [spmem:s5], $0x1, s6, s14, $0xb8;
	[tilespmem:$0x11788] =	vst v63  }
0x245: {  	s17 =	simm.s32 $0xDD88  }
0x246: {  	[tilespmem:s17], [sflag:$0x2] =	stream.indirect.gather [spmem:s7], $0x1, s6, s14, $0xb8;
	[tilespmem:$0x11788] =	vst v63  }
0x247: {  	s19 =	simm.s32 $0xD408  }
0x248: {  	[tilespmem:s19], [sflag:$0x2] =	stream.indirect.gather [spmem:s4], $0x1, s16, s14, $0xb8;
	[tilespmem:$0x11788] =	vst v63  }
0x249: {  	s23 =	simm.s32 $0xD908  }
0x24a: {  	[tilespmem:s23], [sflag:$0x2] =	stream.indirect.gather [spmem:s5], $0x1, s16, s14, $0xb8;
	[tilespmem:$0x11788] =	vst v63  }
0x24b: {  	s26 =	simm.s32 $0xDE08  }
0x24c: {  	[tilespmem:s26], [sflag:$0x2] =	stream.indirect.gather [spmem:s7], $0x1, s16, s14, $0xb8;
	[tilespmem:$0x11788] =	vst v63  }
0x24d: {  	s17 =	simm.s32 $0xD488  }
0x24e: {  	[tilespmem:s17], [sflag:$0x2] =	stream.indirect.gather [spmem:s4], $0x1, s22, s14, $0xb8;
	[tilespmem:$0x11788] =	vst v63  }
0x24f: {  	s19 =	simm.s32 $0xD988  }
0x250: {  	[tilespmem:s19], [sflag:$0x2] =	stream.indirect.gather [spmem:s5], $0x1, s22, s14, $0xb8;
	[tilespmem:$0x11788] =	vst v63  }
0x251: {  	s23 =	simm.s32 $0xDE88  }
0x252: {  	[tilespmem:s23], [sflag:$0x2] =	stream.indirect.gather [spmem:s7], $0x1, s22, s14, $0xb8;
	[tilespmem:$0x11788] =	vst v63  }
0x253: {  	s26 =	simm.s32 $0xD508  }
0x254: {  	[tilespmem:s26], [sflag:$0x2] =	stream.indirect.gather [spmem:s4], $0x1, s30, s14, $0xb8;
	[tilespmem:$0x11788] =	vst v63  }
0x255: {  	s17 =	simm.s32 $0xDA08  }
0x256: {  	[tilespmem:s17], [sflag:$0x2] =	stream.indirect.gather [spmem:s5], $0x1, s30, s14, $0xb8;
	[tilespmem:$0x11788] =	vst v63  }
0x257: {  	s19 =	simm.s32 $0xDF08  }
0x258: {  	[tilespmem:s19], [sflag:$0x2] =	stream.indirect.gather [spmem:s7], $0x1, s30, s14, $0xb8;
	[tilespmem:$0x11788] =	vst v63  }
0x259: {  	s23 =	simm.s32 $0xD588  }
0x25a: {  	[tilespmem:s23], [sflag:$0x2] =	stream.indirect.gather [spmem:s4], $0x1, s11, s14, $0xb8;
	[tilespmem:$0x11788] =	vst v63  }
0x25b: {  	s26 =	simm.s32 $0xDA88  }
0x25c: {  	[tilespmem:s26], [sflag:$0x2] =	stream.indirect.gather [spmem:s5], $0x1, s11, s14, $0xb8;
	[tilespmem:$0x11788] =	vst v63  }
0x25d: {  	s17 =	simm.s32 $0xDF88  }
0x25e: {  	[tilespmem:s17], [sflag:$0x2] =	stream.indirect.gather [spmem:s7], $0x1, s11, s14, $0xb8;
	[tilespmem:$0x11788] =	vst v63  }
0x25f: {  	s19 =	simm.s32 $0xD608  }
0x260: {  	[tilespmem:s19], [sflag:$0x2] =	stream.indirect.gather [spmem:s4], $0x1, s21, s14, $0xb8;
	[tilespmem:$0x11788] =	vst v63  }
.Ltmp8:
0x261: {  	_ = 	snop;
	(pc) =	sbr.rel .LBB2_11-.Ltmp8, $4  }
0x262: {  	s23 =	simm.s32 $0xDB08  }
0x263: {  	[tilespmem:s23], [sflag:$0x2] =	stream.indirect.gather [spmem:s5], $0x1, s21, s14, $0xb8;
	[tilespmem:$0x11788] =	vst v63  }
0x264: {  	s26 =	simm.s32 $0xE008  }
0x265: {  	[tilespmem:s26], [sflag:$0x2] =	stream.indirect.gather [spmem:s7], $0x1, s21, s14, $0xb8;
	[tilespmem:$0x11788] =	vst v63  }
.LBB2_10:
0x266: {  	p2 =	sgt.u32 s31, $0x270  }
.Ltmp9:
0x267: {  	_ = 	snop;
	(pc) =	sbr.rel @p2 .LBB2_14-.Ltmp9, $1  }
0x268: {  	_ =	sdelay $0x3  }
.LBB2_11:
0x269: {  	_ =	swait.ge [sflag:s24], $0x80  }
0x26a: {  	[sflag:s24] =	ssyncset.done $0x0  }
0x26b: {  	[sflag:s24] =	ssyncadd.s32 $0xFFFFFF80  }
0x26c: {  	_ =	swait.ge [sflag:s24], $0x80  }
0x26d: {  	[sflag:s24] =	ssyncset.done $0x0  }
0x26e: {  	[sflag:s24] =	ssyncadd.s32 $0xFFFFFF80  }
0x26f: {  	_ =	swait.ge [sflag:s24], $0x80  }
0x270: {  	[sflag:s24] =	ssyncset.done $0x0  }
0x271: {  	[sflag:s24] =	ssyncadd.s32 $0xFFFFFF80  }
0x272: {  	_ =	swait.ge [sflag:s24], $0x80  }
0x273: {  	[sflag:s24] =	ssyncset.done $0x0  }
0x274: {  	[sflag:s24] =	ssyncadd.s32 $0xFFFFFF80  }
0x275: {  	_ =	swait.ge [sflag:s24], $0x80  }
0x276: {  	[sflag:s24] =	ssyncset.done $0x0  }
0x277: {  	[sflag:s24] =	ssyncadd.s32 $0xFFFFFF80  }
0x278: {  	_ =	swait.ge [sflag:s24], $0x80  }
0x279: {  	[sflag:s24] =	ssyncset.done $0x0  }
0x27a: {  	[sflag:s24] =	ssyncadd.s32 $0xFFFFFF80  }
0x27b: {  	_ =	swait.ge [sflag:s24], $0x80  }
0x27c: {  	[sflag:s24] =	ssyncset.done $0x0  }
0x27d: {  	[sflag:s24] =	ssyncadd.s32 $0xFFFFFF80  }
0x27e: {  	_ =	swait.ge [sflag:s24], $0x80  }
0x27f: {  	[sflag:s24] =	ssyncset.done $0x0  }
0x280: {  	[sflag:s24] =	ssyncadd.s32 $0xFFFFFF80  }
0x281: {  	_ =	swait.ge [sflag:s24], $0x80  }
0x282: {  	[sflag:s24] =	ssyncset.done $0x0  }
0x283: {  	[sflag:s24] =	ssyncadd.s32 $0xFFFFFF80  }
0x284: {  	_ =	swait.ge [sflag:s24], $0x80  }
0x285: {  	[sflag:s24] =	ssyncset.done $0x0  }
0x286: {  	[sflag:s24] =	ssyncadd.s32 $0xFFFFFF80  }
0x287: {  	_ =	swait.ge [sflag:s24], $0x80  }
0x288: {  	[sflag:s24] =	ssyncset.done $0x0  }
0x289: {  	[sflag:s24] =	ssyncadd.s32 $0xFFFFFF80  }
0x28a: {  	_ =	swait.ge [sflag:s24], $0x80  }
0x28b: {  	[sflag:s24] =	ssyncset.done $0x0  }
0x28c: {  	[sflag:s24] =	ssyncadd.s32 $0xFFFFFF80  }
0x28d: {  	_ =	swait.ge [sflag:s24], $0x80  }
0x28e: {  	[sflag:s24] =	ssyncset.done $0x0  }
0x28f: {  	[sflag:s24] =	ssyncadd.s32 $0xFFFFFF80  }
0x290: {  	_ =	swait.ge [sflag:s24], $0x80  }
0x291: {  	[sflag:s24] =	ssyncset.done $0x0  }
0x292: {  	[sflag:s24] =	ssyncadd.s32 $0xFFFFFF80  }
0x293: {  	_ =	swait.ge [sflag:s24], $0x80  }
0x294: {  	[sflag:s24] =	ssyncset.done $0x0  }
0x295: {  	[sflag:s24] =	ssyncadd.s32 $0xFFFFFF80  }
0x296: {  	_ =	swait.ge [sflag:s24], $0x80  }
0x297: {  	[sflag:s24] =	ssyncset.done $0x0  }
0x298: {  	[sflag:s24] =	ssyncadd.s32 $0xFFFFFF80  }
0x299: {  	_ =	swait.ge [sflag:s24], $0x80  }
0x29a: {  	[sflag:s24] =	ssyncset.done $0x0  }
0x29b: {  	[sflag:s24] =	ssyncadd.s32 $0xFFFFFF80  }
0x29c: {  	_ =	swait.ge [sflag:s24], $0x80  }
0x29d: {  	[sflag:s24] =	ssyncset.done $0x0  }
0x29e: {  	[sflag:s24] =	ssyncadd.s32 $0xFFFFFF80  }
0x29f: {  	_ =	swait.ge [sflag:s24], $0x80  }
0x2a0: {  	[sflag:s24] =	ssyncset.done $0x0  }
0x2a1: {  	[sflag:s24] =	ssyncadd.s32 $0xFFFFFF80  }
0x2a2: {  	_ =	swait.ge [sflag:s24], $0x80  }
0x2a3: {  	[sflag:s24] =	ssyncset.done $0x0  }
0x2a4: {  	[sflag:s24] =	ssyncadd.s32 $0xFFFFFF80  }
0x2a5: {  	_ =	swait.ge [sflag:s24], $0x80  }
0x2a6: {  	[sflag:s24] =	ssyncset.done $0x0  }
0x2a7: {  	[sflag:s24] =	ssyncadd.s32 $0xFFFFFF80  }
0x2a8: {  	_ =	swait.ge [sflag:s24], $0x80  }
0x2a9: {  	[sflag:s24] =	ssyncset.done $0x0  }
0x2aa: {  	[sflag:s24] =	ssyncadd.s32 $0xFFFFFF80  }
0x2ab: {  	_ =	swait.ge [sflag:s24], $0x80  }
0x2ac: {  	[sflag:s24] =	ssyncset.done $0x0  }
0x2ad: {  	[sflag:s24] =	ssyncadd.s32 $0xFFFFFF80  }
0x2ae: {  	_ =	swait.ge [sflag:s24], $0x80  }
0x2af: {  	[sflag:s24] =	ssyncset.done $0x0  }
0x2b0: {  	[sflag:s24] =	ssyncadd.s32 $0xFFFFFF80  }
0x2b1: {  	_ =	swait.ge [sflag:s24], $0x80  }
0x2b2: {  	[sflag:s24] =	ssyncset.done $0x0  }
0x2b3: {  	[sflag:s24] =	ssyncadd.s32 $0xFFFFFF80  }
0x2b4: {  	_ =	swait.ge [sflag:s24], $0x80  }
0x2b5: {  	[sflag:s24] =	ssyncset.done $0x0  }
0x2b6: {  	[sflag:s24] =	ssyncadd.s32 $0xFFFFFF80  }
0x2b7: {  	_ =	swait.ge [sflag:s24], $0x80  }
0x2b8: {  	[sflag:s24] =	ssyncset.done $0x0  }
0x2b9: {  	[sflag:s24] =	ssyncadd.s32 $0xFFFFFF80  }
0x2ba: {  	_ =	swait.ge [sflag:s24], $0x80  }
0x2bb: {  	[sflag:s24] =	ssyncset.done $0x0  }
0x2bc: {  	[sflag:s24] =	ssyncadd.s32 $0xFFFFFF80  }
0x2bd: {  	_ =	swait.ge [sflag:s24], $0x80  }
0x2be: {  	[sflag:s24] =	ssyncset.done $0x0  }
0x2bf: {  	[sflag:s24] =	ssyncadd.s32 $0xFFFFFF80  }
0x2c0: {  	_ =	swait.ge [sflag:s24], $0x80  }
0x2c1: {  	[sflag:s24] =	ssyncset.done $0x0  }
0x2c2: {  	s15 =	simm.s32 @!p1 $0x6;
	[sflag:s24] =	ssyncadd.s32 $0xFFFFFF80  }
0x2c3: {  	_ =	swait.ge @!p1 [sflag:s15], $0x500  }
0x2c4: {  	[sflag:s15] =	ssyncset.done @!p1 $0x0  }
0x2c5: {  	[sflag:s15] =	ssyncadd.s32 @!p1 $0xFFFFFB00  }
0x2c6: {  	_ =	swait.ge @!p1 [sflag:s15], $0x500  }
0x2c7: {  	[sflag:s15] =	ssyncset.done @!p1 $0x0  }
0x2c8: {  	s26 =	simm.s32 $0x0;
	[sflag:s15] =	ssyncadd.s32 @!p1 $0xFFFFFB00  }
0x2c9: {  	v4 =	vld [tilespmem:s26+$0xEA88];
	_ =	sdelay $0x4  }
0x2ca: {  	v0 =	vadd.s32 $0x7D0, v4  }
0x2cb: {  	v1 =	vadd.s32 $0xBB8, v4  }
0x2cc: {  	v2 =	vld [tilespmem:s26+$0xFE88];
	v3 =	vadd.s32 $0x3E8, v4  }
0x2cd: {  	v5 =	vld [tilespmem:s26+$0x10388]  }
0x2ce: {  	v6 =	vld [tilespmem:s26+$0x10888]  }
0x2cf: {  	v7 =	vld.idx.msk [tilespmem:v0+s0+$0x0], $0xffff  }
0x2d0: {  	v1 =	vld.idx.msk [tilespmem:v1+s0+$0x0], $0xffff  }
0x2d1: {  	v3 =	vld.idx.msk [tilespmem:v3+s0+$0x0], $0xffff  }
0x2d2: {  	v8 =	vld.idx.msk [tilespmem:v4+s0+$0x0], $0xffff;
	_ =	sdelay $0x2  }
0x2d3: {  	v9 =	vmul.f32 v6, v7;
	v10 =	vmul.f32 v5, v1  }
0x2d4: {  	v11 =	vmul.f32 v2, v1;
	v12 =	vmul.f32 v6, v3  }
0x2d5: {  	v13 =	vmul.f32 v2, v8  }
0x2d6: {  	s17 =	simm.s32 $0x10;
	v9 =	vsub.f32 v9, v10;
	v10 =	vsub.f32 v11, v12;
	v11 =	vmul.f32 v5, v8  }
0x2d7: {  	v0 =	vld [tilespmem:s17+$0xEA88]  }
0x2d8: {  	v12 =	vadd.s32 $0x1770, v4;
	v9 =	vadd.f32 v9, v13;
	v10 =	vadd.f32 v10, v11  }
0x2d9: {  	v11 =	vld.idx.msk [tilespmem:v4+s20+$0x0], $0xffff  }
0x2da: {  	v13 =	vmul.f32 v10, v3;
	v14 =	vmul.f32 v9, v7  }
0x2db: {  	v16 =	vmul.f32 v5, v3;
	v17 =	vmul.f32 v2, v7  }
0x2dc: {  	v15 =	vadd.s32 $0x7D0, v0;
	v13 =	vsub.f32 v13, v14  }
0x2dd: {  	v16 =	vsub.f32 v16, v17;
	v8 =	vmul.f32 v6, v8;
	v12 =	vld.idx.msk [tilespmem:v12+s0+$0x0], $0xffff;
	v14 =	vadd.s32 $0xBB8, v0  }
0x2de: {  	v18 =	vld [tilespmem:s17+$0xFE88];
	v20 =	vadd.s32 $0x3E8, v0;
	v13 =	vmul.f32 v13, v11  }
0x2df: {  	v24 =	vld [tilespmem:s17+$0x10388];
	v8 =	vadd.f32 v8, v16  }
0x2e0: {  	v17 =	vld [tilespmem:s17+$0x10888];
	v6 =	vadd.f32 v13, v6  }
0x2e1: {  	v15 =	vld.idx.msk [tilespmem:v15+s0+$0x0], $0xffff;
	v7 =	vmul.f32 v8, v7  }
0x2e2: {  	v10 =	vmul.f32 v10, v1;
	v13 =	vadd.s32 $0xFA0, v4;
	v21 =	vld.idx.msk [tilespmem:v14+s0+$0x0], $0xffff;
	v6 =	vadd.f32 v6, v12  }
0x2e3: {  	v22 =	vld.idx.msk [tilespmem:v20+s0+$0x0], $0xffff;
	v12 =	vadd.s32 $0x1388, v4  }
0x2e4: {  	v19 =	vld.idx.msk [tilespmem:v0+s0+$0x0], $0xffff;
	v7 =	vsub.f32 v7, v10;
	(erf) = vrcp.f32 v6  }
0x2e5: {  	s15 =	simm.s32 $0x20;
	v1 =	vmul.f32 v9, v1;
	v6 =	vmul.f32 v8, v3  }
0x2e6: {  	v16 =	vadd.s32 $0x1F40, v4;
	v7 =	vmul.f32 v7, v11;
	v3 =	vld [tilespmem:s15+$0xEA88]  }
0x2e7: {  	v9 =	vmul.f32 v17, v15;
	v13 =	vld.idx.msk [tilespmem:v13+s0+$0x0], $0xffff;
	v14 =	vmul.f32 v24, v21;
	v1 =	vsub.f32 v1, v6  }
0x2e8: {  	v2 =	vadd.f32 v7, v2;
	v6 =	vmul.f32 v18, v21;
	v10 =	vld.idx.msk [tilespmem:v12+s0+$0x0], $0xffff;
	v12 =	vmul.f32 v17, v22  }
0x2e9: {  	v7 =	vadd.s32 $0x1770, v0;
	v8 =	vmul.f32 v18, v19;
	v11 =	vmul.f32 v1, v11  }
0x2ea: {  	v9 =	vsub.f32 v9, v14;
	v14 =	vmul.f32 v24, v19;
	v12 =	vsub.f32 v6, v12  }
0x2eb: {  	v25 =	vld.idx.msk [tilespmem:v0+s20+$0x0], $0xffff;
	v20 =	vadd.s32 $0x2328, v4;
	v5 =	vadd.f32 v11, v5  }
0x2ec: {  	v26 =	vld.idx.msk [tilespmem:v16+s0+$0x0], $0xffff;
	v9 =	vadd.f32 v9, v8;
	v23 =	vadd.f32 v12, v14  }
0x2ed: {  	v16 =	vld [tilespmem:s15+$0x10888];
	v27 =	vadd.s32 $0xBB8, v3;
	v2 =	vadd.f32 v2, v13;
	v5 =	vadd.f32 v5, v10;
	v8 =	vpop (erf)  }
0x2ee: {  	v7 =	vld.idx.msk [tilespmem:v7+s0+$0x0], $0xffff;
	v13 =	vmul.f32 v9, v15;
	v10 =	vmul.f32 v23, v22;
	v8 =	vxor.u32 $0x80000000, v8  }
0x2ef: {  	v1 =	vld [tilespmem:s26+$0xF488];
	v12 =	vadd.s32 $0x7D0, v3;
	v2 =	vmul.f32 v8, v2;
	v28 =	vmul.f32 v8, v5  }
0x2f0: {  	v14 =	vmul.f32 v24, v22;
	v5 =	vld.idx.msk [tilespmem:v20+s0+$0x0], $0xffff;
	v20 =	vmul.f32 v18, v15;
	v10 =	vsub.f32 v10, v13  }
0x2f1: {  	v4 =	vadd.s32 $0x1B58, v4;
	v6 =	vld [tilespmem:s15+$0xFE88];
	v13 =	vmul.f32 v2, v2;
	v29 =	vmul.f32 v28, v28  }
0x2f2: {  	v31 =	vadd.s32 $0xFA0, v0;
	v30 =	vadd.s32 $0x3E8, v3;
	v11 =	vld.idx.msk [tilespmem:v3+s0+$0x0], $0xffff;
	v10 =	vmul.f32 v10, v25  }
0x2f3: {  	v19 =	vmul.f32 v17, v19;
	v8 =	vld [tilespmem:s15+$0x10388];
	v20 =	vsub.f32 v14, v20;
	v29 =	vadd.f32 v29, v13  }
0x2f4: {  	v9 =	vmul.f32 v9, v21;
	v14 =	vld.idx.msk [tilespmem:v12+s0+$0x0], $0xffff;
	v10 =	vadd.f32 v10, v17  }
0x2f5: {  	v12 =	vld.idx.msk [tilespmem:v27+s0+$0x0], $0xffff;
	v19 =	vadd.f32 v19, v20;
	v17 =	vmul.f32 v29, v26;
	v5 =	vmul.f32 v29, v5  }
0x2f6: {  	v23 =	vmul.f32 v23, v21;
	v27 =	vadd.s32 $0x1388, v0;
	v26 =	vld.idx.msk [tilespmem:v4+s0+$0x0], $0xffff;
	v4 =	vadd.f32 v10, v7  }
0x2f7: {  	v13 =	vld.idx.msk [tilespmem:v30+s0+$0x0], $0xffff;
	v7 =	vmul.f32 v19, v15;
	v10 =	vadd.f32 $1.000000000e+00, v17;
	v15 =	vmul.f32 v5, v29  }
0x2f8: {  	s19 =	simm.s32 $0x30;
	v19 =	vmul.f32 v19, v22;
	v22 =	vld.idx.msk [tilespmem:v31+s0+$0x0], $0xffff;
	(erf) = vrcp.f32 v4  }
0x2f9: {  	v20 =	vmul.f32 v6, v11;
	v30 =	vmul.f32 v16, v14;
	v10 =	vadd.f32 v15, v10;
	v15 =	vld [tilespmem:s19+$0xEA88]  }
0x2fa: {  	v32 =	vmul.f32 v8, v12;
	v17 =	vadd.s32 $0x1F40, v0;
	v29 =	vld [tilespmem:s26+$0xF988];
	v7 =	vsub.f32 v7, v23  }
0x2fb: {  	v21 =	vld.idx.msk [tilespmem:v27+s0+$0x0], $0xffff;
	v23 =	vmul.f32 v6, v12;
	v33 =	vsub.f32 v9, v19;
	v9 =	vmul.f32 v10, v26  }
0x2fc: {  	v5 =	vld [tilespmem:s17+$0xF488];
	v19 =	vadd.s32 $0x2328, v0;
	v31 =	vmul.f32 v7, v25;
	v10 =	vmul.f32 v16, v13  }
0x2fd: {  	v4 =	vld [tilespmem:s15+$0xF488];
	v26 =	vsub.f32 v30, v32;
	v30 =	vmul.f32 v33, v25;
	v63 =	vmul.f32 v9, v28  }
0x2fe: {  	v7 =	vld [tilespmem:s19+$0xF488];
	v25 =	vadd.f32 v31, v18;
	v27 =	vsub.f32 v23, v10;
	v28 =	vmul.f32 v8, v11  }
0x2ff: {  	s23 =	simm.s32 $0x100;
	v10 =	vld [tilespmem:s19+$0xFE88];
	v23 =	vadd.s32 $0x1770, v3;
	v24 =	vadd.f32 v30, v24;
	v18 =	vsub.f32 v63, v29  }
.LBB2_12:
0x300: {  	p1 =	sne.s32 s23, $0x13C0;
	v29 =	vld.idx.msk [tilespmem:v3+s20+$0x0], $0xffff;
	v26 =	vadd.f32 v26, v20;
	v27 =	vadd.f32 v27, v28;
	v20 =	vadd.s32 $0x1B58, v0;
	v0 =	vmovc v3  }
0x301: {  	v30 =	vadd.s32 $0x7D0, v15;
	v22 =	vadd.f32 v25, v22;
	v28 =	vld.idx.msk [tilespmem:v15+s0+$0x0], $0xffff;
	v21 =	vadd.f32 v24, v21;
	v3 =	vpop (erf);
	[tilespmem:s26+$0x11288] =	vst v18  }
0x302: {  	v18 =	vmul.f32 v27, v13;
	v24 =	vmul.f32 v26, v14;
	v17 =	vld.idx.msk [tilespmem:v17+s0+$0x0], $0xffff;
	v25 =	vxor.u32 $0x80000000, v3;
	v3 =	vmovc v15  }
0x303: {  	v15 =	vadd.s32 $0xBB8, v3;
	v19 =	vld.idx.msk [tilespmem:v19+s0+$0x0], $0xffff;
	v22 =	vmul.f32 v25, v22;
	v25 =	vmul.f32 v25, v21  }
0x304: {  	v31 =	vmul.f32 v6, v14;
	v21 =	vld.idx.msk [tilespmem:v23+s0+$0x0], $0xffff;
	v23 =	vmul.f32 v8, v13;
	v18 =	vsub.f32 v18, v24  }
0x305: {  	v24 =	vadd.s32 $0x3E8, v3;
	v32 =	vld [tilespmem:s19+$0x10388];
	v33 =	vmul.f32 v22, v22;
	v34 =	vmul.f32 v25, v25  }
0x306: {  	v9 =	vmul.f32 v9, v2;
	v2 =	vmov v22;
	v35 =	vld [tilespmem:s19+$0x10888];
	v18 =	vmul.f32 v18, v29  }
0x307: {  	v23 =	vsub.f32 v23, v31;
	v22 =	vld.idx.msk [tilespmem:v30+s0+$0x0], $0xffff;
	v30 =	vmul.f32 v16, v11;
	v31 =	vadd.f32 v34, v33  }
0x308: {  	v36 =	vsub.f32 v9, v1;
	v34 =	vadd.s32 $0xFA0, v0;
	v11 =	vmovc v28;
	v33 =	vld.idx.msk [tilespmem:v15+s0+$0x0], $0xffff;
	v15 =	vadd.f32 v18, v16  }
0x309: {  	v9 =	vadd.f32 v30, v23;
	v18 =	vld.idx.msk [tilespmem:v20+s0+$0x0], $0xffff;
	v28 =	vmul.f32 v31, v17;
	v17 =	vmul.f32 v31, v19  }
0x30a: {  	v20 =	vmul.f32 v10, v11;
	v19 =	vadd.s32 $0x1388, v0;
	v23 =	vld.idx.msk [tilespmem:v24+s0+$0x0], $0xffff;
	v15 =	vadd.f32 v15, v21;
	[tilespmem:s26+$0x10D88] =	vst v36;
	s26 =	smov.u32 s17;
	s17 =	smov.u32 s15;
	s15 =	smov.u32 s19  }
0x30b: {  	v1 =	vmovc v5;
	v21 =	vmul.f32 v9, v14;
	v28 =	vadd.f32 $1.000000000e+00, v28;
	v24 =	vmul.f32 v17, v31;
	v16 =	vmovc v35  }
0x30c: {  	v27 =	vmul.f32 v27, v12;
	v5 =	vmovc v4;
	v4 =	vmovc v7;
	s19 =	sshra.s32 s23, $0x2;
	v17 =	vadd.s32 $0x1F40, v0;
	(erf) = vrcp.f32 v15;
	v30 =	vld [tilespmem:s26+$0xF988]  }
0x30d: {  	v7 =	vmul.f32 v26, v12;
	v9 =	vmul.f32 v9, v13;
	v14 =	vmovc v22;
	v15 =	vld [tilespmem:s19+$0xEA88];
	v35 =	vadd.f32 v24, v28  }
0x30e: {  	v24 =	vmul.f32 v16, v14;
	v26 =	vmul.f32 v32, v33;
	v22 =	vld.idx.msk [tilespmem:v34+s0+$0x0], $0xffff;
	v34 =	vsub.f32 v21, v27  }
.Ltmp10:
0x30f: {  	v28 =	vsub.f32 v7, v9;
	v27 =	vmul.f32 v10, v33;
	v21 =	vld.idx.msk [tilespmem:v19+s0+$0x0], $0xffff;
	v9 =	vmul.f32 v35, v18;
	(pc) =	sbr.rel @p1 .LBB2_12-.Ltmp10, $4  }
0x310: {  	v12 =	vmovc v33;
	v18 =	vmul.f32 v16, v23;
	v19 =	vadd.s32 $0x2328, v0;
	v13 =	vmovc v23;
	v7 =	vld [tilespmem:s19+$0xF488];
	v31 =	vmul.f32 v34, v29  }
0x311: {  	v26 =	vsub.f32 v24, v26;
	v24 =	vmul.f32 v28, v29;
	v29 =	vmul.f32 v9, v25  }
0x312: {  	v28 =	vmul.f32 v32, v11;
	v27 =	vsub.f32 v27, v18;
	v25 =	vadd.f32 v31, v6;
	v6 =	vmovc v10  }
0x313: {  	s23 =	sadd.s32 $0x40, s23;
	v23 =	vadd.s32 $0x1770, v3;
	v24 =	vadd.f32 v24, v8;
	v8 =	vmovc v32;
	v10 =	vld [tilespmem:s19+$0xFE88];
	v18 =	vsub.f32 v29, v30  }
0x314: {  	v29 =	vadd.s32 $0x7D0, v15  }
0x315: {  	v30 =	vadd.s32 $0xBB8, v15  }
0x316: {  	v31 =	vadd.s32 $0x3E8, v15  }
0x317: {  	v32 =	vld [tilespmem:s19+$0x10388]  }
0x318: {  	v33 =	vld [tilespmem:s19+$0x10888]  }
0x319: {  	v29 =	vld.idx.msk [tilespmem:v29+s0+$0x0], $0xffff  }
0x31a: {  	v30 =	vld.idx.msk [tilespmem:v30+s0+$0x0], $0xffff  }
0x31b: {  	v31 =	vld.idx.msk [tilespmem:v31+s0+$0x0], $0xffff  }
0x31c: {  	v27 =	vadd.f32 v27, v28;
	v49 =	vld.idx.msk [tilespmem:v15+s0+$0x0], $0xffff  }
0x31d: {  	v54 =	vmul.f32 v8, v13  }
0x31e: {  	v40 =	vmul.f32 v6, v14;
	v34 =	vmul.f32 v27, v13  }
0x31f: {  	v20 =	vadd.f32 v26, v20;
	v50 =	vmul.f32 v33, v29;
	v35 =	vmul.f32 v32, v30  }
0x320: {  	v36 =	vld.idx.msk [tilespmem:v3+s20+$0x0], $0xffff;
	v37 =	vmul.f32 v10, v30;
	v38 =	vmul.f32 v33, v31  }
0x321: {  	v22 =	vadd.f32 v25, v22;
	v51 =	vmul.f32 v20, v14;
	v39 =	vmul.f32 v10, v49  }
0x322: {  	v53 =	vmul.f32 v32, v49;
	v26 =	vsub.f32 v50, v35;
	v52 =	vsub.f32 v37, v38  }
0x323: {  	v55 =	vadd.s32 $0x1770, v15;
	v11 =	vmul.f32 v16, v11;
	v25 =	vsub.f32 v34, v51  }
0x324: {  	v23 =	vld.idx.msk [tilespmem:v23+s0+$0x0], $0xffff;
	v43 =	vadd.s32 $0xFA0, v3;
	v26 =	vadd.f32 v26, v39;
	v35 =	vadd.f32 v52, v53  }
0x325: {  	v45 =	vadd.s32 $0x1388, v3;
	v48 =	vadd.s32 $0xFA0, v15;
	v25 =	vmul.f32 v25, v36;
	v38 =	vld.idx.msk [tilespmem:v15+s20+$0x0], $0xffff  }
0x326: {  	v56 =	vsub.f32 v54, v40;
	v58 =	vmul.f32 v35, v31;
	v59 =	vmul.f32 v26, v29  }
0x327: {  	v27 =	vmul.f32 v27, v12;
	v46 =	vmul.f32 v20, v12;
	v60 =	vadd.f32 v25, v16  }
0x328: {  	v11 =	vadd.f32 v11, v56;
	v28 =	vmul.f32 v33, v49;
	v62 =	vsub.f32 v58, v59  }
0x329: {  	v40 =	vld.idx.msk [tilespmem:v55+s0+$0x0], $0xffff;
	v61 =	vmul.f32 v32, v31;
	v63 =	vmul.f32 v10, v29;
	v16 =	vadd.f32 v60, v23  }
0x32a: {  	v21 =	vadd.f32 v24, v21;
	v41 =	vmul.f32 v11, v14;
	v42 =	vmul.f32 v62, v38  }
0x32b: {  	v57 =	vpop (erf);
	v11 =	vmul.f32 v11, v13;
	v25 =	vsub.f32 v61, v63;
	(erf) = vrcp.f32 v16  }
0x32c: {  	v24 =	vxor.u32 $0x80000000, v57;
	v14 =	vsub.f32 v41, v27;
	v44 =	vadd.f32 v42, v33  }
0x32d: {  	v22 =	vmul.f32 v24, v22;
	v11 =	vsub.f32 v46, v11;
	v47 =	vadd.f32 v28, v25  }
0x32e: {  	v21 =	vmul.f32 v24, v21;
	v14 =	vmul.f32 v14, v36;
	v50 =	vld.idx.msk [tilespmem:v43+s0+$0x0], $0xffff;
	v16 =	vadd.f32 v44, v40  }
0x32f: {  	v49 =	vadd.s32 $0x1388, v15;
	v11 =	vmul.f32 v11, v36;
	v52 =	vld.idx.msk [tilespmem:v45+s0+$0x0], $0xffff;
	v25 =	vmul.f32 v47, v29  }
0x330: {  	v51 =	vmul.f32 v35, v30;
	(erf) = vrcp.f32 v16  }
0x331: {  	v57 =	vadd.s32 $0x1F40, v3;
	v53 =	vmul.f32 v26, v30;
	v20 =	vmul.f32 v47, v31  }
0x332: {  	v55 =	vadd.f32 v14, v6;
	v58 =	vadd.s32 $0x2328, v3;
	v59 =	vadd.f32 v11, v8  }
0x333: {  	v54 =	vmul.f32 v22, v22;
	v13 =	vld.idx.msk [tilespmem:v48+s0+$0x0], $0xffff;
	v12 =	vsub.f32 v25, v51;
	v20 =	vsub.f32 v53, v20  }
0x334: {  	v56 =	vmul.f32 v21, v21;
	v60 =	vld.idx.msk [tilespmem:v49+s0+$0x0], $0xffff;
	v6 =	vadd.f32 v55, v50;
	v8 =	vadd.f32 v59, v52;
	v61 =	vpop (erf)  }
0x335: {  	v12 =	vmul.f32 v12, v38;
	v20 =	vmul.f32 v20, v38;
	v62 =	vxor.u32 $0x80000000, v61  }
0x336: {  	v63 =	vadd.s32 $0x1F40, v15;
	v35 =	vld.idx.msk [tilespmem:v57+s0+$0x0], $0xffff;
	v6 =	vmul.f32 v62, v6;
	v8 =	vmul.f32 v62, v8  }
0x337: {  	v30 =	vadd.s32 $0x2328, v15;
	v31 =	vadd.f32 v12, v10;
	v32 =	vadd.f32 v20, v32;
	v33 =	vld.idx.msk [tilespmem:v58+s0+$0x0], $0xffff  }
0x338: {  	v17 =	vld.idx.msk [tilespmem:v17+s0+$0x0], $0xffff;
	v36 =	vmul.f32 v6, v6;
	v37 =	vmul.f32 v8, v8  }
0x339: {  	v19 =	vld.idx.msk [tilespmem:v19+s0+$0x0], $0xffff;
	v38 =	vadd.s32 $0x1B58, v3;
	v10 =	vadd.f32 v31, v13;
	v11 =	vadd.f32 v32, v60;
	v34 =	vpop (erf)  }
0x33a: {  	v0 =	vadd.s32 $0x1B58, v0;
	v41 =	vadd.f32 v37, v36;
	v12 =	vxor.u32 $0x80000000, v34  }
0x33b: {  	v14 =	vadd.f32 v56, v54;
	v23 =	vld.idx.msk [tilespmem:v63+s0+$0x0], $0xffff;
	v10 =	vmul.f32 v12, v10;
	v11 =	vmul.f32 v12, v11  }
0x33c: {  	v43 =	vadd.s32 $0x1B58, v15;
	v42 =	vld.idx.msk [tilespmem:v30+s0+$0x0], $0xffff;
	v16 =	vmul.f32 v41, v33;
	v13 =	vmul.f32 v41, v35  }
0x33d: {  	v44 =	vmul.f32 v10, v10;
	v45 =	vmul.f32 v11, v11  }
0x33e: {  	v39 =	vmul.f32 v14, v17;
	v40 =	vmul.f32 v14, v19;
	v3 =	vld.idx.msk [tilespmem:v38+s0+$0x0], $0xffff  }
0x33f: {  	v0 =	vld.idx.msk [tilespmem:v0+s0+$0x0], $0xffff;
	v47 =	vmul.f32 v16, v41;
	v13 =	vadd.f32 $1.000000000e+00, v13;
	v46 =	vadd.f32 v45, v44  }
0x340: {  	v14 =	vmul.f32 v40, v14;
	v12 =	vadd.f32 $1.000000000e+00, v39  }
0x341: {  	v50 =	vld.idx.msk [tilespmem:v43+s0+$0x0], $0xffff;
	v13 =	vadd.f32 v47, v13;
	v49 =	vmul.f32 v46, v23;
	v20 =	vmul.f32 v46, v42  }
0x342: {  	v53 =	vld [tilespmem:s15+$0xF988];
	v12 =	vadd.f32 v14, v12  }
0x343: {  	v48 =	vld [tilespmem:s17+$0xF988];
	v3 =	vmul.f32 v13, v3;
	v51 =	vadd.f32 $1.000000000e+00, v49;
	v52 =	vmul.f32 v20, v46  }
0x344: {  	v2 =	vmul.f32 v9, v2;
	v0 =	vmul.f32 v12, v0  }
0x345: {  	v8 =	vmul.f32 v3, v8;
	v55 =	vadd.f32 v52, v51  }
0x346: {  	v1 =	vsub.f32 v2, v1;
	v56 =	vld [tilespmem:s19+$0xF988];
	v54 =	vmul.f32 v0, v21  }
0x347: {  	[tilespmem:s26+$0x11288] =	vst v18;
	v59 =	vsub.f32 v8, v53;
	v0 =	vmul.f32 v0, v22;
	v12 =	vmul.f32 v55, v50  }
0x348: {  	[tilespmem:s26+$0x10D88] =	vst v1;
	v58 =	vmul.f32 v3, v6;
	v57 =	vsub.f32 v54, v48  }
0x349: {  	[tilespmem:s15+$0x11288] =	vst v59;
	v0 =	vsub.f32 v0, v5;
	v60 =	vmul.f32 v12, v11  }
0x34a: {  	v61 =	vsub.f32 v58, v4;
	[tilespmem:s17+$0x11288] =	vst v57;
	v62 =	vmul.f32 v12, v10  }
0x34b: {  	[tilespmem:s17+$0x10D88] =	vst v0;
	s17 =	smul.u32 $0x500, s31;
	v2 =	vsub.f32 v60, v56  }
0x34c: {  	[tilespmem:s15+$0x10D88] =	vst v61;
	v63 =	vsub.f32 v62, v7  }
0x34d: {  	s26 =	sshrl.u32 s17, $0x3;
	[tilespmem:s19+$0x11288] =	vst v2  }
0x34e: {  	s23 =	simm.s32 $0x10D88;
	s15 =	sadd.s32 s29, s26;
	[tilespmem:s19+$0x10D88] =	vst v63  }
0x34f: {  	[hbm4b:s15+s8] =	stream.linear.scatter [tilespmem:s23], [sflag:$0x6], $0x500, $0x38;
	[tilespmem:$0x11788] =	vst v63  }
0x350: {  	p1 =	sgt.u32 s31, $0x230;
	s26 =	simm.s32 $0x11288;
	s15 =	sadd.s32 $0x186A0, s15  }
0x351: {  	[hbm4b:s15+s8] =	stream.linear.scatter [tilespmem:s26], [sflag:$0x6], $0x500, $0x38;
	[tilespmem:$0x11788] =	vst v63  }
0x352: {  	s15 =	sshrl.u32 @!p1 s17, $0x3  }
0x353: {  	s17 =	sadd.s32 @!p1 $0x2800, s15  }
0x354: {  	s23 =	simm.s32 @!p1 $0x0;
	s26 =	simm.s32 @!p1 $0xEA88;
	s19 =	sadd.s32 @!p1 s2, s17  }
0x355: {  	[tilespmem:s26], [sflag:$0x4] =	stream.linear.gather @!p1 [hbm4b:s19+s23], $0x500, $0x38;
	[tilespmem:$0x11788] =	vst v63  }
0x356: {  	s19 =	sadd.s32 @!p1 s3, s17;
	s26 =	simm.s32 @!p1 $0xEF88  }
0x357: {  	[tilespmem:s26], [sflag:$0x4] =	stream.linear.gather @!p1 [hbm4b:s19+s23], $0x500, $0x38;
	[tilespmem:$0x11788] =	vst v63  }
.Ltmp11:
0x358: {  	_ = 	snop;
	(pc) =	sbr.rel .LBB2_14-.Ltmp11, $4  }
0x359: {  	s15 =	sadd.s32 @!p1 s9, s15;
	s17 =	sadd.s32 @!p1 s9, s17;
	s19 =	simm.s32 @!p1 $0xF488  }
0x35a: {  	[tilespmem:s19], [sflag:$0x4] =	stream.linear.gather @!p1 [hbm4b:s17+s23], $0x500, $0x38;
	[tilespmem:$0x11788] =	vst v63  }
0x35b: {  	s15 =	sadd.s32 @!p1 $0x1AEA0, s15;
	s17 =	simm.s32 @!p1 $0xF988  }
0x35c: {  	[tilespmem:s17], [sflag:$0x4] =	stream.linear.gather @!p1 [hbm4b:s15+s23], $0x500, $0x38;
	[tilespmem:$0x11788] =	vst v63  }
.LBB2_16:
0x35d: {  	_ =	sfence.sel $0x180000  }
0x35e: {  	[bflag:$0x0] =	sbarrier.arrive $0xFFFF  }
0x35f: {  	_ =	strace $0x90000047  }
0x360: {  	s0 =	stileid.u32;
	[bflag:$0x2] =	sbarrier.arrive $0xFFFF  }
0x361: {  	p0 =	sne.s32 s0, $0x0;
	s0 =	rddreg [dreg:$0x7]  }
0x362: {  	s0 =	sadd.s32 @!p0 $0x100000, s0  }
0x363: {  	[sflag:s0] =	ssyncadd.tile.s32 @!p0 $0x1;
	_ =	shalt  }
.Lfunc_end2:
_tile_overlayer_lowered:
.L_overlay_start_2:
0x364: {  	(tag) =	ssettag $0x2  }
0x365: {  	s0 =	rddreg [dreg:$0x0];
	s2 =	stileid.u32  }
0x366: {  	s1 =	rddreg [dreg:$0x1];
	p0 =	sne.s32 s2, $0x0  }
0x367: {  	s3 =	rddreg [dreg:$0x2];
	[bflag:$0x3] =	sbarrier.arrive $0xFFFF;
	s2 =	simm.s32 @!p0 $0x1C07  }
0x368: {  	[timem:s3], [sflag:s2] =	dma.local @!p0 [hbm:s0], s1  }
0x369: {  	s0 =	simm.s32 @!p0 $0x7  }
0x36a: {  	_ =	swait.ge @!p0 [sflag:s0], s1  }
0x36b: {  	s1 =	ssub.s32 @!p0 $0x0, s1;
	[sflag:s0] =	ssyncset.done @!p0 $0x0  }
0x36c: {  	[sflag:s0] =	ssyncadd.s32 @!p0 s1  }
0x36d: {  	[bflag:$0x3] =	sbarrier.arrive $0xFFFF  }
0x36e: {  	_ =	shalt  }

</sc_bundles>
